<compile_context>
chip_gen: v7x
topology: tpu7x:2x2x1
jax: 0.10.2.dev20260603
libtpu: 0.0.44.dev20260713+nightly
codegen_flags: <defaults>
</compile_context>

<pallas_src>
import functools

import jax
import jax.numpy as jnp
from jax import lax
from jax.experimental import pallas as pl
from jax.experimental.pallas import tpu as pltpu
from jax.experimental.pallas import tpu_sc as plsc

OUT_DIM = 128
N_MONTH, N_WEEK, N_DAY = 13, 6, 32
N_COMBO = N_MONTH * N_WEEK * N_DAY

TOTAL = 1024 * 200
NC, NS = 2, 16
NW = NC * NS
PER_W = TOTAL // NW
CHUNK = 128
NCH = PER_W // CHUNK
NPAIR = NCH // 2
NBUF = 3
LEAD = 2


def _tc_prep_body(m_ref, w_ref, d_ref, mt_ref, wt_ref, dt_ref,
                  table_ref, cidx_ref):
    cidx_ref[...] = (m_ref[...] * (N_WEEK * N_DAY)
                     + w_ref[...] * N_DAY + d_ref[...])

    r = lax.broadcasted_iota(jnp.int32, (N_COMBO, N_DAY), 0)
    c = lax.broadcasted_iota(jnp.int32, (N_COMBO, N_DAY), 1)
    acc = jnp.dot((c == r % N_DAY).astype(jnp.float32), dt_ref[...],
                  preferred_element_type=jnp.float32)
    r = lax.broadcasted_iota(jnp.int32, (N_COMBO, N_WEEK), 0)
    c = lax.broadcasted_iota(jnp.int32, (N_COMBO, N_WEEK), 1)
    acc += jnp.dot((c == (r // N_DAY) % N_WEEK).astype(jnp.float32),
                   wt_ref[...], preferred_element_type=jnp.float32)
    r = lax.broadcasted_iota(jnp.int32, (N_COMBO, N_MONTH), 0)
    c = lax.broadcasted_iota(jnp.int32, (N_COMBO, N_MONTH), 1)
    acc += jnp.dot((c == r // (N_WEEK * N_DAY)).astype(jnp.float32),
                   mt_ref[...], preferred_element_type=jnp.float32)
    table_ref[...] = acc


_tc_prep = pl.pallas_call(
    _tc_prep_body,
    out_shape=[
        jax.ShapeDtypeStruct((N_COMBO, OUT_DIM), jnp.float32),
        jax.ShapeDtypeStruct((200, 1024), jnp.int32),
    ],
)


def _sc_gather_body(table_hbm, cidx_hbm, out_hbm, idx_v, tab_sp, rows,
                    gsem, ssem):
    cid = lax.axis_index("c")
    sid = lax.axis_index("s")
    wid = sid * NC + cid

    idx_cp = pltpu.async_copy(cidx_hbm.at[wid], idx_v, ssem[0])

    def gather_pair(j, b, src):
        c0 = pltpu.async_copy(src.at[idx_v.at[2 * j]],
                              rows[b].at[pl.ds(0, CHUNK)], gsem[b])
        c1 = pltpu.async_copy(src.at[idx_v.at[2 * j + 1]],
                              rows[b].at[pl.ds(CHUNK, CHUNK)], gsem[b])
        return (c0, c1)

    def scatter_pair(j, b):
        base = wid * PER_W + j * (2 * CHUNK)
        return pltpu.async_copy(rows[b], out_hbm.at[pl.ds(base, 2 * CHUNK)],
                                ssem[b])

    @pl.when(sid < N_COMBO // 192)
    def _():
        sl = pl.ds(sid * 192, 192)
        pltpu.sync_copy(table_hbm.at[sl], tab_sp.at[sl])

    idx_cp.wait()
    plsc.subcore_barrier()

    g = [None] * NBUF
    s = [None] * NBUF
    for j in range(LEAD):
        g[j % NBUF] = gather_pair(j, j % NBUF, tab_sp)
    for j in range(NPAIR):
        nj = j + LEAD
        if nj < NPAIR:
            nb = nj % NBUF
            if s[nb] is not None:
                s[nb].wait()
            g[nb] = gather_pair(nj, nb, tab_sp)
        b = j % NBUF
        g[b][0].wait()
        g[b][1].wait()
        s[b] = scatter_pair(j, b)
    for j in range(max(NPAIR - NBUF, 0), NPAIR):
        s[j % NBUF].wait()


_sc_gather = functools.partial(
    pl.kernel,
    out_type=jax.ShapeDtypeStruct((TOTAL, OUT_DIM), jnp.float32),
    mesh=plsc.VectorSubcoreMesh(core_axis_name="c", subcore_axis_name="s",
                                num_cores=NC, num_subcores=NS),
    scratch_types=[
        pltpu.VMEM((NCH, CHUNK), jnp.int32),
        pltpu.VMEM_SHARED((N_COMBO, OUT_DIM), jnp.float32),
        [pltpu.VMEM((2 * CHUNK, OUT_DIM), jnp.float32) for _ in range(NBUF)],
        [pltpu.SemaphoreType.DMA for _ in range(NBUF)],
        [pltpu.SemaphoreType.DMA for _ in range(NBUF)],
    ],
)(_sc_gather_body)


def kernel(month, weekday, day, day_table, week_table, month_table):
    m = month.astype(jnp.int32).T
    w = weekday.astype(jnp.int32).T
    d = day.astype(jnp.int32).T
    table, cidx_t = _tc_prep(m, w, d, month_table, week_table, day_table)
    cidx = lax.reshape(cidx_t, (NW, NCH, CHUNK), dimensions=(1, 0))
    out = _sc_gather(table, cidx)
    return out.reshape(month.shape + (OUT_DIM,))

# --- scband reference (transcript-rebuilt; emitter-appended) ---
"""Pipeline reference for scband-stamp-embedding-20882130993613 (READ-ONLY COPY).

The authoritative reference and input builder live on the scoring server;
editing this copy changes nothing except your own understanding.
"""

import jax, jax.numpy as jnp
import numpy as np

OUT_DIM = 128
B, L = 1024, 200

def setup_inputs(seed: int = 0) -> dict:
    key = jax.random.key(seed)
    k1, k2, k3, k4, k5, k6 = jax.random.split(key, 6)
    month = jax.random.randint(k1, (B, L), 0, 13, dtype=jnp.int64) if jax.config.jax_enable_x64 else jax.random.randint(k1, (B, L), 0, 13, dtype=jnp.int32)
    weekday = jax.random.randint(k2, (B, L), 0, 6, dtype=month.dtype)
    day = jax.random.randint(k3, (B, L), 0, 32, dtype=month.dtype)
    # learned parameters sized per init_kwargs (nn.Embedding default init ~ N(0,1))
    day_table = jax.random.normal(k4, (32, OUT_DIM), dtype=jnp.float32)
    week_table = jax.random.normal(k5, (6, OUT_DIM), dtype=jnp.float32)
    month_table = jax.random.normal(k6, (13, OUT_DIM), dtype=jnp.float32)
    return {"month": month, "weekday": weekday, "day": day,
            "day_table": day_table, "week_table": week_table, "month_table": month_table}

def reference(month, weekday, day, day_table, week_table, month_table):
    month_x = jnp.take(month_table, month, axis=0)
    week_x = jnp.take(week_table, weekday, axis=0)
    day_x = jnp.take(day_table, day, axis=0)
    return day_x + week_x + month_x

if __name__ == "__main__":
    import jax
    _d = setup_inputs()
    print(jax.jit(kernel)(*tuple(_d.values())))

</pallas_src>

<mosaic_0001>
#map = affine_map<(d0, d1) -> (0, 0)>
#map1 = affine_map<(d0, d1) -> (0, 0, 0)>
module attributes {stable_mosaic.version = 14 : i64} {
  func.func @_sc_gather_body(%arg0: i32, %arg1: i32, %arg2: memref<2496x128xf32, #tpu.memory_space<hbm>>, %arg3: memref<32x50x128xi32, #tpu.memory_space<hbm>>, %arg4: memref<204800x128xf32, #tpu.memory_space<hbm>>, %arg5: memref<50x128xi32, #tpu.memory_space<vmem>>, %arg6: memref<2496x128xf32, #tpu.memory_space<vmem_shared>>, %arg7: memref<256x128xf32, #tpu.memory_space<vmem>>, %arg8: memref<256x128xf32, #tpu.memory_space<vmem>>, %arg9: memref<256x128xf32, #tpu.memory_space<vmem>>, %arg10: memref<!tpu.dma_semaphore, #tpu.memory_space<semaphore_mem>>, %arg11: memref<!tpu.dma_semaphore, #tpu.memory_space<semaphore_mem>>, %arg12: memref<!tpu.dma_semaphore, #tpu.memory_space<semaphore_mem>>, %arg13: memref<!tpu.dma_semaphore, #tpu.memory_space<semaphore_mem>>, %arg14: memref<!tpu.dma_semaphore, #tpu.memory_space<semaphore_mem>>, %arg15: memref<!tpu.dma_semaphore, #tpu.memory_space<semaphore_mem>>) attributes {dimension_semantics = [#tpu.dimension_semantics<core_parallel>, #tpu.dimension_semantics<subcore_parallel>], iteration_bounds = array<i64: 2, 16>, scalar_prefetch = 0 : i64, scratch_operands = 11 : i64, tpu.core_type = #tpu.core_type<sc_vector_subcore>, window_params = [{transform_indices = #map}, {transform_indices = #map1}, {transform_indices = #map}]} {
    %mul3A = arith.constant 2 : i32
    %mul3A_0 = arith.muli %arg1, %mul3A : i32
    %add3A = arith.addi %mul3A_0, %arg0 : i32
    %dma_start3A = arith.constant 0 : i32
    %dma_start3A_1 = arith.constant 0 : i32
    %dma_start3A_2 = tpu.memref_slice %arg3[%add3A, %dma_start3A, %dma_start3A_1] : memref<32x50x128xi32, #tpu.memory_space<hbm>> -> memref<1x50x128xi32, #tpu.memory_space<hbm>>
    %dma_start3A_3 = tpu.memref_squeeze %dma_start3A_2 : memref<1x50x128xi32, #tpu.memory_space<hbm>> -> memref<50x128xi32, #tpu.memory_space<hbm>>
    %dma_start3A_4 = arith.constant 0 : i32
    %dma_start3A_5 = arith.constant 0 : i32
    %dma_start3A_6 = tpu.memref_slice %arg3[%add3A, %dma_start3A_4, %dma_start3A_5] : memref<32x50x128xi32, #tpu.memory_space<hbm>> -> memref<1x50x128xi32, #tpu.memory_space<hbm>>
    %dma_start3A_7 = tpu.memref_squeeze %dma_start3A_6 : memref<1x50x128xi32, #tpu.memory_space<hbm>> -> memref<50x128xi32, #tpu.memory_space<hbm>>
    tpu.enqueue_dma source(%dma_start3A_7 : memref<50x128xi32, #tpu.memory_space<hbm>>) target(%arg5 : memref<50x128xi32, #tpu.memory_space<vmem>>) target_semaphore(%arg13 : memref<!tpu.dma_semaphore, #tpu.memory_space<semaphore_mem>>)
    %lt3A = arith.constant 13 : i32
    %lt3A_8 = arith.cmpi slt, %arg1, %lt3A : i32
    %convert_element_type3A = arith.extui %lt3A_8 : i1 to i32
    %cond3A = arith.constant 0 : i32
    %cond3A_9 = arith.cmpi ne, %convert_element_type3A, %cond3A : i32
    scf.if %cond3A_9 {
      %mul3A_1317 = arith.constant 192 : i32
      %mul3A_1318 = arith.muli %arg1, %mul3A_1317 : i32
      "tpu.region"() ({
        %run_scoped3A = tpu.sem_alloc : memref<!tpu.dma_semaphore, #tpu.memory_space<semaphore_mem>>
        %dma_start3A_1319 = arith.constant 0 : i32
        %dma_start3A_1320 = tpu.memref_slice %arg6[%mul3A_1318, %dma_start3A_1319] : memref<2496x128xf32, #tpu.memory_space<vmem_shared>> -> memref<192x128xf32, #tpu.memory_space<vmem_shared>>
        %dma_start3A_1321 = arith.constant 0 : i32
        %dma_start3A_1322 = tpu.memref_slice %arg2[%mul3A_1318, %dma_start3A_1321] : memref<2496x128xf32, #tpu.memory_space<hbm>> -> memref<192x128xf32, #tpu.memory_space<hbm>>
        tpu.enqueue_dma source(%dma_start3A_1322 : memref<192x128xf32, #tpu.memory_space<hbm>>) target(%dma_start3A_1320 : memref<192x128xf32, #tpu.memory_space<vmem_shared>>) target_semaphore(%run_scoped3A : memref<!tpu.dma_semaphore, #tpu.memory_space<semaphore_mem>>)
        %dma_wait3A_1323 = arith.constant 0 : i32
        %dma_wait3A_1324 = tpu.memref_slice %arg6[%mul3A_1318, %dma_wait3A_1323] : memref<2496x128xf32, #tpu.memory_space<vmem_shared>> -> memref<192x128xf32, #tpu.memory_space<vmem_shared>>
        %dma_wait3A_1325 = arith.constant 0 : i32
        %dma_wait3A_1326 = tpu.memref_slice %arg2[%mul3A_1318, %dma_wait3A_1325] : memref<2496x128xf32, #tpu.memory_space<hbm>> -> memref<192x128xf32, #tpu.memory_space<hbm>>
        tpu.wait_dma2 semaphore(%run_scoped3A : memref<!tpu.dma_semaphore, #tpu.memory_space<semaphore_mem>>) src(%dma_wait3A_1326 : memref<192x128xf32, #tpu.memory_space<hbm>>) dst(%dma_wait3A_1324 : memref<192x128xf32, #tpu.memory_space<vmem_shared>>)
        tpu.yield
      }) : () -> ()
    } else {
    }
    %dma_wait3A = arith.constant 0 : i32
    %dma_wait3A_10 = arith.constant 0 : i32
    %dma_wait3A_11 = tpu.memref_slice %arg3[%add3A, %dma_wait3A, %dma_wait3A_10] : memref<32x50x128xi32, #tpu.memory_space<hbm>> -> memref<1x50x128xi32, #tpu.memory_space<hbm>>
    %dma_wait3A_12 = tpu.memref_squeeze %dma_wait3A_11 : memref<1x50x128xi32, #tpu.memory_space<hbm>> -> memref<50x128xi32, #tpu.memory_space<hbm>>
    %dma_wait3A_13 = arith.constant 0 : i32
    %dma_wait3A_14 = arith.constant 0 : i32
    %dma_wait3A_15 = tpu.memref_slice %arg3[%add3A, %dma_wait3A_13, %dma_wait3A_14] : memref<32x50x128xi32, #tpu.memory_space<hbm>> -> memref<1x50x128xi32, #tpu.memory_space<hbm>>
    %dma_wait3A_16 = tpu.memref_squeeze %dma_wait3A_15 : memref<1x50x128xi32, #tpu.memory_space<hbm>> -> memref<50x128xi32, #tpu.memory_space<hbm>>
    tpu.wait_dma2 semaphore(%arg13 : memref<!tpu.dma_semaphore, #tpu.memory_space<semaphore_mem>>) src(%dma_wait3A_16 : memref<50x128xi32, #tpu.memory_space<hbm>>) dst(%arg5 : memref<50x128xi32, #tpu.memory_space<vmem>>)
    %barrier3A = arith.constant 0 : index
    tpu.barrier barrier_id(%barrier3A)
    %dma_start3A_17 = arith.constant 0 : i32
    %dma_start3A_18 = arith.constant 0 : i32
    %dma_start3A_19 = arith.constant 0 : i32
    %dma_start3A_20 = tpu.memref_slice %arg7[%dma_start3A_18, %dma_start3A_19] : memref<256x128xf32, #tpu.memory_space<vmem>> -> memref<128x128xf32, #tpu.memory_space<vmem>>
    %dma_start3A_21 = arith.constant 0 : i32
    %dma_start3A_22 = tpu.memref_slice %arg5[%dma_start3A_17, %dma_start3A_21] : memref<50x128xi32, #tpu.memory_space<vmem>> -> memref<1x128xi32, #tpu.memory_space<vmem>>
    %dma_start3A_23 = tpu.memref_squeeze %dma_start3A_22 : memref<1x128xi32, #tpu.memory_space<vmem>> -> memref<128xi32, #tpu.memory_space<vmem>>
    %dma_start3A_24 = arith.constant 0 : i32
    %dma_start3A_25 = arith.constant 0 : i32
    %dma_start3A_26 = tpu.memref_slice %arg6[%dma_start3A_24, %dma_start3A_25] : memref<2496x128xf32, #tpu.memory_space<vmem_shared>> -> memref<2496x128xf32, #tpu.memory_space<vmem_shared>>
    tpu.enqueue_indirect_dma source(%dma_start3A_26 : memref<2496x128xf32, #tpu.memory_space<vmem_shared>>) target(%dma_start3A_20 : memref<128x128xf32, #tpu.memory_space<vmem>>) offsets(%dma_start3A_23 : memref<128xi32, #tpu.memory_space<vmem>>) semaphore(%arg10 : memref<!tpu.dma_semaphore, #tpu.memory_space<semaphore_mem>>)
    %dma_start3A_27 = arith.constant 1 : i32
    %dma_start3A_28 = arith.constant 128 : i32
    %dma_start3A_29 = arith.constant 0 : i32
    %dma_start3A_30 = tpu.memref_slice %arg7[%dma_start3A_28, %dma_start3A_29] : memref<256x128xf32, #tpu.memory_space<vmem>> -> memref<128x128xf32, #tpu.memory_space<vmem>>
    %dma_start3A_31 = arith.constant 0 : i32
    %dma_start3A_32 = tpu.memref_slice %arg5[%dma_start3A_27, %dma_start3A_31] : memref<50x128xi32, #tpu.memory_space<vmem>> -> memref<1x128xi32, #tpu.memory_space<vmem>>
    %dma_start3A_33 = tpu.memref_squeeze %dma_start3A_32 : memref<1x128xi32, #tpu.memory_space<vmem>> -> memref<128xi32, #tpu.memory_space<vmem>>
    %dma_start3A_34 = arith.constant 0 : i32
    %dma_start3A_35 = arith.constant 0 : i32
    %dma_start3A_36 = tpu.memref_slice %arg6[%dma_start3A_34, %dma_start3A_35] : memref<2496x128xf32, #tpu.memory_space<vmem_shared>> -> memref<2496x128xf32, #tpu.memory_space<vmem_shared>>
    tpu.enqueue_indirect_dma source(%dma_start3A_36 : memref<2496x128xf32, #tpu.memory_space<vmem_shared>>) target(%dma_start3A_30 : memref<128x128xf32, #tpu.memory_space<vmem>>) offsets(%dma_start3A_33 : memref<128xi32, #tpu.memory_space<vmem>>) semaphore(%arg10 : memref<!tpu.dma_semaphore, #tpu.memory_space<semaphore_mem>>)
    %dma_start3A_37 = arith.constant 2 : i32
    %dma_start3A_38 = arith.constant 0 : i32
    %dma_start3A_39 = arith.constant 0 : i32
    %dma_start3A_40 = tpu.memref_slice %arg8[%dma_start3A_38, %dma_start3A_39] : memref<256x128xf32, #tpu.memory_space<vmem>> -> memref<128x128xf32, #tpu.memory_space<vmem>>
    %dma_start3A_41 = arith.constant 0 : i32
    %dma_start3A_42 = tpu.memref_slice %arg5[%dma_start3A_37, %dma_start3A_41] : memref<50x128xi32, #tpu.memory_space<vmem>> -> memref<1x128xi32, #tpu.memory_space<vmem>>
    %dma_start3A_43 = tpu.memref_squeeze %dma_start3A_42 : memref<1x128xi32, #tpu.memory_space<vmem>> -> memref<128xi32, #tpu.memory_space<vmem>>
    %dma_start3A_44 = arith.constant 0 : i32
    %dma_start3A_45 = arith.constant 0 : i32
    %dma_start3A_46 = tpu.memref_slice %arg6[%dma_start3A_44, %dma_start3A_45] : memref<2496x128xf32, #tpu.memory_space<vmem_shared>> -> memref<2496x128xf32, #tpu.memory_space<vmem_shared>>
    tpu.enqueue_indirect_dma source(%dma_start3A_46 : memref<2496x128xf32, #tpu.memory_space<vmem_shared>>) target(%dma_start3A_40 : memref<128x128xf32, #tpu.memory_space<vmem>>) offsets(%dma_start3A_43 : memref<128xi32, #tpu.memory_space<vmem>>) semaphore(%arg11 : memref<!tpu.dma_semaphore, #tpu.memory_space<semaphore_mem>>)
    %dma_start3A_47 = arith.constant 3 : i32
    %dma_start3A_48 = arith.constant 128 : i32
    %dma_start3A_49 = arith.constant 0 : i32
    %dma_start3A_50 = tpu.memref_slice %arg8[%dma_start3A_48, %dma_start3A_49] : memref<256x128xf32, #tpu.memory_space<vmem>> -> memref<128x128xf32, #tpu.memory_space<vmem>>
    %dma_start3A_51 = arith.constant 0 : i32
    %dma_start3A_52 = tpu.memref_slice %arg5[%dma_start3A_47, %dma_start3A_51] : memref<50x128xi32, #tpu.memory_space<vmem>> -> memref<1x128xi32, #tpu.memory_space<vmem>>
    %dma_start3A_53 = tpu.memref_squeeze %dma_start3A_52 : memref<1x128xi32, #tpu.memory_space<vmem>> -> memref<128xi32, #tpu.memory_space<vmem>>
    %dma_start3A_54 = arith.constant 0 : i32
    %dma_start3A_55 = arith.constant 0 : i32
    %dma_start3A_56 = tpu.memref_slice %arg6[%dma_start3A_54, %dma_start3A_55] : memref<2496x128xf32, #tpu.memory_space<vmem_shared>> -> memref<2496x128xf32, #tpu.memory_space<vmem_shared>>
    tpu.enqueue_indirect_dma source(%dma_start3A_56 : memref<2496x128xf32, #tpu.memory_space<vmem_shared>>) target(%dma_start3A_50 : memref<128x128xf32, #tpu.memory_space<vmem>>) offsets(%dma_start3A_53 : memref<128xi32, #tpu.memory_space<vmem>>) semaphore(%arg11 : memref<!tpu.dma_semaphore, #tpu.memory_space<semaphore_mem>>)
    %dma_start3A_57 = arith.constant 4 : i32
    %dma_start3A_58 = arith.constant 0 : i32
    %dma_start3A_59 = arith.constant 0 : i32
    %dma_start3A_60 = tpu.memref_slice %arg9[%dma_start3A_58, %dma_start3A_59] : memref<256x128xf32, #tpu.memory_space<vmem>> -> memref<128x128xf32, #tpu.memory_space<vmem>>
    %dma_start3A_61 = arith.constant 0 : i32
    %dma_start3A_62 = tpu.memref_slice %arg5[%dma_start3A_57, %dma_start3A_61] : memref<50x128xi32, #tpu.memory_space<vmem>> -> memref<1x128xi32, #tpu.memory_space<vmem>>
    %dma_start3A_63 = tpu.memref_squeeze %dma_start3A_62 : memref<1x128xi32, #tpu.memory_space<vmem>> -> memref<128xi32, #tpu.memory_space<vmem>>
    %dma_start3A_64 = arith.constant 0 : i32
    %dma_start3A_65 = arith.constant 0 : i32
    %dma_start3A_66 = tpu.memref_slice %arg6[%dma_start3A_64, %dma_start3A_65] : memref<2496x128xf32, #tpu.memory_space<vmem_shared>> -> memref<2496x128xf32, #tpu.memory_space<vmem_shared>>
    tpu.enqueue_indirect_dma source(%dma_start3A_66 : memref<2496x128xf32, #tpu.memory_space<vmem_shared>>) target(%dma_start3A_60 : memref<128x128xf32, #tpu.memory_space<vmem>>) offsets(%dma_start3A_63 : memref<128xi32, #tpu.memory_space<vmem>>) semaphore(%arg12 : memref<!tpu.dma_semaphore, #tpu.memory_space<semaphore_mem>>)
    %dma_start3A_67 = arith.constant 5 : i32
    %dma_start3A_68 = arith.constant 128 : i32
    %dma_start3A_69 = arith.constant 0 : i32
    %dma_start3A_70 = tpu.memref_slice %arg9[%dma_start3A_68, %dma_start3A_69] : memref<256x128xf32, #tpu.memory_space<vmem>> -> memref<128x128xf32, #tpu.memory_space<vmem>>
    %dma_start3A_71 = arith.constant 0 : i32
    %dma_start3A_72 = tpu.memref_slice %arg5[%dma_start3A_67, %dma_start3A_71] : memref<50x128xi32, #tpu.memory_space<vmem>> -> memref<1x128xi32, #tpu.memory_space<vmem>>
    %dma_start3A_73 = tpu.memref_squeeze %dma_start3A_72 : memref<1x128xi32, #tpu.memory_space<vmem>> -> memref<128xi32, #tpu.memory_space<vmem>>
    %dma_start3A_74 = arith.constant 0 : i32
    %dma_start3A_75 = arith.constant 0 : i32
    %dma_start3A_76 = tpu.memref_slice %arg6[%dma_start3A_74, %dma_start3A_75] : memref<2496x128xf32, #tpu.memory_space<vmem_shared>> -> memref<2496x128xf32, #tpu.memory_space<vmem_shared>>
    tpu.enqueue_indirect_dma source(%dma_start3A_76 : memref<2496x128xf32, #tpu.memory_space<vmem_shared>>) target(%dma_start3A_70 : memref<128x128xf32, #tpu.memory_space<vmem>>) offsets(%dma_start3A_73 : memref<128xi32, #tpu.memory_space<vmem>>) semaphore(%arg12 : memref<!tpu.dma_semaphore, #tpu.memory_space<semaphore_mem>>)
    %dma_wait3A_77 = arith.constant 0 : i32
    %dma_wait3A_78 = arith.constant 0 : i32
    %dma_wait3A_79 = arith.constant 0 : i32
    %dma_wait3A_80 = tpu.memref_slice %arg7[%dma_wait3A_78, %dma_wait3A_79] : memref<256x128xf32, #tpu.memory_space<vmem>> -> memref<128x128xf32, #tpu.memory_space<vmem>>
    %dma_wait3A_81 = arith.constant 0 : i32
    %dma_wait3A_82 = tpu.memref_slice %arg5[%dma_wait3A_77, %dma_wait3A_81] : memref<50x128xi32, #tpu.memory_space<vmem>> -> memref<1x128xi32, #tpu.memory_space<vmem>>
    %dma_wait3A_83 = tpu.memref_squeeze %dma_wait3A_82 : memref<1x128xi32, #tpu.memory_space<vmem>> -> memref<128xi32, #tpu.memory_space<vmem>>
    %dma_wait3A_84 = arith.constant 0 : i32
    %dma_wait3A_85 = arith.constant 0 : i32
    %dma_wait3A_86 = tpu.memref_slice %arg6[%dma_wait3A_84, %dma_wait3A_85] : memref<2496x128xf32, #tpu.memory_space<vmem_shared>> -> memref<2496x128xf32, #tpu.memory_space<vmem_shared>>
    tpu.wait_indirect_dma semaphore(%arg10 : memref<!tpu.dma_semaphore, #tpu.memory_space<semaphore_mem>>) src(%dma_wait3A_86 : memref<2496x128xf32, #tpu.memory_space<vmem_shared>>) dst(%dma_wait3A_80 : memref<128x128xf32, #tpu.memory_space<vmem>>)
    %dma_wait3A_87 = arith.constant 1 : i32
    %dma_wait3A_88 = arith.constant 128 : i32
    %dma_wait3A_89 = arith.constant 0 : i32
    %dma_wait3A_90 = tpu.memref_slice %arg7[%dma_wait3A_88, %dma_wait3A_89] : memref<256x128xf32, #tpu.memory_space<vmem>> -> memref<128x128xf32, #tpu.memory_space<vmem>>
    %dma_wait3A_91 = arith.constant 0 : i32
    %dma_wait3A_92 = tpu.memref_slice %arg5[%dma_wait3A_87, %dma_wait3A_91] : memref<50x128xi32, #tpu.memory_space<vmem>> -> memref<1x128xi32, #tpu.memory_space<vmem>>
    %dma_wait3A_93 = tpu.memref_squeeze %dma_wait3A_92 : memref<1x128xi32, #tpu.memory_space<vmem>> -> memref<128xi32, #tpu.memory_space<vmem>>
    %dma_wait3A_94 = arith.constant 0 : i32
    %dma_wait3A_95 = arith.constant 0 : i32
    %dma_wait3A_96 = tpu.memref_slice %arg6[%dma_wait3A_94, %dma_wait3A_95] : memref<2496x128xf32, #tpu.memory_space<vmem_shared>> -> memref<2496x128xf32, #tpu.memory_space<vmem_shared>>
    tpu.wait_indirect_dma semaphore(%arg10 : memref<!tpu.dma_semaphore, #tpu.memory_space<semaphore_mem>>) src(%dma_wait3A_96 : memref<2496x128xf32, #tpu.memory_space<vmem_shared>>) dst(%dma_wait3A_90 : memref<128x128xf32, #tpu.memory_space<vmem>>)
    %mul3A_97 = arith.constant 6400 : i32
    %mul3A_98 = arith.muli %add3A, %mul3A_97 : i32
    %add3A_99 = arith.constant 0 : i32
    %add3A_100 = arith.addi %mul3A_98, %add3A_99 : i32
    %dma_start3A_101 = arith.constant 0 : i32
    %dma_start3A_102 = tpu.memref_slice %arg4[%add3A_100, %dma_start3A_101] : memref<204800x128xf32, #tpu.memory_space<hbm>> -> memref<256x128xf32, #tpu.memory_space<hbm>>
    %dma_start3A_103 = arith.constant 0 : i32
    %dma_start3A_104 = tpu.memref_slice %arg4[%add3A_100, %dma_start3A_103] : memref<204800x128xf32, #tpu.memory_space<hbm>> -> memref<256x128xf32, #tpu.memory_space<hbm>>
    tpu.enqueue_dma source(%arg7 : memref<256x128xf32, #tpu.memory_space<vmem>>) target(%dma_start3A_104 : memref<256x128xf32, #tpu.memory_space<hbm>>) target_semaphore(%arg13 : memref<!tpu.dma_semaphore, #tpu.memory_space<semaphore_mem>>)
    %dma_wait3A_105 = arith.constant 0 : i32
    %dma_wait3A_106 = tpu.memref_slice %arg4[%add3A_100, %dma_wait3A_105] : memref<204800x128xf32, #tpu.memory_space<hbm>> -> memref<256x128xf32, #tpu.memory_space<hbm>>
    %dma_wait3A_107 = arith.constant 0 : i32
    %dma_wait3A_108 = tpu.memref_slice %arg4[%add3A_100, %dma_wait3A_107] : memref<204800x128xf32, #tpu.memory_space<hbm>> -> memref<256x128xf32, #tpu.memory_space<hbm>>
    tpu.wait_dma2 semaphore(%arg13 : memref<!tpu.dma_semaphore, #tpu.memory_space<semaphore_mem>>) src(%arg7 : memref<256x128xf32, #tpu.memory_space<vmem>>) dst(%dma_wait3A_108 : memref<256x128xf32, #tpu.memory_space<hbm>>)
    %dma_start3A_109 = arith.constant 6 : i32
    %dma_start3A_110 = arith.constant 0 : i32
    %dma_start3A_111 = arith.constant 0 : i32
    %dma_start3A_112 = tpu.memref_slice %arg7[%dma_start3A_110, %dma_start3A_111] : memref<256x128xf32, #tpu.memory_space<vmem>> -> memref<128x128xf32, #tpu.memory_space<vmem>>
    %dma_start3A_113 = arith.constant 0 : i32
    %dma_start3A_114 = tpu.memref_slice %arg5[%dma_start3A_109, %dma_start3A_113] : memref<50x128xi32, #tpu.memory_space<vmem>> -> memref<1x128xi32, #tpu.memory_space<vmem>>
    %dma_start3A_115 = tpu.memref_squeeze %dma_start3A_114 : memref<1x128xi32, #tpu.memory_space<vmem>> -> memref<128xi32, #tpu.memory_space<vmem>>
    %dma_start3A_116 = arith.constant 0 : i32
    %dma_start3A_117 = arith.constant 0 : i32
    %dma_start3A_118 = tpu.memref_slice %arg6[%dma_start3A_116, %dma_start3A_117] : memref<2496x128xf32, #tpu.memory_space<vmem_shared>> -> memref<2496x128xf32, #tpu.memory_space<vmem_shared>>
    tpu.enqueue_indirect_dma source(%dma_start3A_118 : memref<2496x128xf32, #tpu.memory_space<vmem_shared>>) target(%dma_start3A_112 : memref<128x128xf32, #tpu.memory_space<vmem>>) offsets(%dma_start3A_115 : memref<128xi32, #tpu.memory_space<vmem>>) semaphore(%arg10 : memref<!tpu.dma_semaphore, #tpu.memory_space<semaphore_mem>>)
    %dma_start3A_119 = arith.constant 7 : i32
    %dma_start3A_120 = arith.constant 128 : i32
    %dma_start3A_121 = arith.constant 0 : i32
    %dma_start3A_122 = tpu.memref_slice %arg7[%dma_start3A_120, %dma_start3A_121] : memref<256x128xf32, #tpu.memory_space<vmem>> -> memref<128x128xf32, #tpu.memory_space<vmem>>
    %dma_start3A_123 = arith.constant 0 : i32
    %dma_start3A_124 = tpu.memref_slice %arg5[%dma_start3A_119, %dma_start3A_123] : memref<50x128xi32, #tpu.memory_space<vmem>> -> memref<1x128xi32, #tpu.memory_space<vmem>>
    %dma_start3A_125 = tpu.memref_squeeze %dma_start3A_124 : memref<1x128xi32, #tpu.memory_space<vmem>> -> memref<128xi32, #tpu.memory_space<vmem>>
    %dma_start3A_126 = arith.constant 0 : i32
    %dma_start3A_127 = arith.constant 0 : i32
    %dma_start3A_128 = tpu.memref_slice %arg6[%dma_start3A_126, %dma_start3A_127] : memref<2496x128xf32, #tpu.memory_space<vmem_shared>> -> memref<2496x128xf32, #tpu.memory_space<vmem_shared>>
    tpu.enqueue_indirect_dma source(%dma_start3A_128 : memref<2496x128xf32, #tpu.memory_space<vmem_shared>>) target(%dma_start3A_122 : memref<128x128xf32, #tpu.memory_space<vmem>>) offsets(%dma_start3A_125 : memref<128xi32, #tpu.memory_space<vmem>>) semaphore(%arg10 : memref<!tpu.dma_semaphore, #tpu.memory_space<semaphore_mem>>)
    %dma_wait3A_129 = arith.constant 2 : i32
    %dma_wait3A_130 = arith.constant 0 : i32
    %dma_wait3A_131 = arith.constant 0 : i32
    %dma_wait3A_132 = tpu.memref_slice %arg8[%dma_wait3A_130, %dma_wait3A_131] : memref<256x128xf32, #tpu.memory_space<vmem>> -> memref<128x128xf32, #tpu.memory_space<vmem>>
    %dma_wait3A_133 = arith.constant 0 : i32
    %dma_wait3A_134 = tpu.memref_slice %arg5[%dma_wait3A_129, %dma_wait3A_133] : memref<50x128xi32, #tpu.memory_space<vmem>> -> memref<1x128xi32, #tpu.memory_space<vmem>>
    %dma_wait3A_135 = tpu.memref_squeeze %dma_wait3A_134 : memref<1x128xi32, #tpu.memory_space<vmem>> -> memref<128xi32, #tpu.memory_space<vmem>>
    %dma_wait3A_136 = arith.constant 0 : i32
    %dma_wait3A_137 = arith.constant 0 : i32
    %dma_wait3A_138 = tpu.memref_slice %arg6[%dma_wait3A_136, %dma_wait3A_137] : memref<2496x128xf32, #tpu.memory_space<vmem_shared>> -> memref<2496x128xf32, #tpu.memory_space<vmem_shared>>
    tpu.wait_indirect_dma semaphore(%arg11 : memref<!tpu.dma_semaphore, #tpu.memory_space<semaphore_mem>>) src(%dma_wait3A_138 : memref<2496x128xf32, #tpu.memory_space<vmem_shared>>) dst(%dma_wait3A_132 : memref<128x128xf32, #tpu.memory_space<vmem>>)
    %dma_wait3A_139 = arith.constant 3 : i32
    %dma_wait3A_140 = arith.constant 128 : i32
    %dma_wait3A_141 = arith.constant 0 : i32
    %dma_wait3A_142 = tpu.memref_slice %arg8[%dma_wait3A_140, %dma_wait3A_141] : memref<256x128xf32, #tpu.memory_space<vmem>> -> memref<128x128xf32, #tpu.memory_space<vmem>>
    %dma_wait3A_143 = arith.constant 0 : i32
    %dma_wait3A_144 = tpu.memref_slice %arg5[%dma_wait3A_139, %dma_wait3A_143] : memref<50x128xi32, #tpu.memory_space<vmem>> -> memref<1x128xi32, #tpu.memory_space<vmem>>
    %dma_wait3A_145 = tpu.memref_squeeze %dma_wait3A_144 : memref<1x128xi32, #tpu.memory_space<vmem>> -> memref<128xi32, #tpu.memory_space<vmem>>
    %dma_wait3A_146 = arith.constant 0 : i32
    %dma_wait3A_147 = arith.constant 0 : i32
    %dma_wait3A_148 = tpu.memref_slice %arg6[%dma_wait3A_146, %dma_wait3A_147] : memref<2496x128xf32, #tpu.memory_space<vmem_shared>> -> memref<2496x128xf32, #tpu.memory_space<vmem_shared>>
    tpu.wait_indirect_dma semaphore(%arg11 : memref<!tpu.dma_semaphore, #tpu.memory_space<semaphore_mem>>) src(%dma_wait3A_148 : memref<2496x128xf32, #tpu.memory_space<vmem_shared>>) dst(%dma_wait3A_142 : memref<128x128xf32, #tpu.memory_space<vmem>>)
    %mul3A_149 = arith.constant 6400 : i32
    %mul3A_150 = arith.muli %add3A, %mul3A_149 : i32
    %add3A_151 = arith.constant 256 : i32
    %add3A_152 = arith.addi %mul3A_150, %add3A_151 : i32
    %dma_start3A_153 = arith.constant 0 : i32
    %dma_start3A_154 = tpu.memref_slice %arg4[%add3A_152, %dma_start3A_153] : memref<204800x128xf32, #tpu.memory_space<hbm>> -> memref<256x128xf32, #tpu.memory_space<hbm>>
    %dma_start3A_155 = arith.constant 0 : i32
    %dma_start3A_156 = tpu.memref_slice %arg4[%add3A_152, %dma_start3A_155] : memref<204800x128xf32, #tpu.memory_space<hbm>> -> memref<256x128xf32, #tpu.memory_space<hbm>>
    tpu.enqueue_dma source(%arg8 : memref<256x128xf32, #tpu.memory_space<vmem>>) target(%dma_start3A_156 : memref<256x128xf32, #tpu.memory_space<hbm>>) target_semaphore(%arg14 : memref<!tpu.dma_semaphore, #tpu.memory_space<semaphore_mem>>)
    %dma_wait3A_157 = arith.constant 0 : i32
    %dma_wait3A_158 = tpu.memref_slice %arg4[%add3A_152, %dma_wait3A_157] : memref<204800x128xf32, #tpu.memory_space<hbm>> -> memref<256x128xf32, #tpu.memory_space<hbm>>
    %dma_wait3A_159 = arith.constant 0 : i32
    %dma_wait3A_160 = tpu.memref_slice %arg4[%add3A_152, %dma_wait3A_159] : memref<204800x128xf32, #tpu.memory_space<hbm>> -> memref<256x128xf32, #tpu.memory_space<hbm>>
    tpu.wait_dma2 semaphore(%arg14 : memref<!tpu.dma_semaphore, #tpu.memory_space<semaphore_mem>>) src(%arg8 : memref<256x128xf32, #tpu.memory_space<vmem>>) dst(%dma_wait3A_160 : memref<256x128xf32, #tpu.memory_space<hbm>>)
    %dma_start3A_161 = arith.constant 8 : i32
    %dma_start3A_162 = arith.constant 0 : i32
    %dma_start3A_163 = arith.constant 0 : i32
    %dma_start3A_164 = tpu.memref_slice %arg8[%dma_start3A_162, %dma_start3A_163] : memref<256x128xf32, #tpu.memory_space<vmem>> -> memref<128x128xf32, #tpu.memory_space<vmem>>
    %dma_start3A_165 = arith.constant 0 : i32
    %dma_start3A_166 = tpu.memref_slice %arg5[%dma_start3A_161, %dma_start3A_165] : memref<50x128xi32, #tpu.memory_space<vmem>> -> memref<1x128xi32, #tpu.memory_space<vmem>>
    %dma_start3A_167 = tpu.memref_squeeze %dma_start3A_166 : memref<1x128xi32, #tpu.memory_space<vmem>> -> memref<128xi32, #tpu.memory_space<vmem>>
    %dma_start3A_168 = arith.constant 0 : i32
    %dma_start3A_169 = arith.constant 0 : i32
    %dma_start3A_170 = tpu.memref_slice %arg6[%dma_start3A_168, %dma_start3A_169] : memref<2496x128xf32, #tpu.memory_space<vmem_shared>> -> memref<2496x128xf32, #tpu.memory_space<vmem_shared>>
    tpu.enqueue_indirect_dma source(%dma_start3A_170 : memref<2496x128xf32, #tpu.memory_space<vmem_shared>>) target(%dma_start3A_164 : memref<128x128xf32, #tpu.memory_space<vmem>>) offsets(%dma_start3A_167 : memref<128xi32, #tpu.memory_space<vmem>>) semaphore(%arg11 : memref<!tpu.dma_semaphore, #tpu.memory_space<semaphore_mem>>)
    %dma_start3A_171 = arith.constant 9 : i32
    %dma_start3A_172 = arith.constant 128 : i32
    %dma_start3A_173 = arith.constant 0 : i32
    %dma_start3A_174 = tpu.memref_slice %arg8[%dma_start3A_172, %dma_start3A_173] : memref<256x128xf32, #tpu.memory_space<vmem>> -> memref<128x128xf32, #tpu.memory_space<vmem>>
    %dma_start3A_175 = arith.constant 0 : i32
    %dma_start3A_176 = tpu.memref_slice %arg5[%dma_start3A_171, %dma_start3A_175] : memref<50x128xi32, #tpu.memory_space<vmem>> -> memref<1x128xi32, #tpu.memory_space<vmem>>
    %dma_start3A_177 = tpu.memref_squeeze %dma_start3A_176 : memref<1x128xi32, #tpu.memory_space<vmem>> -> memref<128xi32, #tpu.memory_space<vmem>>
    %dma_start3A_178 = arith.constant 0 : i32
    %dma_start3A_179 = arith.constant 0 : i32
    %dma_start3A_180 = tpu.memref_slice %arg6[%dma_start3A_178, %dma_start3A_179] : memref<2496x128xf32, #tpu.memory_space<vmem_shared>> -> memref<2496x128xf32, #tpu.memory_space<vmem_shared>>
    tpu.enqueue_indirect_dma source(%dma_start3A_180 : memref<2496x128xf32, #tpu.memory_space<vmem_shared>>) target(%dma_start3A_174 : memref<128x128xf32, #tpu.memory_space<vmem>>) offsets(%dma_start3A_177 : memref<128xi32, #tpu.memory_space<vmem>>) semaphore(%arg11 : memref<!tpu.dma_semaphore, #tpu.memory_space<semaphore_mem>>)
    %dma_wait3A_181 = arith.constant 4 : i32
    %dma_wait3A_182 = arith.constant 0 : i32
    %dma_wait3A_183 = arith.constant 0 : i32
    %dma_wait3A_184 = tpu.memref_slice %arg9[%dma_wait3A_182, %dma_wait3A_183] : memref<256x128xf32, #tpu.memory_space<vmem>> -> memref<128x128xf32, #tpu.memory_space<vmem>>
    %dma_wait3A_185 = arith.constant 0 : i32
    %dma_wait3A_186 = tpu.memref_slice %arg5[%dma_wait3A_181, %dma_wait3A_185] : memref<50x128xi32, #tpu.memory_space<vmem>> -> memref<1x128xi32, #tpu.memory_space<vmem>>
    %dma_wait3A_187 = tpu.memref_squeeze %dma_wait3A_186 : memref<1x128xi32, #tpu.memory_space<vmem>> -> memref<128xi32, #tpu.memory_space<vmem>>
    %dma_wait3A_188 = arith.constant 0 : i32
    %dma_wait3A_189 = arith.constant 0 : i32
    %dma_wait3A_190 = tpu.memref_slice %arg6[%dma_wait3A_188, %dma_wait3A_189] : memref<2496x128xf32, #tpu.memory_space<vmem_shared>> -> memref<2496x128xf32, #tpu.memory_space<vmem_shared>>
    tpu.wait_indirect_dma semaphore(%arg12 : memref<!tpu.dma_semaphore, #tpu.memory_space<semaphore_mem>>) src(%dma_wait3A_190 : memref<2496x128xf32, #tpu.memory_space<vmem_shared>>) dst(%dma_wait3A_184 : memref<128x128xf32, #tpu.memory_space<vmem>>)
    %dma_wait3A_191 = arith.constant 5 : i32
    %dma_wait3A_192 = arith.constant 128 : i32
    %dma_wait3A_193 = arith.constant 0 : i32
    %dma_wait3A_194 = tpu.memref_slice %arg9[%dma_wait3A_192, %dma_wait3A_193] : memref<256x128xf32, #tpu.memory_space<vmem>> -> memref<128x128xf32, #tpu.memory_space<vmem>>
    %dma_wait3A_195 = arith.constant 0 : i32
    %dma_wait3A_196 = tpu.memref_slice %arg5[%dma_wait3A_191, %dma_wait3A_195] : memref<50x128xi32, #tpu.memory_space<vmem>> -> memref<1x128xi32, #tpu.memory_space<vmem>>
    %dma_wait3A_197 = tpu.memref_squeeze %dma_wait3A_196 : memref<1x128xi32, #tpu.memory_space<vmem>> -> memref<128xi32, #tpu.memory_space<vmem>>
    %dma_wait3A_198 = arith.constant 0 : i32
    %dma_wait3A_199 = arith.constant 0 : i32
    %dma_wait3A_200 = tpu.memref_slice %arg6[%dma_wait3A_198, %dma_wait3A_199] : memref<2496x128xf32, #tpu.memory_space<vmem_shared>> -> memref<2496x128xf32, #tpu.memory_space<vmem_shared>>
    tpu.wait_indirect_dma semaphore(%arg12 : memref<!tpu.dma_semaphore, #tpu.memory_space<semaphore_mem>>) src(%dma_wait3A_200 : memref<2496x128xf32, #tpu.memory_space<vmem_shared>>) dst(%dma_wait3A_194 : memref<128x128xf32, #tpu.memory_space<vmem>>)
    %mul3A_201 = arith.constant 6400 : i32
    %mul3A_202 = arith.muli %add3A, %mul3A_201 : i32
    %add3A_203 = arith.constant 512 : i32
    %add3A_204 = arith.addi %mul3A_202, %add3A_203 : i32
    %dma_start3A_205 = arith.constant 0 : i32
    %dma_start3A_206 = tpu.memref_slice %arg4[%add3A_204, %dma_start3A_205] : memref<204800x128xf32, #tpu.memory_space<hbm>> -> memref<256x128xf32, #tpu.memory_space<hbm>>
    %dma_start3A_207 = arith.constant 0 : i32
    %dma_start3A_208 = tpu.memref_slice %arg4[%add3A_204, %dma_start3A_207] : memref<204800x128xf32, #tpu.memory_space<hbm>> -> memref<256x128xf32, #tpu.memory_space<hbm>>
    tpu.enqueue_dma source(%arg9 : memref<256x128xf32, #tpu.memory_space<vmem>>) target(%dma_start3A_208 : memref<256x128xf32, #tpu.memory_space<hbm>>) target_semaphore(%arg15 : memref<!tpu.dma_semaphore, #tpu.memory_space<semaphore_mem>>)
    %dma_wait3A_209 = arith.constant 0 : i32
    %dma_wait3A_210 = tpu.memref_slice %arg4[%add3A_204, %dma_wait3A_209] : memref<204800x128xf32, #tpu.memory_space<hbm>> -> memref<256x128xf32, #tpu.memory_space<hbm>>
    %dma_wait3A_211 = arith.constant 0 : i32
    %dma_wait3A_212 = tpu.memref_slice %arg4[%add3A_204, %dma_wait3A_211] : memref<204800x128xf32, #tpu.memory_space<hbm>> -> memref<256x128xf32, #tpu.memory_space<hbm>>
    tpu.wait_dma2 semaphore(%arg15 : memref<!tpu.dma_semaphore, #tpu.memory_space<semaphore_mem>>) src(%arg9 : memref<256x128xf32, #tpu.memory_space<vmem>>) dst(%dma_wait3A_212 : memref<256x128xf32, #tpu.memory_space<hbm>>)
    %dma_start3A_213 = arith.constant 10 : i32
    %dma_start3A_214 = arith.constant 0 : i32
    %dma_start3A_215 = arith.constant 0 : i32
    %dma_start3A_216 = tpu.memref_slice %arg9[%dma_start3A_214, %dma_start3A_215] : memref<256x128xf32, #tpu.memory_space<vmem>> -> memref<128x128xf32, #tpu.memory_space<vmem>>
    %dma_start3A_217 = arith.constant 0 : i32
    %dma_start3A_218 = tpu.memref_slice %arg5[%dma_start3A_213, %dma_start3A_217] : memref<50x128xi32, #tpu.memory_space<vmem>> -> memref<1x128xi32, #tpu.memory_space<vmem>>
    %dma_start3A_219 = tpu.memref_squeeze %dma_start3A_218 : memref<1x128xi32, #tpu.memory_space<vmem>> -> memref<128xi32, #tpu.memory_space<vmem>>
    %dma_start3A_220 = arith.constant 0 : i32
    %dma_start3A_221 = arith.constant 0 : i32
    %dma_start3A_222 = tpu.memref_slice %arg6[%dma_start3A_220, %dma_start3A_221] : memref<2496x128xf32, #tpu.memory_space<vmem_shared>> -> memref<2496x128xf32, #tpu.memory_space<vmem_shared>>
    tpu.enqueue_indirect_dma source(%dma_start3A_222 : memref<2496x128xf32, #tpu.memory_space<vmem_shared>>) target(%dma_start3A_216 : memref<128x128xf32, #tpu.memory_space<vmem>>) offsets(%dma_start3A_219 : memref<128xi32, #tpu.memory_space<vmem>>) semaphore(%arg12 : memref<!tpu.dma_semaphore, #tpu.memory_space<semaphore_mem>>)
    %dma_start3A_223 = arith.constant 11 : i32
    %dma_start3A_224 = arith.constant 128 : i32
    %dma_start3A_225 = arith.constant 0 : i32
    %dma_start3A_226 = tpu.memref_slice %arg9[%dma_start3A_224, %dma_start3A_225] : memref<256x128xf32, #tpu.memory_space<vmem>> -> memref<128x128xf32, #tpu.memory_space<vmem>>
    %dma_start3A_227 = arith.constant 0 : i32
    %dma_start3A_228 = tpu.memref_slice %arg5[%dma_start3A_223, %dma_start3A_227] : memref<50x128xi32, #tpu.memory_space<vmem>> -> memref<1x128xi32, #tpu.memory_space<vmem>>
    %dma_start3A_229 = tpu.memref_squeeze %dma_start3A_228 : memref<1x128xi32, #tpu.memory_space<vmem>> -> memref<128xi32, #tpu.memory_space<vmem>>
    %dma_start3A_230 = arith.constant 0 : i32
    %dma_start3A_231 = arith.constant 0 : i32
    %dma_start3A_232 = tpu.memref_slice %arg6[%dma_start3A_230, %dma_start3A_231] : memref<2496x128xf32, #tpu.memory_space<vmem_shared>> -> memref<2496x128xf32, #tpu.memory_space<vmem_shared>>
    tpu.enqueue_indirect_dma source(%dma_start3A_232 : memref<2496x128xf32, #tpu.memory_space<vmem_shared>>) target(%dma_start3A_226 : memref<128x128xf32, #tpu.memory_space<vmem>>) offsets(%dma_start3A_229 : memref<128xi32, #tpu.memory_space<vmem>>) semaphore(%arg12 : memref<!tpu.dma_semaphore, #tpu.memory_space<semaphore_mem>>)
    %dma_wait3A_233 = arith.constant 6 : i32
    %dma_wait3A_234 = arith.constant 0 : i32
    %dma_wait3A_235 = arith.constant 0 : i32
    %dma_wait3A_236 = tpu.memref_slice %arg7[%dma_wait3A_234, %dma_wait3A_235] : memref<256x128xf32, #tpu.memory_space<vmem>> -> memref<128x128xf32, #tpu.memory_space<vmem>>
    %dma_wait3A_237 = arith.constant 0 : i32
    %dma_wait3A_238 = tpu.memref_slice %arg5[%dma_wait3A_233, %dma_wait3A_237] : memref<50x128xi32, #tpu.memory_space<vmem>> -> memref<1x128xi32, #tpu.memory_space<vmem>>
    %dma_wait3A_239 = tpu.memref_squeeze %dma_wait3A_238 : memref<1x128xi32, #tpu.memory_space<vmem>> -> memref<128xi32, #tpu.memory_space<vmem>>
    %dma_wait3A_240 = arith.constant 0 : i32
    %dma_wait3A_241 = arith.constant 0 : i32
    %dma_wait3A_242 = tpu.memref_slice %arg6[%dma_wait3A_240, %dma_wait3A_241] : memref<2496x128xf32, #tpu.memory_space<vmem_shared>> -> memref<2496x128xf32, #tpu.memory_space<vmem_shared>>
    tpu.wait_indirect_dma semaphore(%arg10 : memref<!tpu.dma_semaphore, #tpu.memory_space<semaphore_mem>>) src(%dma_wait3A_242 : memref<2496x128xf32, #tpu.memory_space<vmem_shared>>) dst(%dma_wait3A_236 : memref<128x128xf32, #tpu.memory_space<vmem>>)
    %dma_wait3A_243 = arith.constant 7 : i32
    %dma_wait3A_244 = arith.constant 128 : i32
    %dma_wait3A_245 = arith.constant 0 : i32
    %dma_wait3A_246 = tpu.memref_slice %arg7[%dma_wait3A_244, %dma_wait3A_245] : memref<256x128xf32, #tpu.memory_space<vmem>> -> memref<128x128xf32, #tpu.memory_space<vmem>>
    %dma_wait3A_247 = arith.constant 0 : i32
    %dma_wait3A_248 = tpu.memref_slice %arg5[%dma_wait3A_243, %dma_wait3A_247] : memref<50x128xi32, #tpu.memory_space<vmem>> -> memref<1x128xi32, #tpu.memory_space<vmem>>
    %dma_wait3A_249 = tpu.memref_squeeze %dma_wait3A_248 : memref<1x128xi32, #tpu.memory_space<vmem>> -> memref<128xi32, #tpu.memory_space<vmem>>
    %dma_wait3A_250 = arith.constant 0 : i32
    %dma_wait3A_251 = arith.constant 0 : i32
    %dma_wait3A_252 = tpu.memref_slice %arg6[%dma_wait3A_250, %dma_wait3A_251] : memref<2496x128xf32, #tpu.memory_space<vmem_shared>> -> memref<2496x128xf32, #tpu.memory_space<vmem_shared>>
    tpu.wait_indirect_dma semaphore(%arg10 : memref<!tpu.dma_semaphore, #tpu.memory_space<semaphore_mem>>) src(%dma_wait3A_252 : memref<2496x128xf32, #tpu.memory_space<vmem_shared>>) dst(%dma_wait3A_246 : memref<128x128xf32, #tpu.memory_space<vmem>>)
    %mul3A_253 = arith.constant 6400 : i32
    %mul3A_254 = arith.muli %add3A, %mul3A_253 : i32
    %add3A_255 = arith.constant 768 : i32
    %add3A_256 = arith.addi %mul3A_254, %add3A_255 : i32
    %dma_start3A_257 = arith.constant 0 : i32
    %dma_start3A_258 = tpu.memref_slice %arg4[%add3A_256, %dma_start3A_257] : memref<204800x128xf32, #tpu.memory_space<hbm>> -> memref<256x128xf32, #tpu.memory_space<hbm>>
    %dma_start3A_259 = arith.constant 0 : i32
    %dma_start3A_260 = tpu.memref_slice %arg4[%add3A_256, %dma_start3A_259] : memref<204800x128xf32, #tpu.memory_space<hbm>> -> memref<256x128xf32, #tpu.memory_space<hbm>>
    tpu.enqueue_dma source(%arg7 : memref<256x128xf32, #tpu.memory_space<vmem>>) target(%dma_start3A_260 : memref<256x128xf32, #tpu.memory_space<hbm>>) target_semaphore(%arg13 : memref<!tpu.dma_semaphore, #tpu.memory_space<semaphore_mem>>)
    %dma_wait3A_261 = arith.constant 0 : i32
    %dma_wait3A_262 = tpu.memref_slice %arg4[%add3A_256, %dma_wait3A_261] : memref<204800x128xf32, #tpu.memory_space<hbm>> -> memref<256x128xf32, #tpu.memory_space<hbm>>
    %dma_wait3A_263 = arith.constant 0 : i32
    %dma_wait3A_264 = tpu.memref_slice %arg4[%add3A_256, %dma_wait3A_263] : memref<204800x128xf32, #tpu.memory_space<hbm>> -> memref<256x128xf32, #tpu.memory_space<hbm>>
    tpu.wait_dma2 semaphore(%arg13 : memref<!tpu.dma_semaphore, #tpu.memory_space<semaphore_mem>>) src(%arg7 : memref<256x128xf32, #tpu.memory_space<vmem>>) dst(%dma_wait3A_264 : memref<256x128xf32, #tpu.memory_space<hbm>>)
    %dma_start3A_265 = arith.constant 12 : i32
    %dma_start3A_266 = arith.constant 0 : i32
    %dma_start3A_267 = arith.constant 0 : i32
    %dma_start3A_268 = tpu.memref_slice %arg7[%dma_start3A_266, %dma_start3A_267] : memref<256x128xf32, #tpu.memory_space<vmem>> -> memref<128x128xf32, #tpu.memory_space<vmem>>
    %dma_start3A_269 = arith.constant 0 : i32
    %dma_start3A_270 = tpu.memref_slice %arg5[%dma_start3A_265, %dma_start3A_269] : memref<50x128xi32, #tpu.memory_space<vmem>> -> memref<1x128xi32, #tpu.memory_space<vmem>>
    %dma_start3A_271 = tpu.memref_squeeze %dma_start3A_270 : memref<1x128xi32, #tpu.memory_space<vmem>> -> memref<128xi32, #tpu.memory_space<vmem>>
    %dma_start3A_272 = arith.constant 0 : i32
    %dma_start3A_273 = arith.constant 0 : i32
    %dma_start3A_274 = tpu.memref_slice %arg6[%dma_start3A_272, %dma_start3A_273] : memref<2496x128xf32, #tpu.memory_space<vmem_shared>> -> memref<2496x128xf32, #tpu.memory_space<vmem_shared>>
    tpu.enqueue_indirect_dma source(%dma_start3A_274 : memref<2496x128xf32, #tpu.memory_space<vmem_shared>>) target(%dma_start3A_268 : memref<128x128xf32, #tpu.memory_space<vmem>>) offsets(%dma_start3A_271 : memref<128xi32, #tpu.memory_space<vmem>>) semaphore(%arg10 : memref<!tpu.dma_semaphore, #tpu.memory_space<semaphore_mem>>)
    %dma_start3A_275 = arith.constant 13 : i32
    %dma_start3A_276 = arith.constant 128 : i32
    %dma_start3A_277 = arith.constant 0 : i32
    %dma_start3A_278 = tpu.memref_slice %arg7[%dma_start3A_276, %dma_start3A_277] : memref<256x128xf32, #tpu.memory_space<vmem>> -> memref<128x128xf32, #tpu.memory_space<vmem>>
    %dma_start3A_279 = arith.constant 0 : i32
    %dma_start3A_280 = tpu.memref_slice %arg5[%dma_start3A_275, %dma_start3A_279] : memref<50x128xi32, #tpu.memory_space<vmem>> -> memref<1x128xi32, #tpu.memory_space<vmem>>
    %dma_start3A_281 = tpu.memref_squeeze %dma_start3A_280 : memref<1x128xi32, #tpu.memory_space<vmem>> -> memref<128xi32, #tpu.memory_space<vmem>>
    %dma_start3A_282 = arith.constant 0 : i32
    %dma_start3A_283 = arith.constant 0 : i32
    %dma_start3A_284 = tpu.memref_slice %arg6[%dma_start3A_282, %dma_start3A_283] : memref<2496x128xf32, #tpu.memory_space<vmem_shared>> -> memref<2496x128xf32, #tpu.memory_space<vmem_shared>>
    tpu.enqueue_indirect_dma source(%dma_start3A_284 : memref<2496x128xf32, #tpu.memory_space<vmem_shared>>) target(%dma_start3A_278 : memref<128x128xf32, #tpu.memory_space<vmem>>) offsets(%dma_start3A_281 : memref<128xi32, #tpu.memory_space<vmem>>) semaphore(%arg10 : memref<!tpu.dma_semaphore, #tpu.memory_space<semaphore_mem>>)
    %dma_wait3A_285 = arith.constant 8 : i32
    %dma_wait3A_286 = arith.constant 0 : i32
    %dma_wait3A_287 = arith.constant 0 : i32
    %dma_wait3A_288 = tpu.memref_slice %arg8[%dma_wait3A_286, %dma_wait3A_287] : memref<256x128xf32, #tpu.memory_space<vmem>> -> memref<128x128xf32, #tpu.memory_space<vmem>>
    %dma_wait3A_289 = arith.constant 0 : i32
    %dma_wait3A_290 = tpu.memref_slice %arg5[%dma_wait3A_285, %dma_wait3A_289] : memref<50x128xi32, #tpu.memory_space<vmem>> -> memref<1x128xi32, #tpu.memory_space<vmem>>
    %dma_wait3A_291 = tpu.memref_squeeze %dma_wait3A_290 : memref<1x128xi32, #tpu.memory_space<vmem>> -> memref<128xi32, #tpu.memory_space<vmem>>
    %dma_wait3A_292 = arith.constant 0 : i32
    %dma_wait3A_293 = arith.constant 0 : i32
    %dma_wait3A_294 = tpu.memref_slice %arg6[%dma_wait3A_292, %dma_wait3A_293] : memref<2496x128xf32, #tpu.memory_space<vmem_shared>> -> memref<2496x128xf32, #tpu.memory_space<vmem_shared>>
    tpu.wait_indirect_dma semaphore(%arg11 : memref<!tpu.dma_semaphore, #tpu.memory_space<semaphore_mem>>) src(%dma_wait3A_294 : memref<2496x128xf32, #tpu.memory_space<vmem_shared>>) dst(%dma_wait3A_288 : memref<128x128xf32, #tpu.memory_space<vmem>>)
    %dma_wait3A_295 = arith.constant 9 : i32
    %dma_wait3A_296 = arith.constant 128 : i32
    %dma_wait3A_297 = arith.constant 0 : i32
    %dma_wait3A_298 = tpu.memref_slice %arg8[%dma_wait3A_296, %dma_wait3A_297] : memref<256x128xf32, #tpu.memory_space<vmem>> -> memref<128x128xf32, #tpu.memory_space<vmem>>
    %dma_wait3A_299 = arith.constant 0 : i32
    %dma_wait3A_300 = tpu.memref_slice %arg5[%dma_wait3A_295, %dma_wait3A_299] : memref<50x128xi32, #tpu.memory_space<vmem>> -> memref<1x128xi32, #tpu.memory_space<vmem>>
    %dma_wait3A_301 = tpu.memref_squeeze %dma_wait3A_300 : memref<1x128xi32, #tpu.memory_space<vmem>> -> memref<128xi32, #tpu.memory_space<vmem>>
    %dma_wait3A_302 = arith.constant 0 : i32
    %dma_wait3A_303 = arith.constant 0 : i32
    %dma_wait3A_304 = tpu.memref_slice %arg6[%dma_wait3A_302, %dma_wait3A_303] : memref<2496x128xf32, #tpu.memory_space<vmem_shared>> -> memref<2496x128xf32, #tpu.memory_space<vmem_shared>>
    tpu.wait_indirect_dma semaphore(%arg11 : memref<!tpu.dma_semaphore, #tpu.memory_space<semaphore_mem>>) src(%dma_wait3A_304 : memref<2496x128xf32, #tpu.memory_space<vmem_shared>>) dst(%dma_wait3A_298 : memref<128x128xf32, #tpu.memory_space<vmem>>)
    %mul3A_305 = arith.constant 6400 : i32
    %mul3A_306 = arith.muli %add3A, %mul3A_305 : i32
    %add3A_307 = arith.constant 1024 : i32
    %add3A_308 = arith.addi %mul3A_306, %add3A_307 : i32
    %dma_start3A_309 = arith.constant 0 : i32
    %dma_start3A_310 = tpu.memref_slice %arg4[%add3A_308, %dma_start3A_309] : memref<204800x128xf32, #tpu.memory_space<hbm>> -> memref<256x128xf32, #tpu.memory_space<hbm>>
    %dma_start3A_311 = arith.constant 0 : i32
    %dma_start3A_312 = tpu.memref_slice %arg4[%add3A_308, %dma_start3A_311] : memref<204800x128xf32, #tpu.memory_space<hbm>> -> memref<256x128xf32, #tpu.memory_space<hbm>>
    tpu.enqueue_dma source(%arg8 : memref<256x128xf32, #tpu.memory_space<vmem>>) target(%dma_start3A_312 : memref<256x128xf32, #tpu.memory_space<hbm>>) target_semaphore(%arg14 : memref<!tpu.dma_semaphore, #tpu.memory_space<semaphore_mem>>)
    %dma_wait3A_313 = arith.constant 0 : i32
    %dma_wait3A_314 = tpu.memref_slice %arg4[%add3A_308, %dma_wait3A_313] : memref<204800x128xf32, #tpu.memory_space<hbm>> -> memref<256x128xf32, #tpu.memory_space<hbm>>
    %dma_wait3A_315 = arith.constant 0 : i32
    %dma_wait3A_316 = tpu.memref_slice %arg4[%add3A_308, %dma_wait3A_315] : memref<204800x128xf32, #tpu.memory_space<hbm>> -> memref<256x128xf32, #tpu.memory_space<hbm>>
    tpu.wait_dma2 semaphore(%arg14 : memref<!tpu.dma_semaphore, #tpu.memory_space<semaphore_mem>>) src(%arg8 : memref<256x128xf32, #tpu.memory_space<vmem>>) dst(%dma_wait3A_316 : memref<256x128xf32, #tpu.memory_space<hbm>>)
    %dma_start3A_317 = arith.constant 14 : i32
    %dma_start3A_318 = arith.constant 0 : i32
    %dma_start3A_319 = arith.constant 0 : i32
    %dma_start3A_320 = tpu.memref_slice %arg8[%dma_start3A_318, %dma_start3A_319] : memref<256x128xf32, #tpu.memory_space<vmem>> -> memref<128x128xf32, #tpu.memory_space<vmem>>
    %dma_start3A_321 = arith.constant 0 : i32
    %dma_start3A_322 = tpu.memref_slice %arg5[%dma_start3A_317, %dma_start3A_321] : memref<50x128xi32, #tpu.memory_space<vmem>> -> memref<1x128xi32, #tpu.memory_space<vmem>>
    %dma_start3A_323 = tpu.memref_squeeze %dma_start3A_322 : memref<1x128xi32, #tpu.memory_space<vmem>> -> memref<128xi32, #tpu.memory_space<vmem>>
    %dma_start3A_324 = arith.constant 0 : i32
    %dma_start3A_325 = arith.constant 0 : i32
    %dma_start3A_326 = tpu.memref_slice %arg6[%dma_start3A_324, %dma_start3A_325] : memref<2496x128xf32, #tpu.memory_space<vmem_shared>> -> memref<2496x128xf32, #tpu.memory_space<vmem_shared>>
    tpu.enqueue_indirect_dma source(%dma_start3A_326 : memref<2496x128xf32, #tpu.memory_space<vmem_shared>>) target(%dma_start3A_320 : memref<128x128xf32, #tpu.memory_space<vmem>>) offsets(%dma_start3A_323 : memref<128xi32, #tpu.memory_space<vmem>>) semaphore(%arg11 : memref<!tpu.dma_semaphore, #tpu.memory_space<semaphore_mem>>)
    %dma_start3A_327 = arith.constant 15 : i32
    %dma_start3A_328 = arith.constant 128 : i32
    %dma_start3A_329 = arith.constant 0 : i32
    %dma_start3A_330 = tpu.memref_slice %arg8[%dma_start3A_328, %dma_start3A_329] : memref<256x128xf32, #tpu.memory_space<vmem>> -> memref<128x128xf32, #tpu.memory_space<vmem>>
    %dma_start3A_331 = arith.constant 0 : i32
    %dma_start3A_332 = tpu.memref_slice %arg5[%dma_start3A_327, %dma_start3A_331] : memref<50x128xi32, #tpu.memory_space<vmem>> -> memref<1x128xi32, #tpu.memory_space<vmem>>
    %dma_start3A_333 = tpu.memref_squeeze %dma_start3A_332 : memref<1x128xi32, #tpu.memory_space<vmem>> -> memref<128xi32, #tpu.memory_space<vmem>>
    %dma_start3A_334 = arith.constant 0 : i32
    %dma_start3A_335 = arith.constant 0 : i32
    %dma_start3A_336 = tpu.memref_slice %arg6[%dma_start3A_334, %dma_start3A_335] : memref<2496x128xf32, #tpu.memory_space<vmem_shared>> -> memref<2496x128xf32, #tpu.memory_space<vmem_shared>>
    tpu.enqueue_indirect_dma source(%dma_start3A_336 : memref<2496x128xf32, #tpu.memory_space<vmem_shared>>) target(%dma_start3A_330 : memref<128x128xf32, #tpu.memory_space<vmem>>) offsets(%dma_start3A_333 : memref<128xi32, #tpu.memory_space<vmem>>) semaphore(%arg11 : memref<!tpu.dma_semaphore, #tpu.memory_space<semaphore_mem>>)
    %dma_wait3A_337 = arith.constant 10 : i32
    %dma_wait3A_338 = arith.constant 0 : i32
    %dma_wait3A_339 = arith.constant 0 : i32
    %dma_wait3A_340 = tpu.memref_slice %arg9[%dma_wait3A_338, %dma_wait3A_339] : memref<256x128xf32, #tpu.memory_space<vmem>> -> memref<128x128xf32, #tpu.memory_space<vmem>>
    %dma_wait3A_341 = arith.constant 0 : i32
    %dma_wait3A_342 = tpu.memref_slice %arg5[%dma_wait3A_337, %dma_wait3A_341] : memref<50x128xi32, #tpu.memory_space<vmem>> -> memref<1x128xi32, #tpu.memory_space<vmem>>
    %dma_wait3A_343 = tpu.memref_squeeze %dma_wait3A_342 : memref<1x128xi32, #tpu.memory_space<vmem>> -> memref<128xi32, #tpu.memory_space<vmem>>
    %dma_wait3A_344 = arith.constant 0 : i32
    %dma_wait3A_345 = arith.constant 0 : i32
    %dma_wait3A_346 = tpu.memref_slice %arg6[%dma_wait3A_344, %dma_wait3A_345] : memref<2496x128xf32, #tpu.memory_space<vmem_shared>> -> memref<2496x128xf32, #tpu.memory_space<vmem_shared>>
    tpu.wait_indirect_dma semaphore(%arg12 : memref<!tpu.dma_semaphore, #tpu.memory_space<semaphore_mem>>) src(%dma_wait3A_346 : memref<2496x128xf32, #tpu.memory_space<vmem_shared>>) dst(%dma_wait3A_340 : memref<128x128xf32, #tpu.memory_space<vmem>>)
    %dma_wait3A_347 = arith.constant 11 : i32
    %dma_wait3A_348 = arith.constant 128 : i32
    %dma_wait3A_349 = arith.constant 0 : i32
    %dma_wait3A_350 = tpu.memref_slice %arg9[%dma_wait3A_348, %dma_wait3A_349] : memref<256x128xf32, #tpu.memory_space<vmem>> -> memref<128x128xf32, #tpu.memory_space<vmem>>
    %dma_wait3A_351 = arith.constant 0 : i32
    %dma_wait3A_352 = tpu.memref_slice %arg5[%dma_wait3A_347, %dma_wait3A_351] : memref<50x128xi32, #tpu.memory_space<vmem>> -> memref<1x128xi32, #tpu.memory_space<vmem>>
    %dma_wait3A_353 = tpu.memref_squeeze %dma_wait3A_352 : memref<1x128xi32, #tpu.memory_space<vmem>> -> memref<128xi32, #tpu.memory_space<vmem>>
    %dma_wait3A_354 = arith.constant 0 : i32
    %dma_wait3A_355 = arith.constant 0 : i32
    %dma_wait3A_356 = tpu.memref_slice %arg6[%dma_wait3A_354, %dma_wait3A_355] : memref<2496x128xf32, #tpu.memory_space<vmem_shared>> -> memref<2496x128xf32, #tpu.memory_space<vmem_shared>>
    tpu.wait_indirect_dma semaphore(%arg12 : memref<!tpu.dma_semaphore, #tpu.memory_space<semaphore_mem>>) src(%dma_wait3A_356 : memref<2496x128xf32, #tpu.memory_space<vmem_shared>>) dst(%dma_wait3A_350 : memref<128x128xf32, #tpu.memory_space<vmem>>)
    %mul3A_357 = arith.constant 6400 : i32
    %mul3A_358 = arith.muli %add3A, %mul3A_357 : i32
    %add3A_359 = arith.constant 1280 : i32
    %add3A_360 = arith.addi %mul3A_358, %add3A_359 : i32
    %dma_start3A_361 = arith.constant 0 : i32
    %dma_start3A_362 = tpu.memref_slice %arg4[%add3A_360, %dma_start3A_361] : memref<204800x128xf32, #tpu.memory_space<hbm>> -> memref<256x128xf32, #tpu.memory_space<hbm>>
    %dma_start3A_363 = arith.constant 0 : i32
    %dma_start3A_364 = tpu.memref_slice %arg4[%add3A_360, %dma_start3A_363] : memref<204800x128xf32, #tpu.memory_space<hbm>> -> memref<256x128xf32, #tpu.memory_space<hbm>>
    tpu.enqueue_dma source(%arg9 : memref<256x128xf32, #tpu.memory_space<vmem>>) target(%dma_start3A_364 : memref<256x128xf32, #tpu.memory_space<hbm>>) target_semaphore(%arg15 : memref<!tpu.dma_semaphore, #tpu.memory_space<semaphore_mem>>)
    %dma_wait3A_365 = arith.constant 0 : i32
    %dma_wait3A_366 = tpu.memref_slice %arg4[%add3A_360, %dma_wait3A_365] : memref<204800x128xf32, #tpu.memory_space<hbm>> -> memref<256x128xf32, #tpu.memory_space<hbm>>
    %dma_wait3A_367 = arith.constant 0 : i32
    %dma_wait3A_368 = tpu.memref_slice %arg4[%add3A_360, %dma_wait3A_367] : memref<204800x128xf32, #tpu.memory_space<hbm>> -> memref<256x128xf32, #tpu.memory_space<hbm>>
    tpu.wait_dma2 semaphore(%arg15 : memref<!tpu.dma_semaphore, #tpu.memory_space<semaphore_mem>>) src(%arg9 : memref<256x128xf32, #tpu.memory_space<vmem>>) dst(%dma_wait3A_368 : memref<256x128xf32, #tpu.memory_space<hbm>>)
    %dma_start3A_369 = arith.constant 16 : i32
    %dma_start3A_370 = arith.constant 0 : i32
    %dma_start3A_371 = arith.constant 0 : i32
    %dma_start3A_372 = tpu.memref_slice %arg9[%dma_start3A_370, %dma_start3A_371] : memref<256x128xf32, #tpu.memory_space<vmem>> -> memref<128x128xf32, #tpu.memory_space<vmem>>
    %dma_start3A_373 = arith.constant 0 : i32
    %dma_start3A_374 = tpu.memref_slice %arg5[%dma_start3A_369, %dma_start3A_373] : memref<50x128xi32, #tpu.memory_space<vmem>> -> memref<1x128xi32, #tpu.memory_space<vmem>>
    %dma_start3A_375 = tpu.memref_squeeze %dma_start3A_374 : memref<1x128xi32, #tpu.memory_space<vmem>> -> memref<128xi32, #tpu.memory_space<vmem>>
    %dma_start3A_376 = arith.constant 0 : i32
    %dma_start3A_377 = arith.constant 0 : i32
    %dma_start3A_378 = tpu.memref_slice %arg6[%dma_start3A_376, %dma_start3A_377] : memref<2496x128xf32, #tpu.memory_space<vmem_shared>> -> memref<2496x128xf32, #tpu.memory_space<vmem_shared>>
    tpu.enqueue_indirect_dma source(%dma_start3A_378 : memref<2496x128xf32, #tpu.memory_space<vmem_shared>>) target(%dma_start3A_372 : memref<128x128xf32, #tpu.memory_space<vmem>>) offsets(%dma_start3A_375 : memref<128xi32, #tpu.memory_space<vmem>>) semaphore(%arg12 : memref<!tpu.dma_semaphore, #tpu.memory_space<semaphore_mem>>)
    %dma_start3A_379 = arith.constant 17 : i32
    %dma_start3A_380 = arith.constant 128 : i32
    %dma_start3A_381 = arith.constant 0 : i32
    %dma_start3A_382 = tpu.memref_slice %arg9[%dma_start3A_380, %dma_start3A_381] : memref<256x128xf32, #tpu.memory_space<vmem>> -> memref<128x128xf32, #tpu.memory_space<vmem>>
    %dma_start3A_383 = arith.constant 0 : i32
    %dma_start3A_384 = tpu.memref_slice %arg5[%dma_start3A_379, %dma_start3A_383] : memref<50x128xi32, #tpu.memory_space<vmem>> -> memref<1x128xi32, #tpu.memory_space<vmem>>
    %dma_start3A_385 = tpu.memref_squeeze %dma_start3A_384 : memref<1x128xi32, #tpu.memory_space<vmem>> -> memref<128xi32, #tpu.memory_space<vmem>>
    %dma_start3A_386 = arith.constant 0 : i32
    %dma_start3A_387 = arith.constant 0 : i32
    %dma_start3A_388 = tpu.memref_slice %arg6[%dma_start3A_386, %dma_start3A_387] : memref<2496x128xf32, #tpu.memory_space<vmem_shared>> -> memref<2496x128xf32, #tpu.memory_space<vmem_shared>>
    tpu.enqueue_indirect_dma source(%dma_start3A_388 : memref<2496x128xf32, #tpu.memory_space<vmem_shared>>) target(%dma_start3A_382 : memref<128x128xf32, #tpu.memory_space<vmem>>) offsets(%dma_start3A_385 : memref<128xi32, #tpu.memory_space<vmem>>) semaphore(%arg12 : memref<!tpu.dma_semaphore, #tpu.memory_space<semaphore_mem>>)
    %dma_wait3A_389 = arith.constant 12 : i32
    %dma_wait3A_390 = arith.constant 0 : i32
    %dma_wait3A_391 = arith.constant 0 : i32
    %dma_wait3A_392 = tpu.memref_slice %arg7[%dma_wait3A_390, %dma_wait3A_391] : memref<256x128xf32, #tpu.memory_space<vmem>> -> memref<128x128xf32, #tpu.memory_space<vmem>>
    %dma_wait3A_393 = arith.constant 0 : i32
    %dma_wait3A_394 = tpu.memref_slice %arg5[%dma_wait3A_389, %dma_wait3A_393] : memref<50x128xi32, #tpu.memory_space<vmem>> -> memref<1x128xi32, #tpu.memory_space<vmem>>
    %dma_wait3A_395 = tpu.memref_squeeze %dma_wait3A_394 : memref<1x128xi32, #tpu.memory_space<vmem>> -> memref<128xi32, #tpu.memory_space<vmem>>
    %dma_wait3A_396 = arith.constant 0 : i32
    %dma_wait3A_397 = arith.constant 0 : i32
    %dma_wait3A_398 = tpu.memref_slice %arg6[%dma_wait3A_396, %dma_wait3A_397] : memref<2496x128xf32, #tpu.memory_space<vmem_shared>> -> memref<2496x128xf32, #tpu.memory_space<vmem_shared>>
    tpu.wait_indirect_dma semaphore(%arg10 : memref<!tpu.dma_semaphore, #tpu.memory_space<semaphore_mem>>) src(%dma_wait3A_398 : memref<2496x128xf32, #tpu.memory_space<vmem_shared>>) dst(%dma_wait3A_392 : memref<128x128xf32, #tpu.memory_space<vmem>>)
    %dma_wait3A_399 = arith.constant 13 : i32
    %dma_wait3A_400 = arith.constant 128 : i32
    %dma_wait3A_401 = arith.constant 0 : i32
    %dma_wait3A_402 = tpu.memref_slice %arg7[%dma_wait3A_400, %dma_wait3A_401] : memref<256x128xf32, #tpu.memory_space<vmem>> -> memref<128x128xf32, #tpu.memory_space<vmem>>
    %dma_wait3A_403 = arith.constant 0 : i32
    %dma_wait3A_404 = tpu.memref_slice %arg5[%dma_wait3A_399, %dma_wait3A_403] : memref<50x128xi32, #tpu.memory_space<vmem>> -> memref<1x128xi32, #tpu.memory_space<vmem>>
    %dma_wait3A_405 = tpu.memref_squeeze %dma_wait3A_404 : memref<1x128xi32, #tpu.memory_space<vmem>> -> memref<128xi32, #tpu.memory_space<vmem>>
    %dma_wait3A_406 = arith.constant 0 : i32
    %dma_wait3A_407 = arith.constant 0 : i32
    %dma_wait3A_408 = tpu.memref_slice %arg6[%dma_wait3A_406, %dma_wait3A_407] : memref<2496x128xf32, #tpu.memory_space<vmem_shared>> -> memref<2496x128xf32, #tpu.memory_space<vmem_shared>>
    tpu.wait_indirect_dma semaphore(%arg10 : memref<!tpu.dma_semaphore, #tpu.memory_space<semaphore_mem>>) src(%dma_wait3A_408 : memref<2496x128xf32, #tpu.memory_space<vmem_shared>>) dst(%dma_wait3A_402 : memref<128x128xf32, #tpu.memory_space<vmem>>)
    %mul3A_409 = arith.constant 6400 : i32
    %mul3A_410 = arith.muli %add3A, %mul3A_409 : i32
    %add3A_411 = arith.constant 1536 : i32
    %add3A_412 = arith.addi %mul3A_410, %add3A_411 : i32
    %dma_start3A_413 = arith.constant 0 : i32
    %dma_start3A_414 = tpu.memref_slice %arg4[%add3A_412, %dma_start3A_413] : memref<204800x128xf32, #tpu.memory_space<hbm>> -> memref<256x128xf32, #tpu.memory_space<hbm>>
    %dma_start3A_415 = arith.constant 0 : i32
    %dma_start3A_416 = tpu.memref_slice %arg4[%add3A_412, %dma_start3A_415] : memref<204800x128xf32, #tpu.memory_space<hbm>> -> memref<256x128xf32, #tpu.memory_space<hbm>>
    tpu.enqueue_dma source(%arg7 : memref<256x128xf32, #tpu.memory_space<vmem>>) target(%dma_start3A_416 : memref<256x128xf32, #tpu.memory_space<hbm>>) target_semaphore(%arg13 : memref<!tpu.dma_semaphore, #tpu.memory_space<semaphore_mem>>)
    %dma_wait3A_417 = arith.constant 0 : i32
    %dma_wait3A_418 = tpu.memref_slice %arg4[%add3A_412, %dma_wait3A_417] : memref<204800x128xf32, #tpu.memory_space<hbm>> -> memref<256x128xf32, #tpu.memory_space<hbm>>
    %dma_wait3A_419 = arith.constant 0 : i32
    %dma_wait3A_420 = tpu.memref_slice %arg4[%add3A_412, %dma_wait3A_419] : memref<204800x128xf32, #tpu.memory_space<hbm>> -> memref<256x128xf32, #tpu.memory_space<hbm>>
    tpu.wait_dma2 semaphore(%arg13 : memref<!tpu.dma_semaphore, #tpu.memory_space<semaphore_mem>>) src(%arg7 : memref<256x128xf32, #tpu.memory_space<vmem>>) dst(%dma_wait3A_420 : memref<256x128xf32, #tpu.memory_space<hbm>>)
    %dma_start3A_421 = arith.constant 18 : i32
    %dma_start3A_422 = arith.constant 0 : i32
    %dma_start3A_423 = arith.constant 0 : i32
    %dma_start3A_424 = tpu.memref_slice %arg7[%dma_start3A_422, %dma_start3A_423] : memref<256x128xf32, #tpu.memory_space<vmem>> -> memref<128x128xf32, #tpu.memory_space<vmem>>
    %dma_start3A_425 = arith.constant 0 : i32
    %dma_start3A_426 = tpu.memref_slice %arg5[%dma_start3A_421, %dma_start3A_425] : memref<50x128xi32, #tpu.memory_space<vmem>> -> memref<1x128xi32, #tpu.memory_space<vmem>>
    %dma_start3A_427 = tpu.memref_squeeze %dma_start3A_426 : memref<1x128xi32, #tpu.memory_space<vmem>> -> memref<128xi32, #tpu.memory_space<vmem>>
    %dma_start3A_428 = arith.constant 0 : i32
    %dma_start3A_429 = arith.constant 0 : i32
    %dma_start3A_430 = tpu.memref_slice %arg6[%dma_start3A_428, %dma_start3A_429] : memref<2496x128xf32, #tpu.memory_space<vmem_shared>> -> memref<2496x128xf32, #tpu.memory_space<vmem_shared>>
    tpu.enqueue_indirect_dma source(%dma_start3A_430 : memref<2496x128xf32, #tpu.memory_space<vmem_shared>>) target(%dma_start3A_424 : memref<128x128xf32, #tpu.memory_space<vmem>>) offsets(%dma_start3A_427 : memref<128xi32, #tpu.memory_space<vmem>>) semaphore(%arg10 : memref<!tpu.dma_semaphore, #tpu.memory_space<semaphore_mem>>)
    %dma_start3A_431 = arith.constant 19 : i32
    %dma_start3A_432 = arith.constant 128 : i32
    %dma_start3A_433 = arith.constant 0 : i32
    %dma_start3A_434 = tpu.memref_slice %arg7[%dma_start3A_432, %dma_start3A_433] : memref<256x128xf32, #tpu.memory_space<vmem>> -> memref<128x128xf32, #tpu.memory_space<vmem>>
    %dma_start3A_435 = arith.constant 0 : i32
    %dma_start3A_436 = tpu.memref_slice %arg5[%dma_start3A_431, %dma_start3A_435] : memref<50x128xi32, #tpu.memory_space<vmem>> -> memref<1x128xi32, #tpu.memory_space<vmem>>
    %dma_start3A_437 = tpu.memref_squeeze %dma_start3A_436 : memref<1x128xi32, #tpu.memory_space<vmem>> -> memref<128xi32, #tpu.memory_space<vmem>>
    %dma_start3A_438 = arith.constant 0 : i32
    %dma_start3A_439 = arith.constant 0 : i32
    %dma_start3A_440 = tpu.memref_slice %arg6[%dma_start3A_438, %dma_start3A_439] : memref<2496x128xf32, #tpu.memory_space<vmem_shared>> -> memref<2496x128xf32, #tpu.memory_space<vmem_shared>>
    tpu.enqueue_indirect_dma source(%dma_start3A_440 : memref<2496x128xf32, #tpu.memory_space<vmem_shared>>) target(%dma_start3A_434 : memref<128x128xf32, #tpu.memory_space<vmem>>) offsets(%dma_start3A_437 : memref<128xi32, #tpu.memory_space<vmem>>) semaphore(%arg10 : memref<!tpu.dma_semaphore, #tpu.memory_space<semaphore_mem>>)
    %dma_wait3A_441 = arith.constant 14 : i32
    %dma_wait3A_442 = arith.constant 0 : i32
    %dma_wait3A_443 = arith.constant 0 : i32
    %dma_wait3A_444 = tpu.memref_slice %arg8[%dma_wait3A_442, %dma_wait3A_443] : memref<256x128xf32, #tpu.memory_space<vmem>> -> memref<128x128xf32, #tpu.memory_space<vmem>>
    %dma_wait3A_445 = arith.constant 0 : i32
    %dma_wait3A_446 = tpu.memref_slice %arg5[%dma_wait3A_441, %dma_wait3A_445] : memref<50x128xi32, #tpu.memory_space<vmem>> -> memref<1x128xi32, #tpu.memory_space<vmem>>
    %dma_wait3A_447 = tpu.memref_squeeze %dma_wait3A_446 : memref<1x128xi32, #tpu.memory_space<vmem>> -> memref<128xi32, #tpu.memory_space<vmem>>
    %dma_wait3A_448 = arith.constant 0 : i32
    %dma_wait3A_449 = arith.constant 0 : i32
    %dma_wait3A_450 = tpu.memref_slice %arg6[%dma_wait3A_448, %dma_wait3A_449] : memref<2496x128xf32, #tpu.memory_space<vmem_shared>> -> memref<2496x128xf32, #tpu.memory_space<vmem_shared>>
    tpu.wait_indirect_dma semaphore(%arg11 : memref<!tpu.dma_semaphore, #tpu.memory_space<semaphore_mem>>) src(%dma_wait3A_450 : memref<2496x128xf32, #tpu.memory_space<vmem_shared>>) dst(%dma_wait3A_444 : memref<128x128xf32, #tpu.memory_space<vmem>>)
    %dma_wait3A_451 = arith.constant 15 : i32
    %dma_wait3A_452 = arith.constant 128 : i32
    %dma_wait3A_453 = arith.constant 0 : i32
    %dma_wait3A_454 = tpu.memref_slice %arg8[%dma_wait3A_452, %dma_wait3A_453] : memref<256x128xf32, #tpu.memory_space<vmem>> -> memref<128x128xf32, #tpu.memory_space<vmem>>
    %dma_wait3A_455 = arith.constant 0 : i32
    %dma_wait3A_456 = tpu.memref_slice %arg5[%dma_wait3A_451, %dma_wait3A_455] : memref<50x128xi32, #tpu.memory_space<vmem>> -> memref<1x128xi32, #tpu.memory_space<vmem>>
    %dma_wait3A_457 = tpu.memref_squeeze %dma_wait3A_456 : memref<1x128xi32, #tpu.memory_space<vmem>> -> memref<128xi32, #tpu.memory_space<vmem>>
    %dma_wait3A_458 = arith.constant 0 : i32
    %dma_wait3A_459 = arith.constant 0 : i32
    %dma_wait3A_460 = tpu.memref_slice %arg6[%dma_wait3A_458, %dma_wait3A_459] : memref<2496x128xf32, #tpu.memory_space<vmem_shared>> -> memref<2496x128xf32, #tpu.memory_space<vmem_shared>>
    tpu.wait_indirect_dma semaphore(%arg11 : memref<!tpu.dma_semaphore, #tpu.memory_space<semaphore_mem>>) src(%dma_wait3A_460 : memref<2496x128xf32, #tpu.memory_space<vmem_shared>>) dst(%dma_wait3A_454 : memref<128x128xf32, #tpu.memory_space<vmem>>)
    %mul3A_461 = arith.constant 6400 : i32
    %mul3A_462 = arith.muli %add3A, %mul3A_461 : i32
    %add3A_463 = arith.constant 1792 : i32
    %add3A_464 = arith.addi %mul3A_462, %add3A_463 : i32
    %dma_start3A_465 = arith.constant 0 : i32
    %dma_start3A_466 = tpu.memref_slice %arg4[%add3A_464, %dma_start3A_465] : memref<204800x128xf32, #tpu.memory_space<hbm>> -> memref<256x128xf32, #tpu.memory_space<hbm>>
    %dma_start3A_467 = arith.constant 0 : i32
    %dma_start3A_468 = tpu.memref_slice %arg4[%add3A_464, %dma_start3A_467] : memref<204800x128xf32, #tpu.memory_space<hbm>> -> memref<256x128xf32, #tpu.memory_space<hbm>>
    tpu.enqueue_dma source(%arg8 : memref<256x128xf32, #tpu.memory_space<vmem>>) target(%dma_start3A_468 : memref<256x128xf32, #tpu.memory_space<hbm>>) target_semaphore(%arg14 : memref<!tpu.dma_semaphore, #tpu.memory_space<semaphore_mem>>)
    %dma_wait3A_469 = arith.constant 0 : i32
    %dma_wait3A_470 = tpu.memref_slice %arg4[%add3A_464, %dma_wait3A_469] : memref<204800x128xf32, #tpu.memory_space<hbm>> -> memref<256x128xf32, #tpu.memory_space<hbm>>
    %dma_wait3A_471 = arith.constant 0 : i32
    %dma_wait3A_472 = tpu.memref_slice %arg4[%add3A_464, %dma_wait3A_471] : memref<204800x128xf32, #tpu.memory_space<hbm>> -> memref<256x128xf32, #tpu.memory_space<hbm>>
    tpu.wait_dma2 semaphore(%arg14 : memref<!tpu.dma_semaphore, #tpu.memory_space<semaphore_mem>>) src(%arg8 : memref<256x128xf32, #tpu.memory_space<vmem>>) dst(%dma_wait3A_472 : memref<256x128xf32, #tpu.memory_space<hbm>>)
    %dma_start3A_473 = arith.constant 20 : i32
    %dma_start3A_474 = arith.constant 0 : i32
    %dma_start3A_475 = arith.constant 0 : i32
    %dma_start3A_476 = tpu.memref_slice %arg8[%dma_start3A_474, %dma_start3A_475] : memref<256x128xf32, #tpu.memory_space<vmem>> -> memref<128x128xf32, #tpu.memory_space<vmem>>
    %dma_start3A_477 = arith.constant 0 : i32
    %dma_start3A_478 = tpu.memref_slice %arg5[%dma_start3A_473, %dma_start3A_477] : memref<50x128xi32, #tpu.memory_space<vmem>> -> memref<1x128xi32, #tpu.memory_space<vmem>>
    %dma_start3A_479 = tpu.memref_squeeze %dma_start3A_478 : memref<1x128xi32, #tpu.memory_space<vmem>> -> memref<128xi32, #tpu.memory_space<vmem>>
    %dma_start3A_480 = arith.constant 0 : i32
    %dma_start3A_481 = arith.constant 0 : i32
    %dma_start3A_482 = tpu.memref_slice %arg6[%dma_start3A_480, %dma_start3A_481] : memref<2496x128xf32, #tpu.memory_space<vmem_shared>> -> memref<2496x128xf32, #tpu.memory_space<vmem_shared>>
    tpu.enqueue_indirect_dma source(%dma_start3A_482 : memref<2496x128xf32, #tpu.memory_space<vmem_shared>>) target(%dma_start3A_476 : memref<128x128xf32, #tpu.memory_space<vmem>>) offsets(%dma_start3A_479 : memref<128xi32, #tpu.memory_space<vmem>>) semaphore(%arg11 : memref<!tpu.dma_semaphore, #tpu.memory_space<semaphore_mem>>)
    %dma_start3A_483 = arith.constant 21 : i32
    %dma_start3A_484 = arith.constant 128 : i32
    %dma_start3A_485 = arith.constant 0 : i32
    %dma_start3A_486 = tpu.memref_slice %arg8[%dma_start3A_484, %dma_start3A_485] : memref<256x128xf32, #tpu.memory_space<vmem>> -> memref<128x128xf32, #tpu.memory_space<vmem>>
    %dma_start3A_487 = arith.constant 0 : i32
    %dma_start3A_488 = tpu.memref_slice %arg5[%dma_start3A_483, %dma_start3A_487] : memref<50x128xi32, #tpu.memory_space<vmem>> -> memref<1x128xi32, #tpu.memory_space<vmem>>
    %dma_start3A_489 = tpu.memref_squeeze %dma_start3A_488 : memref<1x128xi32, #tpu.memory_space<vmem>> -> memref<128xi32, #tpu.memory_space<vmem>>
    %dma_start3A_490 = arith.constant 0 : i32
    %dma_start3A_491 = arith.constant 0 : i32
    %dma_start3A_492 = tpu.memref_slice %arg6[%dma_start3A_490, %dma_start3A_491] : memref<2496x128xf32, #tpu.memory_space<vmem_shared>> -> memref<2496x128xf32, #tpu.memory_space<vmem_shared>>
    tpu.enqueue_indirect_dma source(%dma_start3A_492 : memref<2496x128xf32, #tpu.memory_space<vmem_shared>>) target(%dma_start3A_486 : memref<128x128xf32, #tpu.memory_space<vmem>>) offsets(%dma_start3A_489 : memref<128xi32, #tpu.memory_space<vmem>>) semaphore(%arg11 : memref<!tpu.dma_semaphore, #tpu.memory_space<semaphore_mem>>)
    %dma_wait3A_493 = arith.constant 16 : i32
    %dma_wait3A_494 = arith.constant 0 : i32
    %dma_wait3A_495 = arith.constant 0 : i32
    %dma_wait3A_496 = tpu.memref_slice %arg9[%dma_wait3A_494, %dma_wait3A_495] : memref<256x128xf32, #tpu.memory_space<vmem>> -> memref<128x128xf32, #tpu.memory_space<vmem>>
    %dma_wait3A_497 = arith.constant 0 : i32
    %dma_wait3A_498 = tpu.memref_slice %arg5[%dma_wait3A_493, %dma_wait3A_497] : memref<50x128xi32, #tpu.memory_space<vmem>> -> memref<1x128xi32, #tpu.memory_space<vmem>>
    %dma_wait3A_499 = tpu.memref_squeeze %dma_wait3A_498 : memref<1x128xi32, #tpu.memory_space<vmem>> -> memref<128xi32, #tpu.memory_space<vmem>>
    %dma_wait3A_500 = arith.constant 0 : i32
    %dma_wait3A_501 = arith.constant 0 : i32
    %dma_wait3A_502 = tpu.memref_slice %arg6[%dma_wait3A_500, %dma_wait3A_501] : memref<2496x128xf32, #tpu.memory_space<vmem_shared>> -> memref<2496x128xf32, #tpu.memory_space<vmem_shared>>
    tpu.wait_indirect_dma semaphore(%arg12 : memref<!tpu.dma_semaphore, #tpu.memory_space<semaphore_mem>>) src(%dma_wait3A_502 : memref<2496x128xf32, #tpu.memory_space<vmem_shared>>) dst(%dma_wait3A_496 : memref<128x128xf32, #tpu.memory_space<vmem>>)
    %dma_wait3A_503 = arith.constant 17 : i32
    %dma_wait3A_504 = arith.constant 128 : i32
    %dma_wait3A_505 = arith.constant 0 : i32
    %dma_wait3A_506 = tpu.memref_slice %arg9[%dma_wait3A_504, %dma_wait3A_505] : memref<256x128xf32, #tpu.memory_space<vmem>> -> memref<128x128xf32, #tpu.memory_space<vmem>>
    %dma_wait3A_507 = arith.constant 0 : i32
    %dma_wait3A_508 = tpu.memref_slice %arg5[%dma_wait3A_503, %dma_wait3A_507] : memref<50x128xi32, #tpu.memory_space<vmem>> -> memref<1x128xi32, #tpu.memory_space<vmem>>
    %dma_wait3A_509 = tpu.memref_squeeze %dma_wait3A_508 : memref<1x128xi32, #tpu.memory_space<vmem>> -> memref<128xi32, #tpu.memory_space<vmem>>
    %dma_wait3A_510 = arith.constant 0 : i32
    %dma_wait3A_511 = arith.constant 0 : i32
    %dma_wait3A_512 = tpu.memref_slice %arg6[%dma_wait3A_510, %dma_wait3A_511] : memref<2496x128xf32, #tpu.memory_space<vmem_shared>> -> memref<2496x128xf32, #tpu.memory_space<vmem_shared>>
    tpu.wait_indirect_dma semaphore(%arg12 : memref<!tpu.dma_semaphore, #tpu.memory_space<semaphore_mem>>) src(%dma_wait3A_512 : memref<2496x128xf32, #tpu.memory_space<vmem_shared>>) dst(%dma_wait3A_506 : memref<128x128xf32, #tpu.memory_space<vmem>>)
    %mul3A_513 = arith.constant 6400 : i32
    %mul3A_514 = arith.muli %add3A, %mul3A_513 : i32
    %add3A_515 = arith.constant 2048 : i32
    %add3A_516 = arith.addi %mul3A_514, %add3A_515 : i32
    %dma_start3A_517 = arith.constant 0 : i32
    %dma_start3A_518 = tpu.memref_slice %arg4[%add3A_516, %dma_start3A_517] : memref<204800x128xf32, #tpu.memory_space<hbm>> -> memref<256x128xf32, #tpu.memory_space<hbm>>
    %dma_start3A_519 = arith.constant 0 : i32
    %dma_start3A_520 = tpu.memref_slice %arg4[%add3A_516, %dma_start3A_519] : memref<204800x128xf32, #tpu.memory_space<hbm>> -> memref<256x128xf32, #tpu.memory_space<hbm>>
    tpu.enqueue_dma source(%arg9 : memref<256x128xf32, #tpu.memory_space<vmem>>) target(%dma_start3A_520 : memref<256x128xf32, #tpu.memory_space<hbm>>) target_semaphore(%arg15 : memref<!tpu.dma_semaphore, #tpu.memory_space<semaphore_mem>>)
    %dma_wait3A_521 = arith.constant 0 : i32
    %dma_wait3A_522 = tpu.memref_slice %arg4[%add3A_516, %dma_wait3A_521] : memref<204800x128xf32, #tpu.memory_space<hbm>> -> memref<256x128xf32, #tpu.memory_space<hbm>>
    %dma_wait3A_523 = arith.constant 0 : i32
    %dma_wait3A_524 = tpu.memref_slice %arg4[%add3A_516, %dma_wait3A_523] : memref<204800x128xf32, #tpu.memory_space<hbm>> -> memref<256x128xf32, #tpu.memory_space<hbm>>
    tpu.wait_dma2 semaphore(%arg15 : memref<!tpu.dma_semaphore, #tpu.memory_space<semaphore_mem>>) src(%arg9 : memref<256x128xf32, #tpu.memory_space<vmem>>) dst(%dma_wait3A_524 : memref<256x128xf32, #tpu.memory_space<hbm>>)
    %dma_start3A_525 = arith.constant 22 : i32
    %dma_start3A_526 = arith.constant 0 : i32
    %dma_start3A_527 = arith.constant 0 : i32
    %dma_start3A_528 = tpu.memref_slice %arg9[%dma_start3A_526, %dma_start3A_527] : memref<256x128xf32, #tpu.memory_space<vmem>> -> memref<128x128xf32, #tpu.memory_space<vmem>>
    %dma_start3A_529 = arith.constant 0 : i32
    %dma_start3A_530 = tpu.memref_slice %arg5[%dma_start3A_525, %dma_start3A_529] : memref<50x128xi32, #tpu.memory_space<vmem>> -> memref<1x128xi32, #tpu.memory_space<vmem>>
    %dma_start3A_531 = tpu.memref_squeeze %dma_start3A_530 : memref<1x128xi32, #tpu.memory_space<vmem>> -> memref<128xi32, #tpu.memory_space<vmem>>
    %dma_start3A_532 = arith.constant 0 : i32
    %dma_start3A_533 = arith.constant 0 : i32
    %dma_start3A_534 = tpu.memref_slice %arg6[%dma_start3A_532, %dma_start3A_533] : memref<2496x128xf32, #tpu.memory_space<vmem_shared>> -> memref<2496x128xf32, #tpu.memory_space<vmem_shared>>
    tpu.enqueue_indirect_dma source(%dma_start3A_534 : memref<2496x128xf32, #tpu.memory_space<vmem_shared>>) target(%dma_start3A_528 : memref<128x128xf32, #tpu.memory_space<vmem>>) offsets(%dma_start3A_531 : memref<128xi32, #tpu.memory_space<vmem>>) semaphore(%arg12 : memref<!tpu.dma_semaphore, #tpu.memory_space<semaphore_mem>>)
    %dma_start3A_535 = arith.constant 23 : i32
    %dma_start3A_536 = arith.constant 128 : i32
    %dma_start3A_537 = arith.constant 0 : i32
    %dma_start3A_538 = tpu.memref_slice %arg9[%dma_start3A_536, %dma_start3A_537] : memref<256x128xf32, #tpu.memory_space<vmem>> -> memref<128x128xf32, #tpu.memory_space<vmem>>
    %dma_start3A_539 = arith.constant 0 : i32
    %dma_start3A_540 = tpu.memref_slice %arg5[%dma_start3A_535, %dma_start3A_539] : memref<50x128xi32, #tpu.memory_space<vmem>> -> memref<1x128xi32, #tpu.memory_space<vmem>>
    %dma_start3A_541 = tpu.memref_squeeze %dma_start3A_540 : memref<1x128xi32, #tpu.memory_space<vmem>> -> memref<128xi32, #tpu.memory_space<vmem>>
    %dma_start3A_542 = arith.constant 0 : i32
    %dma_start3A_543 = arith.constant 0 : i32
    %dma_start3A_544 = tpu.memref_slice %arg6[%dma_start3A_542, %dma_start3A_543] : memref<2496x128xf32, #tpu.memory_space<vmem_shared>> -> memref<2496x128xf32, #tpu.memory_space<vmem_shared>>
    tpu.enqueue_indirect_dma source(%dma_start3A_544 : memref<2496x128xf32, #tpu.memory_space<vmem_shared>>) target(%dma_start3A_538 : memref<128x128xf32, #tpu.memory_space<vmem>>) offsets(%dma_start3A_541 : memref<128xi32, #tpu.memory_space<vmem>>) semaphore(%arg12 : memref<!tpu.dma_semaphore, #tpu.memory_space<semaphore_mem>>)
    %dma_wait3A_545 = arith.constant 18 : i32
    %dma_wait3A_546 = arith.constant 0 : i32
    %dma_wait3A_547 = arith.constant 0 : i32
    %dma_wait3A_548 = tpu.memref_slice %arg7[%dma_wait3A_546, %dma_wait3A_547] : memref<256x128xf32, #tpu.memory_space<vmem>> -> memref<128x128xf32, #tpu.memory_space<vmem>>
    %dma_wait3A_549 = arith.constant 0 : i32
    %dma_wait3A_550 = tpu.memref_slice %arg5[%dma_wait3A_545, %dma_wait3A_549] : memref<50x128xi32, #tpu.memory_space<vmem>> -> memref<1x128xi32, #tpu.memory_space<vmem>>
    %dma_wait3A_551 = tpu.memref_squeeze %dma_wait3A_550 : memref<1x128xi32, #tpu.memory_space<vmem>> -> memref<128xi32, #tpu.memory_space<vmem>>
    %dma_wait3A_552 = arith.constant 0 : i32
    %dma_wait3A_553 = arith.constant 0 : i32
    %dma_wait3A_554 = tpu.memref_slice %arg6[%dma_wait3A_552, %dma_wait3A_553] : memref<2496x128xf32, #tpu.memory_space<vmem_shared>> -> memref<2496x128xf32, #tpu.memory_space<vmem_shared>>
    tpu.wait_indirect_dma semaphore(%arg10 : memref<!tpu.dma_semaphore, #tpu.memory_space<semaphore_mem>>) src(%dma_wait3A_554 : memref<2496x128xf32, #tpu.memory_space<vmem_shared>>) dst(%dma_wait3A_548 : memref<128x128xf32, #tpu.memory_space<vmem>>)
    %dma_wait3A_555 = arith.constant 19 : i32
    %dma_wait3A_556 = arith.constant 128 : i32
    %dma_wait3A_557 = arith.constant 0 : i32
    %dma_wait3A_558 = tpu.memref_slice %arg7[%dma_wait3A_556, %dma_wait3A_557] : memref<256x128xf32, #tpu.memory_space<vmem>> -> memref<128x128xf32, #tpu.memory_space<vmem>>
    %dma_wait3A_559 = arith.constant 0 : i32
    %dma_wait3A_560 = tpu.memref_slice %arg5[%dma_wait3A_555, %dma_wait3A_559] : memref<50x128xi32, #tpu.memory_space<vmem>> -> memref<1x128xi32, #tpu.memory_space<vmem>>
    %dma_wait3A_561 = tpu.memref_squeeze %dma_wait3A_560 : memref<1x128xi32, #tpu.memory_space<vmem>> -> memref<128xi32, #tpu.memory_space<vmem>>
    %dma_wait3A_562 = arith.constant 0 : i32
    %dma_wait3A_563 = arith.constant 0 : i32
    %dma_wait3A_564 = tpu.memref_slice %arg6[%dma_wait3A_562, %dma_wait3A_563] : memref<2496x128xf32, #tpu.memory_space<vmem_shared>> -> memref<2496x128xf32, #tpu.memory_space<vmem_shared>>
    tpu.wait_indirect_dma semaphore(%arg10 : memref<!tpu.dma_semaphore, #tpu.memory_space<semaphore_mem>>) src(%dma_wait3A_564 : memref<2496x128xf32, #tpu.memory_space<vmem_shared>>) dst(%dma_wait3A_558 : memref<128x128xf32, #tpu.memory_space<vmem>>)
    %mul3A_565 = arith.constant 6400 : i32
    %mul3A_566 = arith.muli %add3A, %mul3A_565 : i32
    %add3A_567 = arith.constant 2304 : i32
    %add3A_568 = arith.addi %mul3A_566, %add3A_567 : i32
    %dma_start3A_569 = arith.constant 0 : i32
    %dma_start3A_570 = tpu.memref_slice %arg4[%add3A_568, %dma_start3A_569] : memref<204800x128xf32, #tpu.memory_space<hbm>> -> memref<256x128xf32, #tpu.memory_space<hbm>>
    %dma_start3A_571 = arith.constant 0 : i32
    %dma_start3A_572 = tpu.memref_slice %arg4[%add3A_568, %dma_start3A_571] : memref<204800x128xf32, #tpu.memory_space<hbm>> -> memref<256x128xf32, #tpu.memory_space<hbm>>
    tpu.enqueue_dma source(%arg7 : memref<256x128xf32, #tpu.memory_space<vmem>>) target(%dma_start3A_572 : memref<256x128xf32, #tpu.memory_space<hbm>>) target_semaphore(%arg13 : memref<!tpu.dma_semaphore, #tpu.memory_space<semaphore_mem>>)
    %dma_wait3A_573 = arith.constant 0 : i32
    %dma_wait3A_574 = tpu.memref_slice %arg4[%add3A_568, %dma_wait3A_573] : memref<204800x128xf32, #tpu.memory_space<hbm>> -> memref<256x128xf32, #tpu.memory_space<hbm>>
    %dma_wait3A_575 = arith.constant 0 : i32
    %dma_wait3A_576 = tpu.memref_slice %arg4[%add3A_568, %dma_wait3A_575] : memref<204800x128xf32, #tpu.memory_space<hbm>> -> memref<256x128xf32, #tpu.memory_space<hbm>>
    tpu.wait_dma2 semaphore(%arg13 : memref<!tpu.dma_semaphore, #tpu.memory_space<semaphore_mem>>) src(%arg7 : memref<256x128xf32, #tpu.memory_space<vmem>>) dst(%dma_wait3A_576 : memref<256x128xf32, #tpu.memory_space<hbm>>)
    %dma_start3A_577 = arith.constant 24 : i32
    %dma_start3A_578 = arith.constant 0 : i32
    %dma_start3A_579 = arith.constant 0 : i32
    %dma_start3A_580 = tpu.memref_slice %arg7[%dma_start3A_578, %dma_start3A_579] : memref<256x128xf32, #tpu.memory_space<vmem>> -> memref<128x128xf32, #tpu.memory_space<vmem>>
    %dma_start3A_581 = arith.constant 0 : i32
    %dma_start3A_582 = tpu.memref_slice %arg5[%dma_start3A_577, %dma_start3A_581] : memref<50x128xi32, #tpu.memory_space<vmem>> -> memref<1x128xi32, #tpu.memory_space<vmem>>
    %dma_start3A_583 = tpu.memref_squeeze %dma_start3A_582 : memref<1x128xi32, #tpu.memory_space<vmem>> -> memref<128xi32, #tpu.memory_space<vmem>>
    %dma_start3A_584 = arith.constant 0 : i32
    %dma_start3A_585 = arith.constant 0 : i32
    %dma_start3A_586 = tpu.memref_slice %arg6[%dma_start3A_584, %dma_start3A_585] : memref<2496x128xf32, #tpu.memory_space<vmem_shared>> -> memref<2496x128xf32, #tpu.memory_space<vmem_shared>>
    tpu.enqueue_indirect_dma source(%dma_start3A_586 : memref<2496x128xf32, #tpu.memory_space<vmem_shared>>) target(%dma_start3A_580 : memref<128x128xf32, #tpu.memory_space<vmem>>) offsets(%dma_start3A_583 : memref<128xi32, #tpu.memory_space<vmem>>) semaphore(%arg10 : memref<!tpu.dma_semaphore, #tpu.memory_space<semaphore_mem>>)
    %dma_start3A_587 = arith.constant 25 : i32
    %dma_start3A_588 = arith.constant 128 : i32
    %dma_start3A_589 = arith.constant 0 : i32
    %dma_start3A_590 = tpu.memref_slice %arg7[%dma_start3A_588, %dma_start3A_589] : memref<256x128xf32, #tpu.memory_space<vmem>> -> memref<128x128xf32, #tpu.memory_space<vmem>>
    %dma_start3A_591 = arith.constant 0 : i32
    %dma_start3A_592 = tpu.memref_slice %arg5[%dma_start3A_587, %dma_start3A_591] : memref<50x128xi32, #tpu.memory_space<vmem>> -> memref<1x128xi32, #tpu.memory_space<vmem>>
    %dma_start3A_593 = tpu.memref_squeeze %dma_start3A_592 : memref<1x128xi32, #tpu.memory_space<vmem>> -> memref<128xi32, #tpu.memory_space<vmem>>
    %dma_start3A_594 = arith.constant 0 : i32
    %dma_start3A_595 = arith.constant 0 : i32
    %dma_start3A_596 = tpu.memref_slice %arg6[%dma_start3A_594, %dma_start3A_595] : memref<2496x128xf32, #tpu.memory_space<vmem_shared>> -> memref<2496x128xf32, #tpu.memory_space<vmem_shared>>
    tpu.enqueue_indirect_dma source(%dma_start3A_596 : memref<2496x128xf32, #tpu.memory_space<vmem_shared>>) target(%dma_start3A_590 : memref<128x128xf32, #tpu.memory_space<vmem>>) offsets(%dma_start3A_593 : memref<128xi32, #tpu.memory_space<vmem>>) semaphore(%arg10 : memref<!tpu.dma_semaphore, #tpu.memory_space<semaphore_mem>>)
    %dma_wait3A_597 = arith.constant 20 : i32
    %dma_wait3A_598 = arith.constant 0 : i32
    %dma_wait3A_599 = arith.constant 0 : i32
    %dma_wait3A_600 = tpu.memref_slice %arg8[%dma_wait3A_598, %dma_wait3A_599] : memref<256x128xf32, #tpu.memory_space<vmem>> -> memref<128x128xf32, #tpu.memory_space<vmem>>
    %dma_wait3A_601 = arith.constant 0 : i32
    %dma_wait3A_602 = tpu.memref_slice %arg5[%dma_wait3A_597, %dma_wait3A_601] : memref<50x128xi32, #tpu.memory_space<vmem>> -> memref<1x128xi32, #tpu.memory_space<vmem>>
    %dma_wait3A_603 = tpu.memref_squeeze %dma_wait3A_602 : memref<1x128xi32, #tpu.memory_space<vmem>> -> memref<128xi32, #tpu.memory_space<vmem>>
    %dma_wait3A_604 = arith.constant 0 : i32
    %dma_wait3A_605 = arith.constant 0 : i32
    %dma_wait3A_606 = tpu.memref_slice %arg6[%dma_wait3A_604, %dma_wait3A_605] : memref<2496x128xf32, #tpu.memory_space<vmem_shared>> -> memref<2496x128xf32, #tpu.memory_space<vmem_shared>>
    tpu.wait_indirect_dma semaphore(%arg11 : memref<!tpu.dma_semaphore, #tpu.memory_space<semaphore_mem>>) src(%dma_wait3A_606 : memref<2496x128xf32, #tpu.memory_space<vmem_shared>>) dst(%dma_wait3A_600 : memref<128x128xf32, #tpu.memory_space<vmem>>)
    %dma_wait3A_607 = arith.constant 21 : i32
    %dma_wait3A_608 = arith.constant 128 : i32
    %dma_wait3A_609 = arith.constant 0 : i32
    %dma_wait3A_610 = tpu.memref_slice %arg8[%dma_wait3A_608, %dma_wait3A_609] : memref<256x128xf32, #tpu.memory_space<vmem>> -> memref<128x128xf32, #tpu.memory_space<vmem>>
    %dma_wait3A_611 = arith.constant 0 : i32
    %dma_wait3A_612 = tpu.memref_slice %arg5[%dma_wait3A_607, %dma_wait3A_611] : memref<50x128xi32, #tpu.memory_space<vmem>> -> memref<1x128xi32, #tpu.memory_space<vmem>>
    %dma_wait3A_613 = tpu.memref_squeeze %dma_wait3A_612 : memref<1x128xi32, #tpu.memory_space<vmem>> -> memref<128xi32, #tpu.memory_space<vmem>>
    %dma_wait3A_614 = arith.constant 0 : i32
    %dma_wait3A_615 = arith.constant 0 : i32
    %dma_wait3A_616 = tpu.memref_slice %arg6[%dma_wait3A_614, %dma_wait3A_615] : memref<2496x128xf32, #tpu.memory_space<vmem_shared>> -> memref<2496x128xf32, #tpu.memory_space<vmem_shared>>
    tpu.wait_indirect_dma semaphore(%arg11 : memref<!tpu.dma_semaphore, #tpu.memory_space<semaphore_mem>>) src(%dma_wait3A_616 : memref<2496x128xf32, #tpu.memory_space<vmem_shared>>) dst(%dma_wait3A_610 : memref<128x128xf32, #tpu.memory_space<vmem>>)
    %mul3A_617 = arith.constant 6400 : i32
    %mul3A_618 = arith.muli %add3A, %mul3A_617 : i32
    %add3A_619 = arith.constant 2560 : i32
    %add3A_620 = arith.addi %mul3A_618, %add3A_619 : i32
    %dma_start3A_621 = arith.constant 0 : i32
    %dma_start3A_622 = tpu.memref_slice %arg4[%add3A_620, %dma_start3A_621] : memref<204800x128xf32, #tpu.memory_space<hbm>> -> memref<256x128xf32, #tpu.memory_space<hbm>>
    %dma_start3A_623 = arith.constant 0 : i32
    %dma_start3A_624 = tpu.memref_slice %arg4[%add3A_620, %dma_start3A_623] : memref<204800x128xf32, #tpu.memory_space<hbm>> -> memref<256x128xf32, #tpu.memory_space<hbm>>
    tpu.enqueue_dma source(%arg8 : memref<256x128xf32, #tpu.memory_space<vmem>>) target(%dma_start3A_624 : memref<256x128xf32, #tpu.memory_space<hbm>>) target_semaphore(%arg14 : memref<!tpu.dma_semaphore, #tpu.memory_space<semaphore_mem>>)
    %dma_wait3A_625 = arith.constant 0 : i32
    %dma_wait3A_626 = tpu.memref_slice %arg4[%add3A_620, %dma_wait3A_625] : memref<204800x128xf32, #tpu.memory_space<hbm>> -> memref<256x128xf32, #tpu.memory_space<hbm>>
    %dma_wait3A_627 = arith.constant 0 : i32
    %dma_wait3A_628 = tpu.memref_slice %arg4[%add3A_620, %dma_wait3A_627] : memref<204800x128xf32, #tpu.memory_space<hbm>> -> memref<256x128xf32, #tpu.memory_space<hbm>>
    tpu.wait_dma2 semaphore(%arg14 : memref<!tpu.dma_semaphore, #tpu.memory_space<semaphore_mem>>) src(%arg8 : memref<256x128xf32, #tpu.memory_space<vmem>>) dst(%dma_wait3A_628 : memref<256x128xf32, #tpu.memory_space<hbm>>)
    %dma_start3A_629 = arith.constant 26 : i32
    %dma_start3A_630 = arith.constant 0 : i32
    %dma_start3A_631 = arith.constant 0 : i32
    %dma_start3A_632 = tpu.memref_slice %arg8[%dma_start3A_630, %dma_start3A_631] : memref<256x128xf32, #tpu.memory_space<vmem>> -> memref<128x128xf32, #tpu.memory_space<vmem>>
    %dma_start3A_633 = arith.constant 0 : i32
    %dma_start3A_634 = tpu.memref_slice %arg5[%dma_start3A_629, %dma_start3A_633] : memref<50x128xi32, #tpu.memory_space<vmem>> -> memref<1x128xi32, #tpu.memory_space<vmem>>
    %dma_start3A_635 = tpu.memref_squeeze %dma_start3A_634 : memref<1x128xi32, #tpu.memory_space<vmem>> -> memref<128xi32, #tpu.memory_space<vmem>>
    %dma_start3A_636 = arith.constant 0 : i32
    %dma_start3A_637 = arith.constant 0 : i32
    %dma_start3A_638 = tpu.memref_slice %arg6[%dma_start3A_636, %dma_start3A_637] : memref<2496x128xf32, #tpu.memory_space<vmem_shared>> -> memref<2496x128xf32, #tpu.memory_space<vmem_shared>>
    tpu.enqueue_indirect_dma source(%dma_start3A_638 : memref<2496x128xf32, #tpu.memory_space<vmem_shared>>) target(%dma_start3A_632 : memref<128x128xf32, #tpu.memory_space<vmem>>) offsets(%dma_start3A_635 : memref<128xi32, #tpu.memory_space<vmem>>) semaphore(%arg11 : memref<!tpu.dma_semaphore, #tpu.memory_space<semaphore_mem>>)
    %dma_start3A_639 = arith.constant 27 : i32
    %dma_start3A_640 = arith.constant 128 : i32
    %dma_start3A_641 = arith.constant 0 : i32
    %dma_start3A_642 = tpu.memref_slice %arg8[%dma_start3A_640, %dma_start3A_641] : memref<256x128xf32, #tpu.memory_space<vmem>> -> memref<128x128xf32, #tpu.memory_space<vmem>>
    %dma_start3A_643 = arith.constant 0 : i32
    %dma_start3A_644 = tpu.memref_slice %arg5[%dma_start3A_639, %dma_start3A_643] : memref<50x128xi32, #tpu.memory_space<vmem>> -> memref<1x128xi32, #tpu.memory_space<vmem>>
    %dma_start3A_645 = tpu.memref_squeeze %dma_start3A_644 : memref<1x128xi32, #tpu.memory_space<vmem>> -> memref<128xi32, #tpu.memory_space<vmem>>
    %dma_start3A_646 = arith.constant 0 : i32
    %dma_start3A_647 = arith.constant 0 : i32
    %dma_start3A_648 = tpu.memref_slice %arg6[%dma_start3A_646, %dma_start3A_647] : memref<2496x128xf32, #tpu.memory_space<vmem_shared>> -> memref<2496x128xf32, #tpu.memory_space<vmem_shared>>
    tpu.enqueue_indirect_dma source(%dma_start3A_648 : memref<2496x128xf32, #tpu.memory_space<vmem_shared>>) target(%dma_start3A_642 : memref<128x128xf32, #tpu.memory_space<vmem>>) offsets(%dma_start3A_645 : memref<128xi32, #tpu.memory_space<vmem>>) semaphore(%arg11 : memref<!tpu.dma_semaphore, #tpu.memory_space<semaphore_mem>>)
    %dma_wait3A_649 = arith.constant 22 : i32
    %dma_wait3A_650 = arith.constant 0 : i32
    %dma_wait3A_651 = arith.constant 0 : i32
    %dma_wait3A_652 = tpu.memref_slice %arg9[%dma_wait3A_650, %dma_wait3A_651] : memref<256x128xf32, #tpu.memory_space<vmem>> -> memref<128x128xf32, #tpu.memory_space<vmem>>
    %dma_wait3A_653 = arith.constant 0 : i32
    %dma_wait3A_654 = tpu.memref_slice %arg5[%dma_wait3A_649, %dma_wait3A_653] : memref<50x128xi32, #tpu.memory_space<vmem>> -> memref<1x128xi32, #tpu.memory_space<vmem>>
    %dma_wait3A_655 = tpu.memref_squeeze %dma_wait3A_654 : memref<1x128xi32, #tpu.memory_space<vmem>> -> memref<128xi32, #tpu.memory_space<vmem>>
    %dma_wait3A_656 = arith.constant 0 : i32
    %dma_wait3A_657 = arith.constant 0 : i32
    %dma_wait3A_658 = tpu.memref_slice %arg6[%dma_wait3A_656, %dma_wait3A_657] : memref<2496x128xf32, #tpu.memory_space<vmem_shared>> -> memref<2496x128xf32, #tpu.memory_space<vmem_shared>>
    tpu.wait_indirect_dma semaphore(%arg12 : memref<!tpu.dma_semaphore, #tpu.memory_space<semaphore_mem>>) src(%dma_wait3A_658 : memref<2496x128xf32, #tpu.memory_space<vmem_shared>>) dst(%dma_wait3A_652 : memref<128x128xf32, #tpu.memory_space<vmem>>)
    %dma_wait3A_659 = arith.constant 23 : i32
    %dma_wait3A_660 = arith.constant 128 : i32
    %dma_wait3A_661 = arith.constant 0 : i32
    %dma_wait3A_662 = tpu.memref_slice %arg9[%dma_wait3A_660, %dma_wait3A_661] : memref<256x128xf32, #tpu.memory_space<vmem>> -> memref<128x128xf32, #tpu.memory_space<vmem>>
    %dma_wait3A_663 = arith.constant 0 : i32
    %dma_wait3A_664 = tpu.memref_slice %arg5[%dma_wait3A_659, %dma_wait3A_663] : memref<50x128xi32, #tpu.memory_space<vmem>> -> memref<1x128xi32, #tpu.memory_space<vmem>>
    %dma_wait3A_665 = tpu.memref_squeeze %dma_wait3A_664 : memref<1x128xi32, #tpu.memory_space<vmem>> -> memref<128xi32, #tpu.memory_space<vmem>>
    %dma_wait3A_666 = arith.constant 0 : i32
    %dma_wait3A_667 = arith.constant 0 : i32
    %dma_wait3A_668 = tpu.memref_slice %arg6[%dma_wait3A_666, %dma_wait3A_667] : memref<2496x128xf32, #tpu.memory_space<vmem_shared>> -> memref<2496x128xf32, #tpu.memory_space<vmem_shared>>
    tpu.wait_indirect_dma semaphore(%arg12 : memref<!tpu.dma_semaphore, #tpu.memory_space<semaphore_mem>>) src(%dma_wait3A_668 : memref<2496x128xf32, #tpu.memory_space<vmem_shared>>) dst(%dma_wait3A_662 : memref<128x128xf32, #tpu.memory_space<vmem>>)
    %mul3A_669 = arith.constant 6400 : i32
    %mul3A_670 = arith.muli %add3A, %mul3A_669 : i32
    %add3A_671 = arith.constant 2816 : i32
    %add3A_672 = arith.addi %mul3A_670, %add3A_671 : i32
    %dma_start3A_673 = arith.constant 0 : i32
    %dma_start3A_674 = tpu.memref_slice %arg4[%add3A_672, %dma_start3A_673] : memref<204800x128xf32, #tpu.memory_space<hbm>> -> memref<256x128xf32, #tpu.memory_space<hbm>>
    %dma_start3A_675 = arith.constant 0 : i32
    %dma_start3A_676 = tpu.memref_slice %arg4[%add3A_672, %dma_start3A_675] : memref<204800x128xf32, #tpu.memory_space<hbm>> -> memref<256x128xf32, #tpu.memory_space<hbm>>
    tpu.enqueue_dma source(%arg9 : memref<256x128xf32, #tpu.memory_space<vmem>>) target(%dma_start3A_676 : memref<256x128xf32, #tpu.memory_space<hbm>>) target_semaphore(%arg15 : memref<!tpu.dma_semaphore, #tpu.memory_space<semaphore_mem>>)
    %dma_wait3A_677 = arith.constant 0 : i32
    %dma_wait3A_678 = tpu.memref_slice %arg4[%add3A_672, %dma_wait3A_677] : memref<204800x128xf32, #tpu.memory_space<hbm>> -> memref<256x128xf32, #tpu.memory_space<hbm>>
    %dma_wait3A_679 = arith.constant 0 : i32
    %dma_wait3A_680 = tpu.memref_slice %arg4[%add3A_672, %dma_wait3A_679] : memref<204800x128xf32, #tpu.memory_space<hbm>> -> memref<256x128xf32, #tpu.memory_space<hbm>>
    tpu.wait_dma2 semaphore(%arg15 : memref<!tpu.dma_semaphore, #tpu.memory_space<semaphore_mem>>) src(%arg9 : memref<256x128xf32, #tpu.memory_space<vmem>>) dst(%dma_wait3A_680 : memref<256x128xf32, #tpu.memory_space<hbm>>)
    %dma_start3A_681 = arith.constant 28 : i32
    %dma_start3A_682 = arith.constant 0 : i32
    %dma_start3A_683 = arith.constant 0 : i32
    %dma_start3A_684 = tpu.memref_slice %arg9[%dma_start3A_682, %dma_start3A_683] : memref<256x128xf32, #tpu.memory_space<vmem>> -> memref<128x128xf32, #tpu.memory_space<vmem>>
    %dma_start3A_685 = arith.constant 0 : i32
    %dma_start3A_686 = tpu.memref_slice %arg5[%dma_start3A_681, %dma_start3A_685] : memref<50x128xi32, #tpu.memory_space<vmem>> -> memref<1x128xi32, #tpu.memory_space<vmem>>
    %dma_start3A_687 = tpu.memref_squeeze %dma_start3A_686 : memref<1x128xi32, #tpu.memory_space<vmem>> -> memref<128xi32, #tpu.memory_space<vmem>>
    %dma_start3A_688 = arith.constant 0 : i32
    %dma_start3A_689 = arith.constant 0 : i32
    %dma_start3A_690 = tpu.memref_slice %arg6[%dma_start3A_688, %dma_start3A_689] : memref<2496x128xf32, #tpu.memory_space<vmem_shared>> -> memref<2496x128xf32, #tpu.memory_space<vmem_shared>>
    tpu.enqueue_indirect_dma source(%dma_start3A_690 : memref<2496x128xf32, #tpu.memory_space<vmem_shared>>) target(%dma_start3A_684 : memref<128x128xf32, #tpu.memory_space<vmem>>) offsets(%dma_start3A_687 : memref<128xi32, #tpu.memory_space<vmem>>) semaphore(%arg12 : memref<!tpu.dma_semaphore, #tpu.memory_space<semaphore_mem>>)
    %dma_start3A_691 = arith.constant 29 : i32
    %dma_start3A_692 = arith.constant 128 : i32
    %dma_start3A_693 = arith.constant 0 : i32
    %dma_start3A_694 = tpu.memref_slice %arg9[%dma_start3A_692, %dma_start3A_693] : memref<256x128xf32, #tpu.memory_space<vmem>> -> memref<128x128xf32, #tpu.memory_space<vmem>>
    %dma_start3A_695 = arith.constant 0 : i32
    %dma_start3A_696 = tpu.memref_slice %arg5[%dma_start3A_691, %dma_start3A_695] : memref<50x128xi32, #tpu.memory_space<vmem>> -> memref<1x128xi32, #tpu.memory_space<vmem>>
    %dma_start3A_697 = tpu.memref_squeeze %dma_start3A_696 : memref<1x128xi32, #tpu.memory_space<vmem>> -> memref<128xi32, #tpu.memory_space<vmem>>
    %dma_start3A_698 = arith.constant 0 : i32
    %dma_start3A_699 = arith.constant 0 : i32
    %dma_start3A_700 = tpu.memref_slice %arg6[%dma_start3A_698, %dma_start3A_699] : memref<2496x128xf32, #tpu.memory_space<vmem_shared>> -> memref<2496x128xf32, #tpu.memory_space<vmem_shared>>
    tpu.enqueue_indirect_dma source(%dma_start3A_700 : memref<2496x128xf32, #tpu.memory_space<vmem_shared>>) target(%dma_start3A_694 : memref<128x128xf32, #tpu.memory_space<vmem>>) offsets(%dma_start3A_697 : memref<128xi32, #tpu.memory_space<vmem>>) semaphore(%arg12 : memref<!tpu.dma_semaphore, #tpu.memory_space<semaphore_mem>>)
    %dma_wait3A_701 = arith.constant 24 : i32
    %dma_wait3A_702 = arith.constant 0 : i32
    %dma_wait3A_703 = arith.constant 0 : i32
    %dma_wait3A_704 = tpu.memref_slice %arg7[%dma_wait3A_702, %dma_wait3A_703] : memref<256x128xf32, #tpu.memory_space<vmem>> -> memref<128x128xf32, #tpu.memory_space<vmem>>
    %dma_wait3A_705 = arith.constant 0 : i32
    %dma_wait3A_706 = tpu.memref_slice %arg5[%dma_wait3A_701, %dma_wait3A_705] : memref<50x128xi32, #tpu.memory_space<vmem>> -> memref<1x128xi32, #tpu.memory_space<vmem>>
    %dma_wait3A_707 = tpu.memref_squeeze %dma_wait3A_706 : memref<1x128xi32, #tpu.memory_space<vmem>> -> memref<128xi32, #tpu.memory_space<vmem>>
    %dma_wait3A_708 = arith.constant 0 : i32
    %dma_wait3A_709 = arith.constant 0 : i32
    %dma_wait3A_710 = tpu.memref_slice %arg6[%dma_wait3A_708, %dma_wait3A_709] : memref<2496x128xf32, #tpu.memory_space<vmem_shared>> -> memref<2496x128xf32, #tpu.memory_space<vmem_shared>>
    tpu.wait_indirect_dma semaphore(%arg10 : memref<!tpu.dma_semaphore, #tpu.memory_space<semaphore_mem>>) src(%dma_wait3A_710 : memref<2496x128xf32, #tpu.memory_space<vmem_shared>>) dst(%dma_wait3A_704 : memref<128x128xf32, #tpu.memory_space<vmem>>)
    %dma_wait3A_711 = arith.constant 25 : i32
    %dma_wait3A_712 = arith.constant 128 : i32
    %dma_wait3A_713 = arith.constant 0 : i32
    %dma_wait3A_714 = tpu.memref_slice %arg7[%dma_wait3A_712, %dma_wait3A_713] : memref<256x128xf32, #tpu.memory_space<vmem>> -> memref<128x128xf32, #tpu.memory_space<vmem>>
    %dma_wait3A_715 = arith.constant 0 : i32
    %dma_wait3A_716 = tpu.memref_slice %arg5[%dma_wait3A_711, %dma_wait3A_715] : memref<50x128xi32, #tpu.memory_space<vmem>> -> memref<1x128xi32, #tpu.memory_space<vmem>>
    %dma_wait3A_717 = tpu.memref_squeeze %dma_wait3A_716 : memref<1x128xi32, #tpu.memory_space<vmem>> -> memref<128xi32, #tpu.memory_space<vmem>>
    %dma_wait3A_718 = arith.constant 0 : i32
    %dma_wait3A_719 = arith.constant 0 : i32
    %dma_wait3A_720 = tpu.memref_slice %arg6[%dma_wait3A_718, %dma_wait3A_719] : memref<2496x128xf32, #tpu.memory_space<vmem_shared>> -> memref<2496x128xf32, #tpu.memory_space<vmem_shared>>
    tpu.wait_indirect_dma semaphore(%arg10 : memref<!tpu.dma_semaphore, #tpu.memory_space<semaphore_mem>>) src(%dma_wait3A_720 : memref<2496x128xf32, #tpu.memory_space<vmem_shared>>) dst(%dma_wait3A_714 : memref<128x128xf32, #tpu.memory_space<vmem>>)
    %mul3A_721 = arith.constant 6400 : i32
    %mul3A_722 = arith.muli %add3A, %mul3A_721 : i32
    %add3A_723 = arith.constant 3072 : i32
    %add3A_724 = arith.addi %mul3A_722, %add3A_723 : i32
    %dma_start3A_725 = arith.constant 0 : i32
    %dma_start3A_726 = tpu.memref_slice %arg4[%add3A_724, %dma_start3A_725] : memref<204800x128xf32, #tpu.memory_space<hbm>> -> memref<256x128xf32, #tpu.memory_space<hbm>>
    %dma_start3A_727 = arith.constant 0 : i32
    %dma_start3A_728 = tpu.memref_slice %arg4[%add3A_724, %dma_start3A_727] : memref<204800x128xf32, #tpu.memory_space<hbm>> -> memref<256x128xf32, #tpu.memory_space<hbm>>
    tpu.enqueue_dma source(%arg7 : memref<256x128xf32, #tpu.memory_space<vmem>>) target(%dma_start3A_728 : memref<256x128xf32, #tpu.memory_space<hbm>>) target_semaphore(%arg13 : memref<!tpu.dma_semaphore, #tpu.memory_space<semaphore_mem>>)
    %dma_wait3A_729 = arith.constant 0 : i32
    %dma_wait3A_730 = tpu.memref_slice %arg4[%add3A_724, %dma_wait3A_729] : memref<204800x128xf32, #tpu.memory_space<hbm>> -> memref<256x128xf32, #tpu.memory_space<hbm>>
    %dma_wait3A_731 = arith.constant 0 : i32
    %dma_wait3A_732 = tpu.memref_slice %arg4[%add3A_724, %dma_wait3A_731] : memref<204800x128xf32, #tpu.memory_space<hbm>> -> memref<256x128xf32, #tpu.memory_space<hbm>>
    tpu.wait_dma2 semaphore(%arg13 : memref<!tpu.dma_semaphore, #tpu.memory_space<semaphore_mem>>) src(%arg7 : memref<256x128xf32, #tpu.memory_space<vmem>>) dst(%dma_wait3A_732 : memref<256x128xf32, #tpu.memory_space<hbm>>)
    %dma_start3A_733 = arith.constant 30 : i32
    %dma_start3A_734 = arith.constant 0 : i32
    %dma_start3A_735 = arith.constant 0 : i32
    %dma_start3A_736 = tpu.memref_slice %arg7[%dma_start3A_734, %dma_start3A_735] : memref<256x128xf32, #tpu.memory_space<vmem>> -> memref<128x128xf32, #tpu.memory_space<vmem>>
    %dma_start3A_737 = arith.constant 0 : i32
    %dma_start3A_738 = tpu.memref_slice %arg5[%dma_start3A_733, %dma_start3A_737] : memref<50x128xi32, #tpu.memory_space<vmem>> -> memref<1x128xi32, #tpu.memory_space<vmem>>
    %dma_start3A_739 = tpu.memref_squeeze %dma_start3A_738 : memref<1x128xi32, #tpu.memory_space<vmem>> -> memref<128xi32, #tpu.memory_space<vmem>>
    %dma_start3A_740 = arith.constant 0 : i32
    %dma_start3A_741 = arith.constant 0 : i32
    %dma_start3A_742 = tpu.memref_slice %arg6[%dma_start3A_740, %dma_start3A_741] : memref<2496x128xf32, #tpu.memory_space<vmem_shared>> -> memref<2496x128xf32, #tpu.memory_space<vmem_shared>>
    tpu.enqueue_indirect_dma source(%dma_start3A_742 : memref<2496x128xf32, #tpu.memory_space<vmem_shared>>) target(%dma_start3A_736 : memref<128x128xf32, #tpu.memory_space<vmem>>) offsets(%dma_start3A_739 : memref<128xi32, #tpu.memory_space<vmem>>) semaphore(%arg10 : memref<!tpu.dma_semaphore, #tpu.memory_space<semaphore_mem>>)
    %dma_start3A_743 = arith.constant 31 : i32
    %dma_start3A_744 = arith.constant 128 : i32
    %dma_start3A_745 = arith.constant 0 : i32
    %dma_start3A_746 = tpu.memref_slice %arg7[%dma_start3A_744, %dma_start3A_745] : memref<256x128xf32, #tpu.memory_space<vmem>> -> memref<128x128xf32, #tpu.memory_space<vmem>>
    %dma_start3A_747 = arith.constant 0 : i32
    %dma_start3A_748 = tpu.memref_slice %arg5[%dma_start3A_743, %dma_start3A_747] : memref<50x128xi32, #tpu.memory_space<vmem>> -> memref<1x128xi32, #tpu.memory_space<vmem>>
    %dma_start3A_749 = tpu.memref_squeeze %dma_start3A_748 : memref<1x128xi32, #tpu.memory_space<vmem>> -> memref<128xi32, #tpu.memory_space<vmem>>
    %dma_start3A_750 = arith.constant 0 : i32
    %dma_start3A_751 = arith.constant 0 : i32
    %dma_start3A_752 = tpu.memref_slice %arg6[%dma_start3A_750, %dma_start3A_751] : memref<2496x128xf32, #tpu.memory_space<vmem_shared>> -> memref<2496x128xf32, #tpu.memory_space<vmem_shared>>
    tpu.enqueue_indirect_dma source(%dma_start3A_752 : memref<2496x128xf32, #tpu.memory_space<vmem_shared>>) target(%dma_start3A_746 : memref<128x128xf32, #tpu.memory_space<vmem>>) offsets(%dma_start3A_749 : memref<128xi32, #tpu.memory_space<vmem>>) semaphore(%arg10 : memref<!tpu.dma_semaphore, #tpu.memory_space<semaphore_mem>>)
    %dma_wait3A_753 = arith.constant 26 : i32
    %dma_wait3A_754 = arith.constant 0 : i32
    %dma_wait3A_755 = arith.constant 0 : i32
    %dma_wait3A_756 = tpu.memref_slice %arg8[%dma_wait3A_754, %dma_wait3A_755] : memref<256x128xf32, #tpu.memory_space<vmem>> -> memref<128x128xf32, #tpu.memory_space<vmem>>
    %dma_wait3A_757 = arith.constant 0 : i32
    %dma_wait3A_758 = tpu.memref_slice %arg5[%dma_wait3A_753, %dma_wait3A_757] : memref<50x128xi32, #tpu.memory_space<vmem>> -> memref<1x128xi32, #tpu.memory_space<vmem>>
    %dma_wait3A_759 = tpu.memref_squeeze %dma_wait3A_758 : memref<1x128xi32, #tpu.memory_space<vmem>> -> memref<128xi32, #tpu.memory_space<vmem>>
    %dma_wait3A_760 = arith.constant 0 : i32
    %dma_wait3A_761 = arith.constant 0 : i32
    %dma_wait3A_762 = tpu.memref_slice %arg6[%dma_wait3A_760, %dma_wait3A_761] : memref<2496x128xf32, #tpu.memory_space<vmem_shared>> -> memref<2496x128xf32, #tpu.memory_space<vmem_shared>>
    tpu.wait_indirect_dma semaphore(%arg11 : memref<!tpu.dma_semaphore, #tpu.memory_space<semaphore_mem>>) src(%dma_wait3A_762 : memref<2496x128xf32, #tpu.memory_space<vmem_shared>>) dst(%dma_wait3A_756 : memref<128x128xf32, #tpu.memory_space<vmem>>)
    %dma_wait3A_763 = arith.constant 27 : i32
    %dma_wait3A_764 = arith.constant 128 : i32
    %dma_wait3A_765 = arith.constant 0 : i32
    %dma_wait3A_766 = tpu.memref_slice %arg8[%dma_wait3A_764, %dma_wait3A_765] : memref<256x128xf32, #tpu.memory_space<vmem>> -> memref<128x128xf32, #tpu.memory_space<vmem>>
    %dma_wait3A_767 = arith.constant 0 : i32
    %dma_wait3A_768 = tpu.memref_slice %arg5[%dma_wait3A_763, %dma_wait3A_767] : memref<50x128xi32, #tpu.memory_space<vmem>> -> memref<1x128xi32, #tpu.memory_space<vmem>>
    %dma_wait3A_769 = tpu.memref_squeeze %dma_wait3A_768 : memref<1x128xi32, #tpu.memory_space<vmem>> -> memref<128xi32, #tpu.memory_space<vmem>>
    %dma_wait3A_770 = arith.constant 0 : i32
    %dma_wait3A_771 = arith.constant 0 : i32
    %dma_wait3A_772 = tpu.memref_slice %arg6[%dma_wait3A_770, %dma_wait3A_771] : memref<2496x128xf32, #tpu.memory_space<vmem_shared>> -> memref<2496x128xf32, #tpu.memory_space<vmem_shared>>
    tpu.wait_indirect_dma semaphore(%arg11 : memref<!tpu.dma_semaphore, #tpu.memory_space<semaphore_mem>>) src(%dma_wait3A_772 : memref<2496x128xf32, #tpu.memory_space<vmem_shared>>) dst(%dma_wait3A_766 : memref<128x128xf32, #tpu.memory_space<vmem>>)
    %mul3A_773 = arith.constant 6400 : i32
    %mul3A_774 = arith.muli %add3A, %mul3A_773 : i32
    %add3A_775 = arith.constant 3328 : i32
    %add3A_776 = arith.addi %mul3A_774, %add3A_775 : i32
    %dma_start3A_777 = arith.constant 0 : i32
    %dma_start3A_778 = tpu.memref_slice %arg4[%add3A_776, %dma_start3A_777] : memref<204800x128xf32, #tpu.memory_space<hbm>> -> memref<256x128xf32, #tpu.memory_space<hbm>>
    %dma_start3A_779 = arith.constant 0 : i32
    %dma_start3A_780 = tpu.memref_slice %arg4[%add3A_776, %dma_start3A_779] : memref<204800x128xf32, #tpu.memory_space<hbm>> -> memref<256x128xf32, #tpu.memory_space<hbm>>
    tpu.enqueue_dma source(%arg8 : memref<256x128xf32, #tpu.memory_space<vmem>>) target(%dma_start3A_780 : memref<256x128xf32, #tpu.memory_space<hbm>>) target_semaphore(%arg14 : memref<!tpu.dma_semaphore, #tpu.memory_space<semaphore_mem>>)
    %dma_wait3A_781 = arith.constant 0 : i32
    %dma_wait3A_782 = tpu.memref_slice %arg4[%add3A_776, %dma_wait3A_781] : memref<204800x128xf32, #tpu.memory_space<hbm>> -> memref<256x128xf32, #tpu.memory_space<hbm>>
    %dma_wait3A_783 = arith.constant 0 : i32
    %dma_wait3A_784 = tpu.memref_slice %arg4[%add3A_776, %dma_wait3A_783] : memref<204800x128xf32, #tpu.memory_space<hbm>> -> memref<256x128xf32, #tpu.memory_space<hbm>>
    tpu.wait_dma2 semaphore(%arg14 : memref<!tpu.dma_semaphore, #tpu.memory_space<semaphore_mem>>) src(%arg8 : memref<256x128xf32, #tpu.memory_space<vmem>>) dst(%dma_wait3A_784 : memref<256x128xf32, #tpu.memory_space<hbm>>)
    %dma_start3A_785 = arith.constant 32 : i32
    %dma_start3A_786 = arith.constant 0 : i32
    %dma_start3A_787 = arith.constant 0 : i32
    %dma_start3A_788 = tpu.memref_slice %arg8[%dma_start3A_786, %dma_start3A_787] : memref<256x128xf32, #tpu.memory_space<vmem>> -> memref<128x128xf32, #tpu.memory_space<vmem>>
    %dma_start3A_789 = arith.constant 0 : i32
    %dma_start3A_790 = tpu.memref_slice %arg5[%dma_start3A_785, %dma_start3A_789] : memref<50x128xi32, #tpu.memory_space<vmem>> -> memref<1x128xi32, #tpu.memory_space<vmem>>
    %dma_start3A_791 = tpu.memref_squeeze %dma_start3A_790 : memref<1x128xi32, #tpu.memory_space<vmem>> -> memref<128xi32, #tpu.memory_space<vmem>>
    %dma_start3A_792 = arith.constant 0 : i32
    %dma_start3A_793 = arith.constant 0 : i32
    %dma_start3A_794 = tpu.memref_slice %arg6[%dma_start3A_792, %dma_start3A_793] : memref<2496x128xf32, #tpu.memory_space<vmem_shared>> -> memref<2496x128xf32, #tpu.memory_space<vmem_shared>>
    tpu.enqueue_indirect_dma source(%dma_start3A_794 : memref<2496x128xf32, #tpu.memory_space<vmem_shared>>) target(%dma_start3A_788 : memref<128x128xf32, #tpu.memory_space<vmem>>) offsets(%dma_start3A_791 : memref<128xi32, #tpu.memory_space<vmem>>) semaphore(%arg11 : memref<!tpu.dma_semaphore, #tpu.memory_space<semaphore_mem>>)
    %dma_start3A_795 = arith.constant 33 : i32
    %dma_start3A_796 = arith.constant 128 : i32
    %dma_start3A_797 = arith.constant 0 : i32
    %dma_start3A_798 = tpu.memref_slice %arg8[%dma_start3A_796, %dma_start3A_797] : memref<256x128xf32, #tpu.memory_space<vmem>> -> memref<128x128xf32, #tpu.memory_space<vmem>>
    %dma_start3A_799 = arith.constant 0 : i32
    %dma_start3A_800 = tpu.memref_slice %arg5[%dma_start3A_795, %dma_start3A_799] : memref<50x128xi32, #tpu.memory_space<vmem>> -> memref<1x128xi32, #tpu.memory_space<vmem>>
    %dma_start3A_801 = tpu.memref_squeeze %dma_start3A_800 : memref<1x128xi32, #tpu.memory_space<vmem>> -> memref<128xi32, #tpu.memory_space<vmem>>
    %dma_start3A_802 = arith.constant 0 : i32
    %dma_start3A_803 = arith.constant 0 : i32
    %dma_start3A_804 = tpu.memref_slice %arg6[%dma_start3A_802, %dma_start3A_803] : memref<2496x128xf32, #tpu.memory_space<vmem_shared>> -> memref<2496x128xf32, #tpu.memory_space<vmem_shared>>
    tpu.enqueue_indirect_dma source(%dma_start3A_804 : memref<2496x128xf32, #tpu.memory_space<vmem_shared>>) target(%dma_start3A_798 : memref<128x128xf32, #tpu.memory_space<vmem>>) offsets(%dma_start3A_801 : memref<128xi32, #tpu.memory_space<vmem>>) semaphore(%arg11 : memref<!tpu.dma_semaphore, #tpu.memory_space<semaphore_mem>>)
    %dma_wait3A_805 = arith.constant 28 : i32
    %dma_wait3A_806 = arith.constant 0 : i32
    %dma_wait3A_807 = arith.constant 0 : i32
    %dma_wait3A_808 = tpu.memref_slice %arg9[%dma_wait3A_806, %dma_wait3A_807] : memref<256x128xf32, #tpu.memory_space<vmem>> -> memref<128x128xf32, #tpu.memory_space<vmem>>
    %dma_wait3A_809 = arith.constant 0 : i32
    %dma_wait3A_810 = tpu.memref_slice %arg5[%dma_wait3A_805, %dma_wait3A_809] : memref<50x128xi32, #tpu.memory_space<vmem>> -> memref<1x128xi32, #tpu.memory_space<vmem>>
    %dma_wait3A_811 = tpu.memref_squeeze %dma_wait3A_810 : memref<1x128xi32, #tpu.memory_space<vmem>> -> memref<128xi32, #tpu.memory_space<vmem>>
    %dma_wait3A_812 = arith.constant 0 : i32
    %dma_wait3A_813 = arith.constant 0 : i32
    %dma_wait3A_814 = tpu.memref_slice %arg6[%dma_wait3A_812, %dma_wait3A_813] : memref<2496x128xf32, #tpu.memory_space<vmem_shared>> -> memref<2496x128xf32, #tpu.memory_space<vmem_shared>>
    tpu.wait_indirect_dma semaphore(%arg12 : memref<!tpu.dma_semaphore, #tpu.memory_space<semaphore_mem>>) src(%dma_wait3A_814 : memref<2496x128xf32, #tpu.memory_space<vmem_shared>>) dst(%dma_wait3A_808 : memref<128x128xf32, #tpu.memory_space<vmem>>)
    %dma_wait3A_815 = arith.constant 29 : i32
    %dma_wait3A_816 = arith.constant 128 : i32
    %dma_wait3A_817 = arith.constant 0 : i32
    %dma_wait3A_818 = tpu.memref_slice %arg9[%dma_wait3A_816, %dma_wait3A_817] : memref<256x128xf32, #tpu.memory_space<vmem>> -> memref<128x128xf32, #tpu.memory_space<vmem>>
    %dma_wait3A_819 = arith.constant 0 : i32
    %dma_wait3A_820 = tpu.memref_slice %arg5[%dma_wait3A_815, %dma_wait3A_819] : memref<50x128xi32, #tpu.memory_space<vmem>> -> memref<1x128xi32, #tpu.memory_space<vmem>>
    %dma_wait3A_821 = tpu.memref_squeeze %dma_wait3A_820 : memref<1x128xi32, #tpu.memory_space<vmem>> -> memref<128xi32, #tpu.memory_space<vmem>>
    %dma_wait3A_822 = arith.constant 0 : i32
    %dma_wait3A_823 = arith.constant 0 : i32
    %dma_wait3A_824 = tpu.memref_slice %arg6[%dma_wait3A_822, %dma_wait3A_823] : memref<2496x128xf32, #tpu.memory_space<vmem_shared>> -> memref<2496x128xf32, #tpu.memory_space<vmem_shared>>
    tpu.wait_indirect_dma semaphore(%arg12 : memref<!tpu.dma_semaphore, #tpu.memory_space<semaphore_mem>>) src(%dma_wait3A_824 : memref<2496x128xf32, #tpu.memory_space<vmem_shared>>) dst(%dma_wait3A_818 : memref<128x128xf32, #tpu.memory_space<vmem>>)
    %mul3A_825 = arith.constant 6400 : i32
    %mul3A_826 = arith.muli %add3A, %mul3A_825 : i32
    %add3A_827 = arith.constant 3584 : i32
    %add3A_828 = arith.addi %mul3A_826, %add3A_827 : i32
    %dma_start3A_829 = arith.constant 0 : i32
    %dma_start3A_830 = tpu.memref_slice %arg4[%add3A_828, %dma_start3A_829] : memref<204800x128xf32, #tpu.memory_space<hbm>> -> memref<256x128xf32, #tpu.memory_space<hbm>>
    %dma_start3A_831 = arith.constant 0 : i32
    %dma_start3A_832 = tpu.memref_slice %arg4[%add3A_828, %dma_start3A_831] : memref<204800x128xf32, #tpu.memory_space<hbm>> -> memref<256x128xf32, #tpu.memory_space<hbm>>
    tpu.enqueue_dma source(%arg9 : memref<256x128xf32, #tpu.memory_space<vmem>>) target(%dma_start3A_832 : memref<256x128xf32, #tpu.memory_space<hbm>>) target_semaphore(%arg15 : memref<!tpu.dma_semaphore, #tpu.memory_space<semaphore_mem>>)
    %dma_wait3A_833 = arith.constant 0 : i32
    %dma_wait3A_834 = tpu.memref_slice %arg4[%add3A_828, %dma_wait3A_833] : memref<204800x128xf32, #tpu.memory_space<hbm>> -> memref<256x128xf32, #tpu.memory_space<hbm>>
    %dma_wait3A_835 = arith.constant 0 : i32
    %dma_wait3A_836 = tpu.memref_slice %arg4[%add3A_828, %dma_wait3A_835] : memref<204800x128xf32, #tpu.memory_space<hbm>> -> memref<256x128xf32, #tpu.memory_space<hbm>>
    tpu.wait_dma2 semaphore(%arg15 : memref<!tpu.dma_semaphore, #tpu.memory_space<semaphore_mem>>) src(%arg9 : memref<256x128xf32, #tpu.memory_space<vmem>>) dst(%dma_wait3A_836 : memref<256x128xf32, #tpu.memory_space<hbm>>)
    %dma_start3A_837 = arith.constant 34 : i32
    %dma_start3A_838 = arith.constant 0 : i32
    %dma_start3A_839 = arith.constant 0 : i32
    %dma_start3A_840 = tpu.memref_slice %arg9[%dma_start3A_838, %dma_start3A_839] : memref<256x128xf32, #tpu.memory_space<vmem>> -> memref<128x128xf32, #tpu.memory_space<vmem>>
    %dma_start3A_841 = arith.constant 0 : i32
    %dma_start3A_842 = tpu.memref_slice %arg5[%dma_start3A_837, %dma_start3A_841] : memref<50x128xi32, #tpu.memory_space<vmem>> -> memref<1x128xi32, #tpu.memory_space<vmem>>
    %dma_start3A_843 = tpu.memref_squeeze %dma_start3A_842 : memref<1x128xi32, #tpu.memory_space<vmem>> -> memref<128xi32, #tpu.memory_space<vmem>>
    %dma_start3A_844 = arith.constant 0 : i32
    %dma_start3A_845 = arith.constant 0 : i32
    %dma_start3A_846 = tpu.memref_slice %arg6[%dma_start3A_844, %dma_start3A_845] : memref<2496x128xf32, #tpu.memory_space<vmem_shared>> -> memref<2496x128xf32, #tpu.memory_space<vmem_shared>>
    tpu.enqueue_indirect_dma source(%dma_start3A_846 : memref<2496x128xf32, #tpu.memory_space<vmem_shared>>) target(%dma_start3A_840 : memref<128x128xf32, #tpu.memory_space<vmem>>) offsets(%dma_start3A_843 : memref<128xi32, #tpu.memory_space<vmem>>) semaphore(%arg12 : memref<!tpu.dma_semaphore, #tpu.memory_space<semaphore_mem>>)
    %dma_start3A_847 = arith.constant 35 : i32
    %dma_start3A_848 = arith.constant 128 : i32
    %dma_start3A_849 = arith.constant 0 : i32
    %dma_start3A_850 = tpu.memref_slice %arg9[%dma_start3A_848, %dma_start3A_849] : memref<256x128xf32, #tpu.memory_space<vmem>> -> memref<128x128xf32, #tpu.memory_space<vmem>>
    %dma_start3A_851 = arith.constant 0 : i32
    %dma_start3A_852 = tpu.memref_slice %arg5[%dma_start3A_847, %dma_start3A_851] : memref<50x128xi32, #tpu.memory_space<vmem>> -> memref<1x128xi32, #tpu.memory_space<vmem>>
    %dma_start3A_853 = tpu.memref_squeeze %dma_start3A_852 : memref<1x128xi32, #tpu.memory_space<vmem>> -> memref<128xi32, #tpu.memory_space<vmem>>
    %dma_start3A_854 = arith.constant 0 : i32
    %dma_start3A_855 = arith.constant 0 : i32
    %dma_start3A_856 = tpu.memref_slice %arg6[%dma_start3A_854, %dma_start3A_855] : memref<2496x128xf32, #tpu.memory_space<vmem_shared>> -> memref<2496x128xf32, #tpu.memory_space<vmem_shared>>
    tpu.enqueue_indirect_dma source(%dma_start3A_856 : memref<2496x128xf32, #tpu.memory_space<vmem_shared>>) target(%dma_start3A_850 : memref<128x128xf32, #tpu.memory_space<vmem>>) offsets(%dma_start3A_853 : memref<128xi32, #tpu.memory_space<vmem>>) semaphore(%arg12 : memref<!tpu.dma_semaphore, #tpu.memory_space<semaphore_mem>>)
    %dma_wait3A_857 = arith.constant 30 : i32
    %dma_wait3A_858 = arith.constant 0 : i32
    %dma_wait3A_859 = arith.constant 0 : i32
    %dma_wait3A_860 = tpu.memref_slice %arg7[%dma_wait3A_858, %dma_wait3A_859] : memref<256x128xf32, #tpu.memory_space<vmem>> -> memref<128x128xf32, #tpu.memory_space<vmem>>
    %dma_wait3A_861 = arith.constant 0 : i32
    %dma_wait3A_862 = tpu.memref_slice %arg5[%dma_wait3A_857, %dma_wait3A_861] : memref<50x128xi32, #tpu.memory_space<vmem>> -> memref<1x128xi32, #tpu.memory_space<vmem>>
    %dma_wait3A_863 = tpu.memref_squeeze %dma_wait3A_862 : memref<1x128xi32, #tpu.memory_space<vmem>> -> memref<128xi32, #tpu.memory_space<vmem>>
    %dma_wait3A_864 = arith.constant 0 : i32
    %dma_wait3A_865 = arith.constant 0 : i32
    %dma_wait3A_866 = tpu.memref_slice %arg6[%dma_wait3A_864, %dma_wait3A_865] : memref<2496x128xf32, #tpu.memory_space<vmem_shared>> -> memref<2496x128xf32, #tpu.memory_space<vmem_shared>>
    tpu.wait_indirect_dma semaphore(%arg10 : memref<!tpu.dma_semaphore, #tpu.memory_space<semaphore_mem>>) src(%dma_wait3A_866 : memref<2496x128xf32, #tpu.memory_space<vmem_shared>>) dst(%dma_wait3A_860 : memref<128x128xf32, #tpu.memory_space<vmem>>)
    %dma_wait3A_867 = arith.constant 31 : i32
    %dma_wait3A_868 = arith.constant 128 : i32
    %dma_wait3A_869 = arith.constant 0 : i32
    %dma_wait3A_870 = tpu.memref_slice %arg7[%dma_wait3A_868, %dma_wait3A_869] : memref<256x128xf32, #tpu.memory_space<vmem>> -> memref<128x128xf32, #tpu.memory_space<vmem>>
    %dma_wait3A_871 = arith.constant 0 : i32
    %dma_wait3A_872 = tpu.memref_slice %arg5[%dma_wait3A_867, %dma_wait3A_871] : memref<50x128xi32, #tpu.memory_space<vmem>> -> memref<1x128xi32, #tpu.memory_space<vmem>>
    %dma_wait3A_873 = tpu.memref_squeeze %dma_wait3A_872 : memref<1x128xi32, #tpu.memory_space<vmem>> -> memref<128xi32, #tpu.memory_space<vmem>>
    %dma_wait3A_874 = arith.constant 0 : i32
    %dma_wait3A_875 = arith.constant 0 : i32
    %dma_wait3A_876 = tpu.memref_slice %arg6[%dma_wait3A_874, %dma_wait3A_875] : memref<2496x128xf32, #tpu.memory_space<vmem_shared>> -> memref<2496x128xf32, #tpu.memory_space<vmem_shared>>
    tpu.wait_indirect_dma semaphore(%arg10 : memref<!tpu.dma_semaphore, #tpu.memory_space<semaphore_mem>>) src(%dma_wait3A_876 : memref<2496x128xf32, #tpu.memory_space<vmem_shared>>) dst(%dma_wait3A_870 : memref<128x128xf32, #tpu.memory_space<vmem>>)
    %mul3A_877 = arith.constant 6400 : i32
    %mul3A_878 = arith.muli %add3A, %mul3A_877 : i32
    %add3A_879 = arith.constant 3840 : i32
    %add3A_880 = arith.addi %mul3A_878, %add3A_879 : i32
    %dma_start3A_881 = arith.constant 0 : i32
    %dma_start3A_882 = tpu.memref_slice %arg4[%add3A_880, %dma_start3A_881] : memref<204800x128xf32, #tpu.memory_space<hbm>> -> memref<256x128xf32, #tpu.memory_space<hbm>>
    %dma_start3A_883 = arith.constant 0 : i32
    %dma_start3A_884 = tpu.memref_slice %arg4[%add3A_880, %dma_start3A_883] : memref<204800x128xf32, #tpu.memory_space<hbm>> -> memref<256x128xf32, #tpu.memory_space<hbm>>
    tpu.enqueue_dma source(%arg7 : memref<256x128xf32, #tpu.memory_space<vmem>>) target(%dma_start3A_884 : memref<256x128xf32, #tpu.memory_space<hbm>>) target_semaphore(%arg13 : memref<!tpu.dma_semaphore, #tpu.memory_space<semaphore_mem>>)
    %dma_wait3A_885 = arith.constant 0 : i32
    %dma_wait3A_886 = tpu.memref_slice %arg4[%add3A_880, %dma_wait3A_885] : memref<204800x128xf32, #tpu.memory_space<hbm>> -> memref<256x128xf32, #tpu.memory_space<hbm>>
    %dma_wait3A_887 = arith.constant 0 : i32
    %dma_wait3A_888 = tpu.memref_slice %arg4[%add3A_880, %dma_wait3A_887] : memref<204800x128xf32, #tpu.memory_space<hbm>> -> memref<256x128xf32, #tpu.memory_space<hbm>>
    tpu.wait_dma2 semaphore(%arg13 : memref<!tpu.dma_semaphore, #tpu.memory_space<semaphore_mem>>) src(%arg7 : memref<256x128xf32, #tpu.memory_space<vmem>>) dst(%dma_wait3A_888 : memref<256x128xf32, #tpu.memory_space<hbm>>)
    %dma_start3A_889 = arith.constant 36 : i32
    %dma_start3A_890 = arith.constant 0 : i32
    %dma_start3A_891 = arith.constant 0 : i32
    %dma_start3A_892 = tpu.memref_slice %arg7[%dma_start3A_890, %dma_start3A_891] : memref<256x128xf32, #tpu.memory_space<vmem>> -> memref<128x128xf32, #tpu.memory_space<vmem>>
    %dma_start3A_893 = arith.constant 0 : i32
    %dma_start3A_894 = tpu.memref_slice %arg5[%dma_start3A_889, %dma_start3A_893] : memref<50x128xi32, #tpu.memory_space<vmem>> -> memref<1x128xi32, #tpu.memory_space<vmem>>
    %dma_start3A_895 = tpu.memref_squeeze %dma_start3A_894 : memref<1x128xi32, #tpu.memory_space<vmem>> -> memref<128xi32, #tpu.memory_space<vmem>>
    %dma_start3A_896 = arith.constant 0 : i32
    %dma_start3A_897 = arith.constant 0 : i32
    %dma_start3A_898 = tpu.memref_slice %arg6[%dma_start3A_896, %dma_start3A_897] : memref<2496x128xf32, #tpu.memory_space<vmem_shared>> -> memref<2496x128xf32, #tpu.memory_space<vmem_shared>>
    tpu.enqueue_indirect_dma source(%dma_start3A_898 : memref<2496x128xf32, #tpu.memory_space<vmem_shared>>) target(%dma_start3A_892 : memref<128x128xf32, #tpu.memory_space<vmem>>) offsets(%dma_start3A_895 : memref<128xi32, #tpu.memory_space<vmem>>) semaphore(%arg10 : memref<!tpu.dma_semaphore, #tpu.memory_space<semaphore_mem>>)
    %dma_start3A_899 = arith.constant 37 : i32
    %dma_start3A_900 = arith.constant 128 : i32
    %dma_start3A_901 = arith.constant 0 : i32
    %dma_start3A_902 = tpu.memref_slice %arg7[%dma_start3A_900, %dma_start3A_901] : memref<256x128xf32, #tpu.memory_space<vmem>> -> memref<128x128xf32, #tpu.memory_space<vmem>>
    %dma_start3A_903 = arith.constant 0 : i32
    %dma_start3A_904 = tpu.memref_slice %arg5[%dma_start3A_899, %dma_start3A_903] : memref<50x128xi32, #tpu.memory_space<vmem>> -> memref<1x128xi32, #tpu.memory_space<vmem>>
    %dma_start3A_905 = tpu.memref_squeeze %dma_start3A_904 : memref<1x128xi32, #tpu.memory_space<vmem>> -> memref<128xi32, #tpu.memory_space<vmem>>
    %dma_start3A_906 = arith.constant 0 : i32
    %dma_start3A_907 = arith.constant 0 : i32
    %dma_start3A_908 = tpu.memref_slice %arg6[%dma_start3A_906, %dma_start3A_907] : memref<2496x128xf32, #tpu.memory_space<vmem_shared>> -> memref<2496x128xf32, #tpu.memory_space<vmem_shared>>
    tpu.enqueue_indirect_dma source(%dma_start3A_908 : memref<2496x128xf32, #tpu.memory_space<vmem_shared>>) target(%dma_start3A_902 : memref<128x128xf32, #tpu.memory_space<vmem>>) offsets(%dma_start3A_905 : memref<128xi32, #tpu.memory_space<vmem>>) semaphore(%arg10 : memref<!tpu.dma_semaphore, #tpu.memory_space<semaphore_mem>>)
    %dma_wait3A_909 = arith.constant 32 : i32
    %dma_wait3A_910 = arith.constant 0 : i32
    %dma_wait3A_911 = arith.constant 0 : i32
    %dma_wait3A_912 = tpu.memref_slice %arg8[%dma_wait3A_910, %dma_wait3A_911] : memref<256x128xf32, #tpu.memory_space<vmem>> -> memref<128x128xf32, #tpu.memory_space<vmem>>
    %dma_wait3A_913 = arith.constant 0 : i32
    %dma_wait3A_914 = tpu.memref_slice %arg5[%dma_wait3A_909, %dma_wait3A_913] : memref<50x128xi32, #tpu.memory_space<vmem>> -> memref<1x128xi32, #tpu.memory_space<vmem>>
    %dma_wait3A_915 = tpu.memref_squeeze %dma_wait3A_914 : memref<1x128xi32, #tpu.memory_space<vmem>> -> memref<128xi32, #tpu.memory_space<vmem>>
    %dma_wait3A_916 = arith.constant 0 : i32
    %dma_wait3A_917 = arith.constant 0 : i32
    %dma_wait3A_918 = tpu.memref_slice %arg6[%dma_wait3A_916, %dma_wait3A_917] : memref<2496x128xf32, #tpu.memory_space<vmem_shared>> -> memref<2496x128xf32, #tpu.memory_space<vmem_shared>>
    tpu.wait_indirect_dma semaphore(%arg11 : memref<!tpu.dma_semaphore, #tpu.memory_space<semaphore_mem>>) src(%dma_wait3A_918 : memref<2496x128xf32, #tpu.memory_space<vmem_shared>>) dst(%dma_wait3A_912 : memref<128x128xf32, #tpu.memory_space<vmem>>)
    %dma_wait3A_919 = arith.constant 33 : i32
    %dma_wait3A_920 = arith.constant 128 : i32
    %dma_wait3A_921 = arith.constant 0 : i32
    %dma_wait3A_922 = tpu.memref_slice %arg8[%dma_wait3A_920, %dma_wait3A_921] : memref<256x128xf32, #tpu.memory_space<vmem>> -> memref<128x128xf32, #tpu.memory_space<vmem>>
    %dma_wait3A_923 = arith.constant 0 : i32
    %dma_wait3A_924 = tpu.memref_slice %arg5[%dma_wait3A_919, %dma_wait3A_923] : memref<50x128xi32, #tpu.memory_space<vmem>> -> memref<1x128xi32, #tpu.memory_space<vmem>>
    %dma_wait3A_925 = tpu.memref_squeeze %dma_wait3A_924 : memref<1x128xi32, #tpu.memory_space<vmem>> -> memref<128xi32, #tpu.memory_space<vmem>>
    %dma_wait3A_926 = arith.constant 0 : i32
    %dma_wait3A_927 = arith.constant 0 : i32
    %dma_wait3A_928 = tpu.memref_slice %arg6[%dma_wait3A_926, %dma_wait3A_927] : memref<2496x128xf32, #tpu.memory_space<vmem_shared>> -> memref<2496x128xf32, #tpu.memory_space<vmem_shared>>
    tpu.wait_indirect_dma semaphore(%arg11 : memref<!tpu.dma_semaphore, #tpu.memory_space<semaphore_mem>>) src(%dma_wait3A_928 : memref<2496x128xf32, #tpu.memory_space<vmem_shared>>) dst(%dma_wait3A_922 : memref<128x128xf32, #tpu.memory_space<vmem>>)
    %mul3A_929 = arith.constant 6400 : i32
    %mul3A_930 = arith.muli %add3A, %mul3A_929 : i32
    %add3A_931 = arith.constant 4096 : i32
    %add3A_932 = arith.addi %mul3A_930, %add3A_931 : i32
    %dma_start3A_933 = arith.constant 0 : i32
    %dma_start3A_934 = tpu.memref_slice %arg4[%add3A_932, %dma_start3A_933] : memref<204800x128xf32, #tpu.memory_space<hbm>> -> memref<256x128xf32, #tpu.memory_space<hbm>>
    %dma_start3A_935 = arith.constant 0 : i32
    %dma_start3A_936 = tpu.memref_slice %arg4[%add3A_932, %dma_start3A_935] : memref<204800x128xf32, #tpu.memory_space<hbm>> -> memref<256x128xf32, #tpu.memory_space<hbm>>
    tpu.enqueue_dma source(%arg8 : memref<256x128xf32, #tpu.memory_space<vmem>>) target(%dma_start3A_936 : memref<256x128xf32, #tpu.memory_space<hbm>>) target_semaphore(%arg14 : memref<!tpu.dma_semaphore, #tpu.memory_space<semaphore_mem>>)
    %dma_wait3A_937 = arith.constant 0 : i32
    %dma_wait3A_938 = tpu.memref_slice %arg4[%add3A_932, %dma_wait3A_937] : memref<204800x128xf32, #tpu.memory_space<hbm>> -> memref<256x128xf32, #tpu.memory_space<hbm>>
    %dma_wait3A_939 = arith.constant 0 : i32
    %dma_wait3A_940 = tpu.memref_slice %arg4[%add3A_932, %dma_wait3A_939] : memref<204800x128xf32, #tpu.memory_space<hbm>> -> memref<256x128xf32, #tpu.memory_space<hbm>>
    tpu.wait_dma2 semaphore(%arg14 : memref<!tpu.dma_semaphore, #tpu.memory_space<semaphore_mem>>) src(%arg8 : memref<256x128xf32, #tpu.memory_space<vmem>>) dst(%dma_wait3A_940 : memref<256x128xf32, #tpu.memory_space<hbm>>)
    %dma_start3A_941 = arith.constant 38 : i32
    %dma_start3A_942 = arith.constant 0 : i32
    %dma_start3A_943 = arith.constant 0 : i32
    %dma_start3A_944 = tpu.memref_slice %arg8[%dma_start3A_942, %dma_start3A_943] : memref<256x128xf32, #tpu.memory_space<vmem>> -> memref<128x128xf32, #tpu.memory_space<vmem>>
    %dma_start3A_945 = arith.constant 0 : i32
    %dma_start3A_946 = tpu.memref_slice %arg5[%dma_start3A_941, %dma_start3A_945] : memref<50x128xi32, #tpu.memory_space<vmem>> -> memref<1x128xi32, #tpu.memory_space<vmem>>
    %dma_start3A_947 = tpu.memref_squeeze %dma_start3A_946 : memref<1x128xi32, #tpu.memory_space<vmem>> -> memref<128xi32, #tpu.memory_space<vmem>>
    %dma_start3A_948 = arith.constant 0 : i32
    %dma_start3A_949 = arith.constant 0 : i32
    %dma_start3A_950 = tpu.memref_slice %arg6[%dma_start3A_948, %dma_start3A_949] : memref<2496x128xf32, #tpu.memory_space<vmem_shared>> -> memref<2496x128xf32, #tpu.memory_space<vmem_shared>>
    tpu.enqueue_indirect_dma source(%dma_start3A_950 : memref<2496x128xf32, #tpu.memory_space<vmem_shared>>) target(%dma_start3A_944 : memref<128x128xf32, #tpu.memory_space<vmem>>) offsets(%dma_start3A_947 : memref<128xi32, #tpu.memory_space<vmem>>) semaphore(%arg11 : memref<!tpu.dma_semaphore, #tpu.memory_space<semaphore_mem>>)
    %dma_start3A_951 = arith.constant 39 : i32
    %dma_start3A_952 = arith.constant 128 : i32
    %dma_start3A_953 = arith.constant 0 : i32
    %dma_start3A_954 = tpu.memref_slice %arg8[%dma_start3A_952, %dma_start3A_953] : memref<256x128xf32, #tpu.memory_space<vmem>> -> memref<128x128xf32, #tpu.memory_space<vmem>>
    %dma_start3A_955 = arith.constant 0 : i32
    %dma_start3A_956 = tpu.memref_slice %arg5[%dma_start3A_951, %dma_start3A_955] : memref<50x128xi32, #tpu.memory_space<vmem>> -> memref<1x128xi32, #tpu.memory_space<vmem>>
    %dma_start3A_957 = tpu.memref_squeeze %dma_start3A_956 : memref<1x128xi32, #tpu.memory_space<vmem>> -> memref<128xi32, #tpu.memory_space<vmem>>
    %dma_start3A_958 = arith.constant 0 : i32
    %dma_start3A_959 = arith.constant 0 : i32
    %dma_start3A_960 = tpu.memref_slice %arg6[%dma_start3A_958, %dma_start3A_959] : memref<2496x128xf32, #tpu.memory_space<vmem_shared>> -> memref<2496x128xf32, #tpu.memory_space<vmem_shared>>
    tpu.enqueue_indirect_dma source(%dma_start3A_960 : memref<2496x128xf32, #tpu.memory_space<vmem_shared>>) target(%dma_start3A_954 : memref<128x128xf32, #tpu.memory_space<vmem>>) offsets(%dma_start3A_957 : memref<128xi32, #tpu.memory_space<vmem>>) semaphore(%arg11 : memref<!tpu.dma_semaphore, #tpu.memory_space<semaphore_mem>>)
    %dma_wait3A_961 = arith.constant 34 : i32
    %dma_wait3A_962 = arith.constant 0 : i32
    %dma_wait3A_963 = arith.constant 0 : i32
    %dma_wait3A_964 = tpu.memref_slice %arg9[%dma_wait3A_962, %dma_wait3A_963] : memref<256x128xf32, #tpu.memory_space<vmem>> -> memref<128x128xf32, #tpu.memory_space<vmem>>
    %dma_wait3A_965 = arith.constant 0 : i32
    %dma_wait3A_966 = tpu.memref_slice %arg5[%dma_wait3A_961, %dma_wait3A_965] : memref<50x128xi32, #tpu.memory_space<vmem>> -> memref<1x128xi32, #tpu.memory_space<vmem>>
    %dma_wait3A_967 = tpu.memref_squeeze %dma_wait3A_966 : memref<1x128xi32, #tpu.memory_space<vmem>> -> memref<128xi32, #tpu.memory_space<vmem>>
    %dma_wait3A_968 = arith.constant 0 : i32
    %dma_wait3A_969 = arith.constant 0 : i32
    %dma_wait3A_970 = tpu.memref_slice %arg6[%dma_wait3A_968, %dma_wait3A_969] : memref<2496x128xf32, #tpu.memory_space<vmem_shared>> -> memref<2496x128xf32, #tpu.memory_space<vmem_shared>>
    tpu.wait_indirect_dma semaphore(%arg12 : memref<!tpu.dma_semaphore, #tpu.memory_space<semaphore_mem>>) src(%dma_wait3A_970 : memref<2496x128xf32, #tpu.memory_space<vmem_shared>>) dst(%dma_wait3A_964 : memref<128x128xf32, #tpu.memory_space<vmem>>)
    %dma_wait3A_971 = arith.constant 35 : i32
    %dma_wait3A_972 = arith.constant 128 : i32
    %dma_wait3A_973 = arith.constant 0 : i32
    %dma_wait3A_974 = tpu.memref_slice %arg9[%dma_wait3A_972, %dma_wait3A_973] : memref<256x128xf32, #tpu.memory_space<vmem>> -> memref<128x128xf32, #tpu.memory_space<vmem>>
    %dma_wait3A_975 = arith.constant 0 : i32
    %dma_wait3A_976 = tpu.memref_slice %arg5[%dma_wait3A_971, %dma_wait3A_975] : memref<50x128xi32, #tpu.memory_space<vmem>> -> memref<1x128xi32, #tpu.memory_space<vmem>>
    %dma_wait3A_977 = tpu.memref_squeeze %dma_wait3A_976 : memref<1x128xi32, #tpu.memory_space<vmem>> -> memref<128xi32, #tpu.memory_space<vmem>>
    %dma_wait3A_978 = arith.constant 0 : i32
    %dma_wait3A_979 = arith.constant 0 : i32
    %dma_wait3A_980 = tpu.memref_slice %arg6[%dma_wait3A_978, %dma_wait3A_979] : memref<2496x128xf32, #tpu.memory_space<vmem_shared>> -> memref<2496x128xf32, #tpu.memory_space<vmem_shared>>
    tpu.wait_indirect_dma semaphore(%arg12 : memref<!tpu.dma_semaphore, #tpu.memory_space<semaphore_mem>>) src(%dma_wait3A_980 : memref<2496x128xf32, #tpu.memory_space<vmem_shared>>) dst(%dma_wait3A_974 : memref<128x128xf32, #tpu.memory_space<vmem>>)
    %mul3A_981 = arith.constant 6400 : i32
    %mul3A_982 = arith.muli %add3A, %mul3A_981 : i32
    %add3A_983 = arith.constant 4352 : i32
    %add3A_984 = arith.addi %mul3A_982, %add3A_983 : i32
    %dma_start3A_985 = arith.constant 0 : i32
    %dma_start3A_986 = tpu.memref_slice %arg4[%add3A_984, %dma_start3A_985] : memref<204800x128xf32, #tpu.memory_space<hbm>> -> memref<256x128xf32, #tpu.memory_space<hbm>>
    %dma_start3A_987 = arith.constant 0 : i32
    %dma_start3A_988 = tpu.memref_slice %arg4[%add3A_984, %dma_start3A_987] : memref<204800x128xf32, #tpu.memory_space<hbm>> -> memref<256x128xf32, #tpu.memory_space<hbm>>
    tpu.enqueue_dma source(%arg9 : memref<256x128xf32, #tpu.memory_space<vmem>>) target(%dma_start3A_988 : memref<256x128xf32, #tpu.memory_space<hbm>>) target_semaphore(%arg15 : memref<!tpu.dma_semaphore, #tpu.memory_space<semaphore_mem>>)
    %dma_wait3A_989 = arith.constant 0 : i32
    %dma_wait3A_990 = tpu.memref_slice %arg4[%add3A_984, %dma_wait3A_989] : memref<204800x128xf32, #tpu.memory_space<hbm>> -> memref<256x128xf32, #tpu.memory_space<hbm>>
    %dma_wait3A_991 = arith.constant 0 : i32
    %dma_wait3A_992 = tpu.memref_slice %arg4[%add3A_984, %dma_wait3A_991] : memref<204800x128xf32, #tpu.memory_space<hbm>> -> memref<256x128xf32, #tpu.memory_space<hbm>>
    tpu.wait_dma2 semaphore(%arg15 : memref<!tpu.dma_semaphore, #tpu.memory_space<semaphore_mem>>) src(%arg9 : memref<256x128xf32, #tpu.memory_space<vmem>>) dst(%dma_wait3A_992 : memref<256x128xf32, #tpu.memory_space<hbm>>)
    %dma_start3A_993 = arith.constant 40 : i32
    %dma_start3A_994 = arith.constant 0 : i32
    %dma_start3A_995 = arith.constant 0 : i32
    %dma_start3A_996 = tpu.memref_slice %arg9[%dma_start3A_994, %dma_start3A_995] : memref<256x128xf32, #tpu.memory_space<vmem>> -> memref<128x128xf32, #tpu.memory_space<vmem>>
    %dma_start3A_997 = arith.constant 0 : i32
    %dma_start3A_998 = tpu.memref_slice %arg5[%dma_start3A_993, %dma_start3A_997] : memref<50x128xi32, #tpu.memory_space<vmem>> -> memref<1x128xi32, #tpu.memory_space<vmem>>
    %dma_start3A_999 = tpu.memref_squeeze %dma_start3A_998 : memref<1x128xi32, #tpu.memory_space<vmem>> -> memref<128xi32, #tpu.memory_space<vmem>>
    %dma_start3A_1000 = arith.constant 0 : i32
    %dma_start3A_1001 = arith.constant 0 : i32
    %dma_start3A_1002 = tpu.memref_slice %arg6[%dma_start3A_1000, %dma_start3A_1001] : memref<2496x128xf32, #tpu.memory_space<vmem_shared>> -> memref<2496x128xf32, #tpu.memory_space<vmem_shared>>
    tpu.enqueue_indirect_dma source(%dma_start3A_1002 : memref<2496x128xf32, #tpu.memory_space<vmem_shared>>) target(%dma_start3A_996 : memref<128x128xf32, #tpu.memory_space<vmem>>) offsets(%dma_start3A_999 : memref<128xi32, #tpu.memory_space<vmem>>) semaphore(%arg12 : memref<!tpu.dma_semaphore, #tpu.memory_space<semaphore_mem>>)
    %dma_start3A_1003 = arith.constant 41 : i32
    %dma_start3A_1004 = arith.constant 128 : i32
    %dma_start3A_1005 = arith.constant 0 : i32
    %dma_start3A_1006 = tpu.memref_slice %arg9[%dma_start3A_1004, %dma_start3A_1005] : memref<256x128xf32, #tpu.memory_space<vmem>> -> memref<128x128xf32, #tpu.memory_space<vmem>>
    %dma_start3A_1007 = arith.constant 0 : i32
    %dma_start3A_1008 = tpu.memref_slice %arg5[%dma_start3A_1003, %dma_start3A_1007] : memref<50x128xi32, #tpu.memory_space<vmem>> -> memref<1x128xi32, #tpu.memory_space<vmem>>
    %dma_start3A_1009 = tpu.memref_squeeze %dma_start3A_1008 : memref<1x128xi32, #tpu.memory_space<vmem>> -> memref<128xi32, #tpu.memory_space<vmem>>
    %dma_start3A_1010 = arith.constant 0 : i32
    %dma_start3A_1011 = arith.constant 0 : i32
    %dma_start3A_1012 = tpu.memref_slice %arg6[%dma_start3A_1010, %dma_start3A_1011] : memref<2496x128xf32, #tpu.memory_space<vmem_shared>> -> memref<2496x128xf32, #tpu.memory_space<vmem_shared>>
    tpu.enqueue_indirect_dma source(%dma_start3A_1012 : memref<2496x128xf32, #tpu.memory_space<vmem_shared>>) target(%dma_start3A_1006 : memref<128x128xf32, #tpu.memory_space<vmem>>) offsets(%dma_start3A_1009 : memref<128xi32, #tpu.memory_space<vmem>>) semaphore(%arg12 : memref<!tpu.dma_semaphore, #tpu.memory_space<semaphore_mem>>)
    %dma_wait3A_1013 = arith.constant 36 : i32
    %dma_wait3A_1014 = arith.constant 0 : i32
    %dma_wait3A_1015 = arith.constant 0 : i32
    %dma_wait3A_1016 = tpu.memref_slice %arg7[%dma_wait3A_1014, %dma_wait3A_1015] : memref<256x128xf32, #tpu.memory_space<vmem>> -> memref<128x128xf32, #tpu.memory_space<vmem>>
    %dma_wait3A_1017 = arith.constant 0 : i32
    %dma_wait3A_1018 = tpu.memref_slice %arg5[%dma_wait3A_1013, %dma_wait3A_1017] : memref<50x128xi32, #tpu.memory_space<vmem>> -> memref<1x128xi32, #tpu.memory_space<vmem>>
    %dma_wait3A_1019 = tpu.memref_squeeze %dma_wait3A_1018 : memref<1x128xi32, #tpu.memory_space<vmem>> -> memref<128xi32, #tpu.memory_space<vmem>>
    %dma_wait3A_1020 = arith.constant 0 : i32
    %dma_wait3A_1021 = arith.constant 0 : i32
    %dma_wait3A_1022 = tpu.memref_slice %arg6[%dma_wait3A_1020, %dma_wait3A_1021] : memref<2496x128xf32, #tpu.memory_space<vmem_shared>> -> memref<2496x128xf32, #tpu.memory_space<vmem_shared>>
    tpu.wait_indirect_dma semaphore(%arg10 : memref<!tpu.dma_semaphore, #tpu.memory_space<semaphore_mem>>) src(%dma_wait3A_1022 : memref<2496x128xf32, #tpu.memory_space<vmem_shared>>) dst(%dma_wait3A_1016 : memref<128x128xf32, #tpu.memory_space<vmem>>)
    %dma_wait3A_1023 = arith.constant 37 : i32
    %dma_wait3A_1024 = arith.constant 128 : i32
    %dma_wait3A_1025 = arith.constant 0 : i32
    %dma_wait3A_1026 = tpu.memref_slice %arg7[%dma_wait3A_1024, %dma_wait3A_1025] : memref<256x128xf32, #tpu.memory_space<vmem>> -> memref<128x128xf32, #tpu.memory_space<vmem>>
    %dma_wait3A_1027 = arith.constant 0 : i32
    %dma_wait3A_1028 = tpu.memref_slice %arg5[%dma_wait3A_1023, %dma_wait3A_1027] : memref<50x128xi32, #tpu.memory_space<vmem>> -> memref<1x128xi32, #tpu.memory_space<vmem>>
    %dma_wait3A_1029 = tpu.memref_squeeze %dma_wait3A_1028 : memref<1x128xi32, #tpu.memory_space<vmem>> -> memref<128xi32, #tpu.memory_space<vmem>>
    %dma_wait3A_1030 = arith.constant 0 : i32
    %dma_wait3A_1031 = arith.constant 0 : i32
    %dma_wait3A_1032 = tpu.memref_slice %arg6[%dma_wait3A_1030, %dma_wait3A_1031] : memref<2496x128xf32, #tpu.memory_space<vmem_shared>> -> memref<2496x128xf32, #tpu.memory_space<vmem_shared>>
    tpu.wait_indirect_dma semaphore(%arg10 : memref<!tpu.dma_semaphore, #tpu.memory_space<semaphore_mem>>) src(%dma_wait3A_1032 : memref<2496x128xf32, #tpu.memory_space<vmem_shared>>) dst(%dma_wait3A_1026 : memref<128x128xf32, #tpu.memory_space<vmem>>)
    %mul3A_1033 = arith.constant 6400 : i32
    %mul3A_1034 = arith.muli %add3A, %mul3A_1033 : i32
    %add3A_1035 = arith.constant 4608 : i32
    %add3A_1036 = arith.addi %mul3A_1034, %add3A_1035 : i32
    %dma_start3A_1037 = arith.constant 0 : i32
    %dma_start3A_1038 = tpu.memref_slice %arg4[%add3A_1036, %dma_start3A_1037] : memref<204800x128xf32, #tpu.memory_space<hbm>> -> memref<256x128xf32, #tpu.memory_space<hbm>>
    %dma_start3A_1039 = arith.constant 0 : i32
    %dma_start3A_1040 = tpu.memref_slice %arg4[%add3A_1036, %dma_start3A_1039] : memref<204800x128xf32, #tpu.memory_space<hbm>> -> memref<256x128xf32, #tpu.memory_space<hbm>>
    tpu.enqueue_dma source(%arg7 : memref<256x128xf32, #tpu.memory_space<vmem>>) target(%dma_start3A_1040 : memref<256x128xf32, #tpu.memory_space<hbm>>) target_semaphore(%arg13 : memref<!tpu.dma_semaphore, #tpu.memory_space<semaphore_mem>>)
    %dma_wait3A_1041 = arith.constant 0 : i32
    %dma_wait3A_1042 = tpu.memref_slice %arg4[%add3A_1036, %dma_wait3A_1041] : memref<204800x128xf32, #tpu.memory_space<hbm>> -> memref<256x128xf32, #tpu.memory_space<hbm>>
    %dma_wait3A_1043 = arith.constant 0 : i32
    %dma_wait3A_1044 = tpu.memref_slice %arg4[%add3A_1036, %dma_wait3A_1043] : memref<204800x128xf32, #tpu.memory_space<hbm>> -> memref<256x128xf32, #tpu.memory_space<hbm>>
    tpu.wait_dma2 semaphore(%arg13 : memref<!tpu.dma_semaphore, #tpu.memory_space<semaphore_mem>>) src(%arg7 : memref<256x128xf32, #tpu.memory_space<vmem>>) dst(%dma_wait3A_1044 : memref<256x128xf32, #tpu.memory_space<hbm>>)
    %dma_start3A_1045 = arith.constant 42 : i32
    %dma_start3A_1046 = arith.constant 0 : i32
    %dma_start3A_1047 = arith.constant 0 : i32
    %dma_start3A_1048 = tpu.memref_slice %arg7[%dma_start3A_1046, %dma_start3A_1047] : memref<256x128xf32, #tpu.memory_space<vmem>> -> memref<128x128xf32, #tpu.memory_space<vmem>>
    %dma_start3A_1049 = arith.constant 0 : i32
    %dma_start3A_1050 = tpu.memref_slice %arg5[%dma_start3A_1045, %dma_start3A_1049] : memref<50x128xi32, #tpu.memory_space<vmem>> -> memref<1x128xi32, #tpu.memory_space<vmem>>
    %dma_start3A_1051 = tpu.memref_squeeze %dma_start3A_1050 : memref<1x128xi32, #tpu.memory_space<vmem>> -> memref<128xi32, #tpu.memory_space<vmem>>
    %dma_start3A_1052 = arith.constant 0 : i32
    %dma_start3A_1053 = arith.constant 0 : i32
    %dma_start3A_1054 = tpu.memref_slice %arg6[%dma_start3A_1052, %dma_start3A_1053] : memref<2496x128xf32, #tpu.memory_space<vmem_shared>> -> memref<2496x128xf32, #tpu.memory_space<vmem_shared>>
    tpu.enqueue_indirect_dma source(%dma_start3A_1054 : memref<2496x128xf32, #tpu.memory_space<vmem_shared>>) target(%dma_start3A_1048 : memref<128x128xf32, #tpu.memory_space<vmem>>) offsets(%dma_start3A_1051 : memref<128xi32, #tpu.memory_space<vmem>>) semaphore(%arg10 : memref<!tpu.dma_semaphore, #tpu.memory_space<semaphore_mem>>)
    %dma_start3A_1055 = arith.constant 43 : i32
    %dma_start3A_1056 = arith.constant 128 : i32
    %dma_start3A_1057 = arith.constant 0 : i32
    %dma_start3A_1058 = tpu.memref_slice %arg7[%dma_start3A_1056, %dma_start3A_1057] : memref<256x128xf32, #tpu.memory_space<vmem>> -> memref<128x128xf32, #tpu.memory_space<vmem>>
    %dma_start3A_1059 = arith.constant 0 : i32
    %dma_start3A_1060 = tpu.memref_slice %arg5[%dma_start3A_1055, %dma_start3A_1059] : memref<50x128xi32, #tpu.memory_space<vmem>> -> memref<1x128xi32, #tpu.memory_space<vmem>>
    %dma_start3A_1061 = tpu.memref_squeeze %dma_start3A_1060 : memref<1x128xi32, #tpu.memory_space<vmem>> -> memref<128xi32, #tpu.memory_space<vmem>>
    %dma_start3A_1062 = arith.constant 0 : i32
    %dma_start3A_1063 = arith.constant 0 : i32
    %dma_start3A_1064 = tpu.memref_slice %arg6[%dma_start3A_1062, %dma_start3A_1063] : memref<2496x128xf32, #tpu.memory_space<vmem_shared>> -> memref<2496x128xf32, #tpu.memory_space<vmem_shared>>
    tpu.enqueue_indirect_dma source(%dma_start3A_1064 : memref<2496x128xf32, #tpu.memory_space<vmem_shared>>) target(%dma_start3A_1058 : memref<128x128xf32, #tpu.memory_space<vmem>>) offsets(%dma_start3A_1061 : memref<128xi32, #tpu.memory_space<vmem>>) semaphore(%arg10 : memref<!tpu.dma_semaphore, #tpu.memory_space<semaphore_mem>>)
    %dma_wait3A_1065 = arith.constant 38 : i32
    %dma_wait3A_1066 = arith.constant 0 : i32
    %dma_wait3A_1067 = arith.constant 0 : i32
    %dma_wait3A_1068 = tpu.memref_slice %arg8[%dma_wait3A_1066, %dma_wait3A_1067] : memref<256x128xf32, #tpu.memory_space<vmem>> -> memref<128x128xf32, #tpu.memory_space<vmem>>
    %dma_wait3A_1069 = arith.constant 0 : i32
    %dma_wait3A_1070 = tpu.memref_slice %arg5[%dma_wait3A_1065, %dma_wait3A_1069] : memref<50x128xi32, #tpu.memory_space<vmem>> -> memref<1x128xi32, #tpu.memory_space<vmem>>
    %dma_wait3A_1071 = tpu.memref_squeeze %dma_wait3A_1070 : memref<1x128xi32, #tpu.memory_space<vmem>> -> memref<128xi32, #tpu.memory_space<vmem>>
    %dma_wait3A_1072 = arith.constant 0 : i32
    %dma_wait3A_1073 = arith.constant 0 : i32
    %dma_wait3A_1074 = tpu.memref_slice %arg6[%dma_wait3A_1072, %dma_wait3A_1073] : memref<2496x128xf32, #tpu.memory_space<vmem_shared>> -> memref<2496x128xf32, #tpu.memory_space<vmem_shared>>
    tpu.wait_indirect_dma semaphore(%arg11 : memref<!tpu.dma_semaphore, #tpu.memory_space<semaphore_mem>>) src(%dma_wait3A_1074 : memref<2496x128xf32, #tpu.memory_space<vmem_shared>>) dst(%dma_wait3A_1068 : memref<128x128xf32, #tpu.memory_space<vmem>>)
    %dma_wait3A_1075 = arith.constant 39 : i32
    %dma_wait3A_1076 = arith.constant 128 : i32
    %dma_wait3A_1077 = arith.constant 0 : i32
    %dma_wait3A_1078 = tpu.memref_slice %arg8[%dma_wait3A_1076, %dma_wait3A_1077] : memref<256x128xf32, #tpu.memory_space<vmem>> -> memref<128x128xf32, #tpu.memory_space<vmem>>
    %dma_wait3A_1079 = arith.constant 0 : i32
    %dma_wait3A_1080 = tpu.memref_slice %arg5[%dma_wait3A_1075, %dma_wait3A_1079] : memref<50x128xi32, #tpu.memory_space<vmem>> -> memref<1x128xi32, #tpu.memory_space<vmem>>
    %dma_wait3A_1081 = tpu.memref_squeeze %dma_wait3A_1080 : memref<1x128xi32, #tpu.memory_space<vmem>> -> memref<128xi32, #tpu.memory_space<vmem>>
    %dma_wait3A_1082 = arith.constant 0 : i32
    %dma_wait3A_1083 = arith.constant 0 : i32
    %dma_wait3A_1084 = tpu.memref_slice %arg6[%dma_wait3A_1082, %dma_wait3A_1083] : memref<2496x128xf32, #tpu.memory_space<vmem_shared>> -> memref<2496x128xf32, #tpu.memory_space<vmem_shared>>
    tpu.wait_indirect_dma semaphore(%arg11 : memref<!tpu.dma_semaphore, #tpu.memory_space<semaphore_mem>>) src(%dma_wait3A_1084 : memref<2496x128xf32, #tpu.memory_space<vmem_shared>>) dst(%dma_wait3A_1078 : memref<128x128xf32, #tpu.memory_space<vmem>>)
    %mul3A_1085 = arith.constant 6400 : i32
    %mul3A_1086 = arith.muli %add3A, %mul3A_1085 : i32
    %add3A_1087 = arith.constant 4864 : i32
    %add3A_1088 = arith.addi %mul3A_1086, %add3A_1087 : i32
    %dma_start3A_1089 = arith.constant 0 : i32
    %dma_start3A_1090 = tpu.memref_slice %arg4[%add3A_1088, %dma_start3A_1089] : memref<204800x128xf32, #tpu.memory_space<hbm>> -> memref<256x128xf32, #tpu.memory_space<hbm>>
    %dma_start3A_1091 = arith.constant 0 : i32
    %dma_start3A_1092 = tpu.memref_slice %arg4[%add3A_1088, %dma_start3A_1091] : memref<204800x128xf32, #tpu.memory_space<hbm>> -> memref<256x128xf32, #tpu.memory_space<hbm>>
    tpu.enqueue_dma source(%arg8 : memref<256x128xf32, #tpu.memory_space<vmem>>) target(%dma_start3A_1092 : memref<256x128xf32, #tpu.memory_space<hbm>>) target_semaphore(%arg14 : memref<!tpu.dma_semaphore, #tpu.memory_space<semaphore_mem>>)
    %dma_wait3A_1093 = arith.constant 0 : i32
    %dma_wait3A_1094 = tpu.memref_slice %arg4[%add3A_1088, %dma_wait3A_1093] : memref<204800x128xf32, #tpu.memory_space<hbm>> -> memref<256x128xf32, #tpu.memory_space<hbm>>
    %dma_wait3A_1095 = arith.constant 0 : i32
    %dma_wait3A_1096 = tpu.memref_slice %arg4[%add3A_1088, %dma_wait3A_1095] : memref<204800x128xf32, #tpu.memory_space<hbm>> -> memref<256x128xf32, #tpu.memory_space<hbm>>
    tpu.wait_dma2 semaphore(%arg14 : memref<!tpu.dma_semaphore, #tpu.memory_space<semaphore_mem>>) src(%arg8 : memref<256x128xf32, #tpu.memory_space<vmem>>) dst(%dma_wait3A_1096 : memref<256x128xf32, #tpu.memory_space<hbm>>)
    %dma_start3A_1097 = arith.constant 44 : i32
    %dma_start3A_1098 = arith.constant 0 : i32
    %dma_start3A_1099 = arith.constant 0 : i32
    %dma_start3A_1100 = tpu.memref_slice %arg8[%dma_start3A_1098, %dma_start3A_1099] : memref<256x128xf32, #tpu.memory_space<vmem>> -> memref<128x128xf32, #tpu.memory_space<vmem>>
    %dma_start3A_1101 = arith.constant 0 : i32
    %dma_start3A_1102 = tpu.memref_slice %arg5[%dma_start3A_1097, %dma_start3A_1101] : memref<50x128xi32, #tpu.memory_space<vmem>> -> memref<1x128xi32, #tpu.memory_space<vmem>>
    %dma_start3A_1103 = tpu.memref_squeeze %dma_start3A_1102 : memref<1x128xi32, #tpu.memory_space<vmem>> -> memref<128xi32, #tpu.memory_space<vmem>>
    %dma_start3A_1104 = arith.constant 0 : i32
    %dma_start3A_1105 = arith.constant 0 : i32
    %dma_start3A_1106 = tpu.memref_slice %arg6[%dma_start3A_1104, %dma_start3A_1105] : memref<2496x128xf32, #tpu.memory_space<vmem_shared>> -> memref<2496x128xf32, #tpu.memory_space<vmem_shared>>
    tpu.enqueue_indirect_dma source(%dma_start3A_1106 : memref<2496x128xf32, #tpu.memory_space<vmem_shared>>) target(%dma_start3A_1100 : memref<128x128xf32, #tpu.memory_space<vmem>>) offsets(%dma_start3A_1103 : memref<128xi32, #tpu.memory_space<vmem>>) semaphore(%arg11 : memref<!tpu.dma_semaphore, #tpu.memory_space<semaphore_mem>>)
    %dma_start3A_1107 = arith.constant 45 : i32
    %dma_start3A_1108 = arith.constant 128 : i32
    %dma_start3A_1109 = arith.constant 0 : i32
    %dma_start3A_1110 = tpu.memref_slice %arg8[%dma_start3A_1108, %dma_start3A_1109] : memref<256x128xf32, #tpu.memory_space<vmem>> -> memref<128x128xf32, #tpu.memory_space<vmem>>
    %dma_start3A_1111 = arith.constant 0 : i32
    %dma_start3A_1112 = tpu.memref_slice %arg5[%dma_start3A_1107, %dma_start3A_1111] : memref<50x128xi32, #tpu.memory_space<vmem>> -> memref<1x128xi32, #tpu.memory_space<vmem>>
    %dma_start3A_1113 = tpu.memref_squeeze %dma_start3A_1112 : memref<1x128xi32, #tpu.memory_space<vmem>> -> memref<128xi32, #tpu.memory_space<vmem>>
    %dma_start3A_1114 = arith.constant 0 : i32
    %dma_start3A_1115 = arith.constant 0 : i32
    %dma_start3A_1116 = tpu.memref_slice %arg6[%dma_start3A_1114, %dma_start3A_1115] : memref<2496x128xf32, #tpu.memory_space<vmem_shared>> -> memref<2496x128xf32, #tpu.memory_space<vmem_shared>>
    tpu.enqueue_indirect_dma source(%dma_start3A_1116 : memref<2496x128xf32, #tpu.memory_space<vmem_shared>>) target(%dma_start3A_1110 : memref<128x128xf32, #tpu.memory_space<vmem>>) offsets(%dma_start3A_1113 : memref<128xi32, #tpu.memory_space<vmem>>) semaphore(%arg11 : memref<!tpu.dma_semaphore, #tpu.memory_space<semaphore_mem>>)
    %dma_wait3A_1117 = arith.constant 40 : i32
    %dma_wait3A_1118 = arith.constant 0 : i32
    %dma_wait3A_1119 = arith.constant 0 : i32
    %dma_wait3A_1120 = tpu.memref_slice %arg9[%dma_wait3A_1118, %dma_wait3A_1119] : memref<256x128xf32, #tpu.memory_space<vmem>> -> memref<128x128xf32, #tpu.memory_space<vmem>>
    %dma_wait3A_1121 = arith.constant 0 : i32
    %dma_wait3A_1122 = tpu.memref_slice %arg5[%dma_wait3A_1117, %dma_wait3A_1121] : memref<50x128xi32, #tpu.memory_space<vmem>> -> memref<1x128xi32, #tpu.memory_space<vmem>>
    %dma_wait3A_1123 = tpu.memref_squeeze %dma_wait3A_1122 : memref<1x128xi32, #tpu.memory_space<vmem>> -> memref<128xi32, #tpu.memory_space<vmem>>
    %dma_wait3A_1124 = arith.constant 0 : i32
    %dma_wait3A_1125 = arith.constant 0 : i32
    %dma_wait3A_1126 = tpu.memref_slice %arg6[%dma_wait3A_1124, %dma_wait3A_1125] : memref<2496x128xf32, #tpu.memory_space<vmem_shared>> -> memref<2496x128xf32, #tpu.memory_space<vmem_shared>>
    tpu.wait_indirect_dma semaphore(%arg12 : memref<!tpu.dma_semaphore, #tpu.memory_space<semaphore_mem>>) src(%dma_wait3A_1126 : memref<2496x128xf32, #tpu.memory_space<vmem_shared>>) dst(%dma_wait3A_1120 : memref<128x128xf32, #tpu.memory_space<vmem>>)
    %dma_wait3A_1127 = arith.constant 41 : i32
    %dma_wait3A_1128 = arith.constant 128 : i32
    %dma_wait3A_1129 = arith.constant 0 : i32
    %dma_wait3A_1130 = tpu.memref_slice %arg9[%dma_wait3A_1128, %dma_wait3A_1129] : memref<256x128xf32, #tpu.memory_space<vmem>> -> memref<128x128xf32, #tpu.memory_space<vmem>>
    %dma_wait3A_1131 = arith.constant 0 : i32
    %dma_wait3A_1132 = tpu.memref_slice %arg5[%dma_wait3A_1127, %dma_wait3A_1131] : memref<50x128xi32, #tpu.memory_space<vmem>> -> memref<1x128xi32, #tpu.memory_space<vmem>>
    %dma_wait3A_1133 = tpu.memref_squeeze %dma_wait3A_1132 : memref<1x128xi32, #tpu.memory_space<vmem>> -> memref<128xi32, #tpu.memory_space<vmem>>
    %dma_wait3A_1134 = arith.constant 0 : i32
    %dma_wait3A_1135 = arith.constant 0 : i32
    %dma_wait3A_1136 = tpu.memref_slice %arg6[%dma_wait3A_1134, %dma_wait3A_1135] : memref<2496x128xf32, #tpu.memory_space<vmem_shared>> -> memref<2496x128xf32, #tpu.memory_space<vmem_shared>>
    tpu.wait_indirect_dma semaphore(%arg12 : memref<!tpu.dma_semaphore, #tpu.memory_space<semaphore_mem>>) src(%dma_wait3A_1136 : memref<2496x128xf32, #tpu.memory_space<vmem_shared>>) dst(%dma_wait3A_1130 : memref<128x128xf32, #tpu.memory_space<vmem>>)
    %mul3A_1137 = arith.constant 6400 : i32
    %mul3A_1138 = arith.muli %add3A, %mul3A_1137 : i32
    %add3A_1139 = arith.constant 5120 : i32
    %add3A_1140 = arith.addi %mul3A_1138, %add3A_1139 : i32
    %dma_start3A_1141 = arith.constant 0 : i32
    %dma_start3A_1142 = tpu.memref_slice %arg4[%add3A_1140, %dma_start3A_1141] : memref<204800x128xf32, #tpu.memory_space<hbm>> -> memref<256x128xf32, #tpu.memory_space<hbm>>
    %dma_start3A_1143 = arith.constant 0 : i32
    %dma_start3A_1144 = tpu.memref_slice %arg4[%add3A_1140, %dma_start3A_1143] : memref<204800x128xf32, #tpu.memory_space<hbm>> -> memref<256x128xf32, #tpu.memory_space<hbm>>
    tpu.enqueue_dma source(%arg9 : memref<256x128xf32, #tpu.memory_space<vmem>>) target(%dma_start3A_1144 : memref<256x128xf32, #tpu.memory_space<hbm>>) target_semaphore(%arg15 : memref<!tpu.dma_semaphore, #tpu.memory_space<semaphore_mem>>)
    %dma_wait3A_1145 = arith.constant 0 : i32
    %dma_wait3A_1146 = tpu.memref_slice %arg4[%add3A_1140, %dma_wait3A_1145] : memref<204800x128xf32, #tpu.memory_space<hbm>> -> memref<256x128xf32, #tpu.memory_space<hbm>>
    %dma_wait3A_1147 = arith.constant 0 : i32
    %dma_wait3A_1148 = tpu.memref_slice %arg4[%add3A_1140, %dma_wait3A_1147] : memref<204800x128xf32, #tpu.memory_space<hbm>> -> memref<256x128xf32, #tpu.memory_space<hbm>>
    tpu.wait_dma2 semaphore(%arg15 : memref<!tpu.dma_semaphore, #tpu.memory_space<semaphore_mem>>) src(%arg9 : memref<256x128xf32, #tpu.memory_space<vmem>>) dst(%dma_wait3A_1148 : memref<256x128xf32, #tpu.memory_space<hbm>>)
    %dma_start3A_1149 = arith.constant 46 : i32
    %dma_start3A_1150 = arith.constant 0 : i32
    %dma_start3A_1151 = arith.constant 0 : i32
    %dma_start3A_1152 = tpu.memref_slice %arg9[%dma_start3A_1150, %dma_start3A_1151] : memref<256x128xf32, #tpu.memory_space<vmem>> -> memref<128x128xf32, #tpu.memory_space<vmem>>
    %dma_start3A_1153 = arith.constant 0 : i32
    %dma_start3A_1154 = tpu.memref_slice %arg5[%dma_start3A_1149, %dma_start3A_1153] : memref<50x128xi32, #tpu.memory_space<vmem>> -> memref<1x128xi32, #tpu.memory_space<vmem>>
    %dma_start3A_1155 = tpu.memref_squeeze %dma_start3A_1154 : memref<1x128xi32, #tpu.memory_space<vmem>> -> memref<128xi32, #tpu.memory_space<vmem>>
    %dma_start3A_1156 = arith.constant 0 : i32
    %dma_start3A_1157 = arith.constant 0 : i32
    %dma_start3A_1158 = tpu.memref_slice %arg6[%dma_start3A_1156, %dma_start3A_1157] : memref<2496x128xf32, #tpu.memory_space<vmem_shared>> -> memref<2496x128xf32, #tpu.memory_space<vmem_shared>>
    tpu.enqueue_indirect_dma source(%dma_start3A_1158 : memref<2496x128xf32, #tpu.memory_space<vmem_shared>>) target(%dma_start3A_1152 : memref<128x128xf32, #tpu.memory_space<vmem>>) offsets(%dma_start3A_1155 : memref<128xi32, #tpu.memory_space<vmem>>) semaphore(%arg12 : memref<!tpu.dma_semaphore, #tpu.memory_space<semaphore_mem>>)
    %dma_start3A_1159 = arith.constant 47 : i32
    %dma_start3A_1160 = arith.constant 128 : i32
    %dma_start3A_1161 = arith.constant 0 : i32
    %dma_start3A_1162 = tpu.memref_slice %arg9[%dma_start3A_1160, %dma_start3A_1161] : memref<256x128xf32, #tpu.memory_space<vmem>> -> memref<128x128xf32, #tpu.memory_space<vmem>>
    %dma_start3A_1163 = arith.constant 0 : i32
    %dma_start3A_1164 = tpu.memref_slice %arg5[%dma_start3A_1159, %dma_start3A_1163] : memref<50x128xi32, #tpu.memory_space<vmem>> -> memref<1x128xi32, #tpu.memory_space<vmem>>
    %dma_start3A_1165 = tpu.memref_squeeze %dma_start3A_1164 : memref<1x128xi32, #tpu.memory_space<vmem>> -> memref<128xi32, #tpu.memory_space<vmem>>
    %dma_start3A_1166 = arith.constant 0 : i32
    %dma_start3A_1167 = arith.constant 0 : i32
    %dma_start3A_1168 = tpu.memref_slice %arg6[%dma_start3A_1166, %dma_start3A_1167] : memref<2496x128xf32, #tpu.memory_space<vmem_shared>> -> memref<2496x128xf32, #tpu.memory_space<vmem_shared>>
    tpu.enqueue_indirect_dma source(%dma_start3A_1168 : memref<2496x128xf32, #tpu.memory_space<vmem_shared>>) target(%dma_start3A_1162 : memref<128x128xf32, #tpu.memory_space<vmem>>) offsets(%dma_start3A_1165 : memref<128xi32, #tpu.memory_space<vmem>>) semaphore(%arg12 : memref<!tpu.dma_semaphore, #tpu.memory_space<semaphore_mem>>)
    %dma_wait3A_1169 = arith.constant 42 : i32
    %dma_wait3A_1170 = arith.constant 0 : i32
    %dma_wait3A_1171 = arith.constant 0 : i32
    %dma_wait3A_1172 = tpu.memref_slice %arg7[%dma_wait3A_1170, %dma_wait3A_1171] : memref<256x128xf32, #tpu.memory_space<vmem>> -> memref<128x128xf32, #tpu.memory_space<vmem>>
    %dma_wait3A_1173 = arith.constant 0 : i32
    %dma_wait3A_1174 = tpu.memref_slice %arg5[%dma_wait3A_1169, %dma_wait3A_1173] : memref<50x128xi32, #tpu.memory_space<vmem>> -> memref<1x128xi32, #tpu.memory_space<vmem>>
    %dma_wait3A_1175 = tpu.memref_squeeze %dma_wait3A_1174 : memref<1x128xi32, #tpu.memory_space<vmem>> -> memref<128xi32, #tpu.memory_space<vmem>>
    %dma_wait3A_1176 = arith.constant 0 : i32
    %dma_wait3A_1177 = arith.constant 0 : i32
    %dma_wait3A_1178 = tpu.memref_slice %arg6[%dma_wait3A_1176, %dma_wait3A_1177] : memref<2496x128xf32, #tpu.memory_space<vmem_shared>> -> memref<2496x128xf32, #tpu.memory_space<vmem_shared>>
    tpu.wait_indirect_dma semaphore(%arg10 : memref<!tpu.dma_semaphore, #tpu.memory_space<semaphore_mem>>) src(%dma_wait3A_1178 : memref<2496x128xf32, #tpu.memory_space<vmem_shared>>) dst(%dma_wait3A_1172 : memref<128x128xf32, #tpu.memory_space<vmem>>)
    %dma_wait3A_1179 = arith.constant 43 : i32
    %dma_wait3A_1180 = arith.constant 128 : i32
    %dma_wait3A_1181 = arith.constant 0 : i32
    %dma_wait3A_1182 = tpu.memref_slice %arg7[%dma_wait3A_1180, %dma_wait3A_1181] : memref<256x128xf32, #tpu.memory_space<vmem>> -> memref<128x128xf32, #tpu.memory_space<vmem>>
    %dma_wait3A_1183 = arith.constant 0 : i32
    %dma_wait3A_1184 = tpu.memref_slice %arg5[%dma_wait3A_1179, %dma_wait3A_1183] : memref<50x128xi32, #tpu.memory_space<vmem>> -> memref<1x128xi32, #tpu.memory_space<vmem>>
    %dma_wait3A_1185 = tpu.memref_squeeze %dma_wait3A_1184 : memref<1x128xi32, #tpu.memory_space<vmem>> -> memref<128xi32, #tpu.memory_space<vmem>>
    %dma_wait3A_1186 = arith.constant 0 : i32
    %dma_wait3A_1187 = arith.constant 0 : i32
    %dma_wait3A_1188 = tpu.memref_slice %arg6[%dma_wait3A_1186, %dma_wait3A_1187] : memref<2496x128xf32, #tpu.memory_space<vmem_shared>> -> memref<2496x128xf32, #tpu.memory_space<vmem_shared>>
    tpu.wait_indirect_dma semaphore(%arg10 : memref<!tpu.dma_semaphore, #tpu.memory_space<semaphore_mem>>) src(%dma_wait3A_1188 : memref<2496x128xf32, #tpu.memory_space<vmem_shared>>) dst(%dma_wait3A_1182 : memref<128x128xf32, #tpu.memory_space<vmem>>)
    %mul3A_1189 = arith.constant 6400 : i32
    %mul3A_1190 = arith.muli %add3A, %mul3A_1189 : i32
    %add3A_1191 = arith.constant 5376 : i32
    %add3A_1192 = arith.addi %mul3A_1190, %add3A_1191 : i32
    %dma_start3A_1193 = arith.constant 0 : i32
    %dma_start3A_1194 = tpu.memref_slice %arg4[%add3A_1192, %dma_start3A_1193] : memref<204800x128xf32, #tpu.memory_space<hbm>> -> memref<256x128xf32, #tpu.memory_space<hbm>>
    %dma_start3A_1195 = arith.constant 0 : i32
    %dma_start3A_1196 = tpu.memref_slice %arg4[%add3A_1192, %dma_start3A_1195] : memref<204800x128xf32, #tpu.memory_space<hbm>> -> memref<256x128xf32, #tpu.memory_space<hbm>>
    tpu.enqueue_dma source(%arg7 : memref<256x128xf32, #tpu.memory_space<vmem>>) target(%dma_start3A_1196 : memref<256x128xf32, #tpu.memory_space<hbm>>) target_semaphore(%arg13 : memref<!tpu.dma_semaphore, #tpu.memory_space<semaphore_mem>>)
    %dma_wait3A_1197 = arith.constant 0 : i32
    %dma_wait3A_1198 = tpu.memref_slice %arg4[%add3A_1192, %dma_wait3A_1197] : memref<204800x128xf32, #tpu.memory_space<hbm>> -> memref<256x128xf32, #tpu.memory_space<hbm>>
    %dma_wait3A_1199 = arith.constant 0 : i32
    %dma_wait3A_1200 = tpu.memref_slice %arg4[%add3A_1192, %dma_wait3A_1199] : memref<204800x128xf32, #tpu.memory_space<hbm>> -> memref<256x128xf32, #tpu.memory_space<hbm>>
    tpu.wait_dma2 semaphore(%arg13 : memref<!tpu.dma_semaphore, #tpu.memory_space<semaphore_mem>>) src(%arg7 : memref<256x128xf32, #tpu.memory_space<vmem>>) dst(%dma_wait3A_1200 : memref<256x128xf32, #tpu.memory_space<hbm>>)
    %dma_start3A_1201 = arith.constant 48 : i32
    %dma_start3A_1202 = arith.constant 0 : i32
    %dma_start3A_1203 = arith.constant 0 : i32
    %dma_start3A_1204 = tpu.memref_slice %arg7[%dma_start3A_1202, %dma_start3A_1203] : memref<256x128xf32, #tpu.memory_space<vmem>> -> memref<128x128xf32, #tpu.memory_space<vmem>>
    %dma_start3A_1205 = arith.constant 0 : i32
    %dma_start3A_1206 = tpu.memref_slice %arg5[%dma_start3A_1201, %dma_start3A_1205] : memref<50x128xi32, #tpu.memory_space<vmem>> -> memref<1x128xi32, #tpu.memory_space<vmem>>
    %dma_start3A_1207 = tpu.memref_squeeze %dma_start3A_1206 : memref<1x128xi32, #tpu.memory_space<vmem>> -> memref<128xi32, #tpu.memory_space<vmem>>
    %dma_start3A_1208 = arith.constant 0 : i32
    %dma_start3A_1209 = arith.constant 0 : i32
    %dma_start3A_1210 = tpu.memref_slice %arg6[%dma_start3A_1208, %dma_start3A_1209] : memref<2496x128xf32, #tpu.memory_space<vmem_shared>> -> memref<2496x128xf32, #tpu.memory_space<vmem_shared>>
    tpu.enqueue_indirect_dma source(%dma_start3A_1210 : memref<2496x128xf32, #tpu.memory_space<vmem_shared>>) target(%dma_start3A_1204 : memref<128x128xf32, #tpu.memory_space<vmem>>) offsets(%dma_start3A_1207 : memref<128xi32, #tpu.memory_space<vmem>>) semaphore(%arg10 : memref<!tpu.dma_semaphore, #tpu.memory_space<semaphore_mem>>)
    %dma_start3A_1211 = arith.constant 49 : i32
    %dma_start3A_1212 = arith.constant 128 : i32
    %dma_start3A_1213 = arith.constant 0 : i32
    %dma_start3A_1214 = tpu.memref_slice %arg7[%dma_start3A_1212, %dma_start3A_1213] : memref<256x128xf32, #tpu.memory_space<vmem>> -> memref<128x128xf32, #tpu.memory_space<vmem>>
    %dma_start3A_1215 = arith.constant 0 : i32
    %dma_start3A_1216 = tpu.memref_slice %arg5[%dma_start3A_1211, %dma_start3A_1215] : memref<50x128xi32, #tpu.memory_space<vmem>> -> memref<1x128xi32, #tpu.memory_space<vmem>>
    %dma_start3A_1217 = tpu.memref_squeeze %dma_start3A_1216 : memref<1x128xi32, #tpu.memory_space<vmem>> -> memref<128xi32, #tpu.memory_space<vmem>>
    %dma_start3A_1218 = arith.constant 0 : i32
    %dma_start3A_1219 = arith.constant 0 : i32
    %dma_start3A_1220 = tpu.memref_slice %arg6[%dma_start3A_1218, %dma_start3A_1219] : memref<2496x128xf32, #tpu.memory_space<vmem_shared>> -> memref<2496x128xf32, #tpu.memory_space<vmem_shared>>
    tpu.enqueue_indirect_dma source(%dma_start3A_1220 : memref<2496x128xf32, #tpu.memory_space<vmem_shared>>) target(%dma_start3A_1214 : memref<128x128xf32, #tpu.memory_space<vmem>>) offsets(%dma_start3A_1217 : memref<128xi32, #tpu.memory_space<vmem>>) semaphore(%arg10 : memref<!tpu.dma_semaphore, #tpu.memory_space<semaphore_mem>>)
    %dma_wait3A_1221 = arith.constant 44 : i32
    %dma_wait3A_1222 = arith.constant 0 : i32
    %dma_wait3A_1223 = arith.constant 0 : i32
    %dma_wait3A_1224 = tpu.memref_slice %arg8[%dma_wait3A_1222, %dma_wait3A_1223] : memref<256x128xf32, #tpu.memory_space<vmem>> -> memref<128x128xf32, #tpu.memory_space<vmem>>
    %dma_wait3A_1225 = arith.constant 0 : i32
    %dma_wait3A_1226 = tpu.memref_slice %arg5[%dma_wait3A_1221, %dma_wait3A_1225] : memref<50x128xi32, #tpu.memory_space<vmem>> -> memref<1x128xi32, #tpu.memory_space<vmem>>
    %dma_wait3A_1227 = tpu.memref_squeeze %dma_wait3A_1226 : memref<1x128xi32, #tpu.memory_space<vmem>> -> memref<128xi32, #tpu.memory_space<vmem>>
    %dma_wait3A_1228 = arith.constant 0 : i32
    %dma_wait3A_1229 = arith.constant 0 : i32
    %dma_wait3A_1230 = tpu.memref_slice %arg6[%dma_wait3A_1228, %dma_wait3A_1229] : memref<2496x128xf32, #tpu.memory_space<vmem_shared>> -> memref<2496x128xf32, #tpu.memory_space<vmem_shared>>
    tpu.wait_indirect_dma semaphore(%arg11 : memref<!tpu.dma_semaphore, #tpu.memory_space<semaphore_mem>>) src(%dma_wait3A_1230 : memref<2496x128xf32, #tpu.memory_space<vmem_shared>>) dst(%dma_wait3A_1224 : memref<128x128xf32, #tpu.memory_space<vmem>>)
    %dma_wait3A_1231 = arith.constant 45 : i32
    %dma_wait3A_1232 = arith.constant 128 : i32
    %dma_wait3A_1233 = arith.constant 0 : i32
    %dma_wait3A_1234 = tpu.memref_slice %arg8[%dma_wait3A_1232, %dma_wait3A_1233] : memref<256x128xf32, #tpu.memory_space<vmem>> -> memref<128x128xf32, #tpu.memory_space<vmem>>
    %dma_wait3A_1235 = arith.constant 0 : i32
    %dma_wait3A_1236 = tpu.memref_slice %arg5[%dma_wait3A_1231, %dma_wait3A_1235] : memref<50x128xi32, #tpu.memory_space<vmem>> -> memref<1x128xi32, #tpu.memory_space<vmem>>
    %dma_wait3A_1237 = tpu.memref_squeeze %dma_wait3A_1236 : memref<1x128xi32, #tpu.memory_space<vmem>> -> memref<128xi32, #tpu.memory_space<vmem>>
    %dma_wait3A_1238 = arith.constant 0 : i32
    %dma_wait3A_1239 = arith.constant 0 : i32
    %dma_wait3A_1240 = tpu.memref_slice %arg6[%dma_wait3A_1238, %dma_wait3A_1239] : memref<2496x128xf32, #tpu.memory_space<vmem_shared>> -> memref<2496x128xf32, #tpu.memory_space<vmem_shared>>
    tpu.wait_indirect_dma semaphore(%arg11 : memref<!tpu.dma_semaphore, #tpu.memory_space<semaphore_mem>>) src(%dma_wait3A_1240 : memref<2496x128xf32, #tpu.memory_space<vmem_shared>>) dst(%dma_wait3A_1234 : memref<128x128xf32, #tpu.memory_space<vmem>>)
    %mul3A_1241 = arith.constant 6400 : i32
    %mul3A_1242 = arith.muli %add3A, %mul3A_1241 : i32
    %add3A_1243 = arith.constant 5632 : i32
    %add3A_1244 = arith.addi %mul3A_1242, %add3A_1243 : i32
    %dma_start3A_1245 = arith.constant 0 : i32
    %dma_start3A_1246 = tpu.memref_slice %arg4[%add3A_1244, %dma_start3A_1245] : memref<204800x128xf32, #tpu.memory_space<hbm>> -> memref<256x128xf32, #tpu.memory_space<hbm>>
    %dma_start3A_1247 = arith.constant 0 : i32
    %dma_start3A_1248 = tpu.memref_slice %arg4[%add3A_1244, %dma_start3A_1247] : memref<204800x128xf32, #tpu.memory_space<hbm>> -> memref<256x128xf32, #tpu.memory_space<hbm>>
    tpu.enqueue_dma source(%arg8 : memref<256x128xf32, #tpu.memory_space<vmem>>) target(%dma_start3A_1248 : memref<256x128xf32, #tpu.memory_space<hbm>>) target_semaphore(%arg14 : memref<!tpu.dma_semaphore, #tpu.memory_space<semaphore_mem>>)
    %dma_wait3A_1249 = arith.constant 46 : i32
    %dma_wait3A_1250 = arith.constant 0 : i32
    %dma_wait3A_1251 = arith.constant 0 : i32
    %dma_wait3A_1252 = tpu.memref_slice %arg9[%dma_wait3A_1250, %dma_wait3A_1251] : memref<256x128xf32, #tpu.memory_space<vmem>> -> memref<128x128xf32, #tpu.memory_space<vmem>>
    %dma_wait3A_1253 = arith.constant 0 : i32
    %dma_wait3A_1254 = tpu.memref_slice %arg5[%dma_wait3A_1249, %dma_wait3A_1253] : memref<50x128xi32, #tpu.memory_space<vmem>> -> memref<1x128xi32, #tpu.memory_space<vmem>>
    %dma_wait3A_1255 = tpu.memref_squeeze %dma_wait3A_1254 : memref<1x128xi32, #tpu.memory_space<vmem>> -> memref<128xi32, #tpu.memory_space<vmem>>
    %dma_wait3A_1256 = arith.constant 0 : i32
    %dma_wait3A_1257 = arith.constant 0 : i32
    %dma_wait3A_1258 = tpu.memref_slice %arg6[%dma_wait3A_1256, %dma_wait3A_1257] : memref<2496x128xf32, #tpu.memory_space<vmem_shared>> -> memref<2496x128xf32, #tpu.memory_space<vmem_shared>>
    tpu.wait_indirect_dma semaphore(%arg12 : memref<!tpu.dma_semaphore, #tpu.memory_space<semaphore_mem>>) src(%dma_wait3A_1258 : memref<2496x128xf32, #tpu.memory_space<vmem_shared>>) dst(%dma_wait3A_1252 : memref<128x128xf32, #tpu.memory_space<vmem>>)
    %dma_wait3A_1259 = arith.constant 47 : i32
    %dma_wait3A_1260 = arith.constant 128 : i32
    %dma_wait3A_1261 = arith.constant 0 : i32
    %dma_wait3A_1262 = tpu.memref_slice %arg9[%dma_wait3A_1260, %dma_wait3A_1261] : memref<256x128xf32, #tpu.memory_space<vmem>> -> memref<128x128xf32, #tpu.memory_space<vmem>>
    %dma_wait3A_1263 = arith.constant 0 : i32
    %dma_wait3A_1264 = tpu.memref_slice %arg5[%dma_wait3A_1259, %dma_wait3A_1263] : memref<50x128xi32, #tpu.memory_space<vmem>> -> memref<1x128xi32, #tpu.memory_space<vmem>>
    %dma_wait3A_1265 = tpu.memref_squeeze %dma_wait3A_1264 : memref<1x128xi32, #tpu.memory_space<vmem>> -> memref<128xi32, #tpu.memory_space<vmem>>
    %dma_wait3A_1266 = arith.constant 0 : i32
    %dma_wait3A_1267 = arith.constant 0 : i32
    %dma_wait3A_1268 = tpu.memref_slice %arg6[%dma_wait3A_1266, %dma_wait3A_1267] : memref<2496x128xf32, #tpu.memory_space<vmem_shared>> -> memref<2496x128xf32, #tpu.memory_space<vmem_shared>>
    tpu.wait_indirect_dma semaphore(%arg12 : memref<!tpu.dma_semaphore, #tpu.memory_space<semaphore_mem>>) src(%dma_wait3A_1268 : memref<2496x128xf32, #tpu.memory_space<vmem_shared>>) dst(%dma_wait3A_1262 : memref<128x128xf32, #tpu.memory_space<vmem>>)
    %mul3A_1269 = arith.constant 6400 : i32
    %mul3A_1270 = arith.muli %add3A, %mul3A_1269 : i32
    %add3A_1271 = arith.constant 5888 : i32
    %add3A_1272 = arith.addi %mul3A_1270, %add3A_1271 : i32
    %dma_start3A_1273 = arith.constant 0 : i32
    %dma_start3A_1274 = tpu.memref_slice %arg4[%add3A_1272, %dma_start3A_1273] : memref<204800x128xf32, #tpu.memory_space<hbm>> -> memref<256x128xf32, #tpu.memory_space<hbm>>
    %dma_start3A_1275 = arith.constant 0 : i32
    %dma_start3A_1276 = tpu.memref_slice %arg4[%add3A_1272, %dma_start3A_1275] : memref<204800x128xf32, #tpu.memory_space<hbm>> -> memref<256x128xf32, #tpu.memory_space<hbm>>
    tpu.enqueue_dma source(%arg9 : memref<256x128xf32, #tpu.memory_space<vmem>>) target(%dma_start3A_1276 : memref<256x128xf32, #tpu.memory_space<hbm>>) target_semaphore(%arg15 : memref<!tpu.dma_semaphore, #tpu.memory_space<semaphore_mem>>)
    %dma_wait3A_1277 = arith.constant 48 : i32
    %dma_wait3A_1278 = arith.constant 0 : i32
    %dma_wait3A_1279 = arith.constant 0 : i32
    %dma_wait3A_1280 = tpu.memref_slice %arg7[%dma_wait3A_1278, %dma_wait3A_1279] : memref<256x128xf32, #tpu.memory_space<vmem>> -> memref<128x128xf32, #tpu.memory_space<vmem>>
    %dma_wait3A_1281 = arith.constant 0 : i32
    %dma_wait3A_1282 = tpu.memref_slice %arg5[%dma_wait3A_1277, %dma_wait3A_1281] : memref<50x128xi32, #tpu.memory_space<vmem>> -> memref<1x128xi32, #tpu.memory_space<vmem>>
    %dma_wait3A_1283 = tpu.memref_squeeze %dma_wait3A_1282 : memref<1x128xi32, #tpu.memory_space<vmem>> -> memref<128xi32, #tpu.memory_space<vmem>>
    %dma_wait3A_1284 = arith.constant 0 : i32
    %dma_wait3A_1285 = arith.constant 0 : i32
    %dma_wait3A_1286 = tpu.memref_slice %arg6[%dma_wait3A_1284, %dma_wait3A_1285] : memref<2496x128xf32, #tpu.memory_space<vmem_shared>> -> memref<2496x128xf32, #tpu.memory_space<vmem_shared>>
    tpu.wait_indirect_dma semaphore(%arg10 : memref<!tpu.dma_semaphore, #tpu.memory_space<semaphore_mem>>) src(%dma_wait3A_1286 : memref<2496x128xf32, #tpu.memory_space<vmem_shared>>) dst(%dma_wait3A_1280 : memref<128x128xf32, #tpu.memory_space<vmem>>)
    %dma_wait3A_1287 = arith.constant 49 : i32
    %dma_wait3A_1288 = arith.constant 128 : i32
    %dma_wait3A_1289 = arith.constant 0 : i32
    %dma_wait3A_1290 = tpu.memref_slice %arg7[%dma_wait3A_1288, %dma_wait3A_1289] : memref<256x128xf32, #tpu.memory_space<vmem>> -> memref<128x128xf32, #tpu.memory_space<vmem>>
    %dma_wait3A_1291 = arith.constant 0 : i32
    %dma_wait3A_1292 = tpu.memref_slice %arg5[%dma_wait3A_1287, %dma_wait3A_1291] : memref<50x128xi32, #tpu.memory_space<vmem>> -> memref<1x128xi32, #tpu.memory_space<vmem>>
    %dma_wait3A_1293 = tpu.memref_squeeze %dma_wait3A_1292 : memref<1x128xi32, #tpu.memory_space<vmem>> -> memref<128xi32, #tpu.memory_space<vmem>>
    %dma_wait3A_1294 = arith.constant 0 : i32
    %dma_wait3A_1295 = arith.constant 0 : i32
    %dma_wait3A_1296 = tpu.memref_slice %arg6[%dma_wait3A_1294, %dma_wait3A_1295] : memref<2496x128xf32, #tpu.memory_space<vmem_shared>> -> memref<2496x128xf32, #tpu.memory_space<vmem_shared>>
    tpu.wait_indirect_dma semaphore(%arg10 : memref<!tpu.dma_semaphore, #tpu.memory_space<semaphore_mem>>) src(%dma_wait3A_1296 : memref<2496x128xf32, #tpu.memory_space<vmem_shared>>) dst(%dma_wait3A_1290 : memref<128x128xf32, #tpu.memory_space<vmem>>)
    %mul3A_1297 = arith.constant 6400 : i32
    %mul3A_1298 = arith.muli %add3A, %mul3A_1297 : i32
    %add3A_1299 = arith.constant 6144 : i32
    %add3A_1300 = arith.addi %mul3A_1298, %add3A_1299 : i32
    %dma_start3A_1301 = arith.constant 0 : i32
    %dma_start3A_1302 = tpu.memref_slice %arg4[%add3A_1300, %dma_start3A_1301] : memref<204800x128xf32, #tpu.memory_space<hbm>> -> memref<256x128xf32, #tpu.memory_space<hbm>>
    %dma_start3A_1303 = arith.constant 0 : i32
    %dma_start3A_1304 = tpu.memref_slice %arg4[%add3A_1300, %dma_start3A_1303] : memref<204800x128xf32, #tpu.memory_space<hbm>> -> memref<256x128xf32, #tpu.memory_space<hbm>>
    tpu.enqueue_dma source(%arg7 : memref<256x128xf32, #tpu.memory_space<vmem>>) target(%dma_start3A_1304 : memref<256x128xf32, #tpu.memory_space<hbm>>) target_semaphore(%arg13 : memref<!tpu.dma_semaphore, #tpu.memory_space<semaphore_mem>>)
    %dma_wait3A_1305 = arith.constant 0 : i32
    %dma_wait3A_1306 = tpu.memref_slice %arg4[%add3A_1244, %dma_wait3A_1305] : memref<204800x128xf32, #tpu.memory_space<hbm>> -> memref<256x128xf32, #tpu.memory_space<hbm>>
    %dma_wait3A_1307 = arith.constant 0 : i32
    %dma_wait3A_1308 = tpu.memref_slice %arg4[%add3A_1244, %dma_wait3A_1307] : memref<204800x128xf32, #tpu.memory_space<hbm>> -> memref<256x128xf32, #tpu.memory_space<hbm>>
    tpu.wait_dma2 semaphore(%arg14 : memref<!tpu.dma_semaphore, #tpu.memory_space<semaphore_mem>>) src(%arg8 : memref<256x128xf32, #tpu.memory_space<vmem>>) dst(%dma_wait3A_1308 : memref<256x128xf32, #tpu.memory_space<hbm>>)
    %dma_wait3A_1309 = arith.constant 0 : i32
    %dma_wait3A_1310 = tpu.memref_slice %arg4[%add3A_1272, %dma_wait3A_1309] : memref<204800x128xf32, #tpu.memory_space<hbm>> -> memref<256x128xf32, #tpu.memory_space<hbm>>
    %dma_wait3A_1311 = arith.constant 0 : i32
    %dma_wait3A_1312 = tpu.memref_slice %arg4[%add3A_1272, %dma_wait3A_1311] : memref<204800x128xf32, #tpu.memory_space<hbm>> -> memref<256x128xf32, #tpu.memory_space<hbm>>
    tpu.wait_dma2 semaphore(%arg15 : memref<!tpu.dma_semaphore, #tpu.memory_space<semaphore_mem>>) src(%arg9 : memref<256x128xf32, #tpu.memory_space<vmem>>) dst(%dma_wait3A_1312 : memref<256x128xf32, #tpu.memory_space<hbm>>)
    %dma_wait3A_1313 = arith.constant 0 : i32
    %dma_wait3A_1314 = tpu.memref_slice %arg4[%add3A_1300, %dma_wait3A_1313] : memref<204800x128xf32, #tpu.memory_space<hbm>> -> memref<256x128xf32, #tpu.memory_space<hbm>>
    %dma_wait3A_1315 = arith.constant 0 : i32
    %dma_wait3A_1316 = tpu.memref_slice %arg4[%add3A_1300, %dma_wait3A_1315] : memref<204800x128xf32, #tpu.memory_space<hbm>> -> memref<256x128xf32, #tpu.memory_space<hbm>>
    tpu.wait_dma2 semaphore(%arg13 : memref<!tpu.dma_semaphore, #tpu.memory_space<semaphore_mem>>) src(%arg7 : memref<256x128xf32, #tpu.memory_space<vmem>>) dst(%dma_wait3A_1316 : memref<256x128xf32, #tpu.memory_space<hbm>>)
    return
  }
}

module attributes {stable_mosaic.version = 14 : i64} {
  func.func @_tc_prep_body(%arg0: memref<200x1024xi32, #tpu.memory_space<vmem>>, %arg1: memref<200x1024xi32, #tpu.memory_space<vmem>>, %arg2: memref<200x1024xi32, #tpu.memory_space<vmem>>, %arg3: memref<13x128xf32, #tpu.memory_space<vmem>>, %arg4: memref<6x128xf32, #tpu.memory_space<vmem>>, %arg5: memref<32x128xf32, #tpu.memory_space<vmem>>, %arg6: memref<2496x128xf32, #tpu.memory_space<vmem>>, %arg7: memref<200x1024xi32, #tpu.memory_space<vmem>>) attributes {dimension_semantics = [], scalar_prefetch = 0 : i64, scratch_operands = 0 : i64, tpu.core_type = #tpu.core_type<tc>} {
    %get3A = arith.constant 0 : index
    %get3A_0 = arith.constant 0 : index
    %get3A_1 = vector.load %arg0[%get3A, %get3A_0] : memref<200x1024xi32, #tpu.memory_space<vmem>>, vector<200x1024xi32>
    %mul3A = arith.constant 192 : i32
    %mul3A_2 = vector.broadcast %mul3A : i32 to vector<200x1024xi32>
    %mul3A_3 = arith.muli %get3A_1, %mul3A_2 : vector<200x1024xi32>
    %get3A_4 = arith.constant 0 : index
    %get3A_5 = arith.constant 0 : index
    %get3A_6 = vector.load %arg1[%get3A_4, %get3A_5] : memref<200x1024xi32, #tpu.memory_space<vmem>>, vector<200x1024xi32>
    %mul3A_7 = arith.constant 32 : i32
    %mul3A_8 = vector.broadcast %mul3A_7 : i32 to vector<200x1024xi32>
    %mul3A_9 = arith.muli %get3A_6, %mul3A_8 : vector<200x1024xi32>
    %add3A = arith.addi %mul3A_3, %mul3A_9 : vector<200x1024xi32>
    %get3A_10 = arith.constant 0 : index
    %get3A_11 = arith.constant 0 : index
    %get3A_12 = vector.load %arg2[%get3A_10, %get3A_11] : memref<200x1024xi32, #tpu.memory_space<vmem>>, vector<200x1024xi32>
    %add3A_13 = arith.addi %add3A, %get3A_12 : vector<200x1024xi32>
    %swap3A = arith.constant 0 : index
    %swap3A_14 = arith.constant 0 : index
    %swap3A_15 = vector.load %arg7[%swap3A, %swap3A_14] : memref<200x1024xi32, #tpu.memory_space<vmem>>, vector<200x1024xi32>
    tpu.vector_store %arg7[%swap3A, %swap3A_14], %add3A_13 {strides = array<i32>} : memref<200x1024xi32, #tpu.memory_space<vmem>>, vector<200x1024xi32>,
    %iota3A = tpu.iota {dimensions = array<i32: 0>} : vector<2496x32xi32>
    %iota3A_16 = tpu.iota {dimensions = array<i32: 1>} : vector<2496x32xi32>
    %jit3A = arith.constant 32 : i32
    %eq3A = arith.constant 0 : i32
    %eq3A_17 = arith.cmpi eq, %jit3A, %eq3A : i32
    %jit3A_18 = arith.constant 1 : i32
    %select_n3A = arith.select %eq3A_17, %jit3A_18, %jit3A : i32
    %rem3A = vector.broadcast %select_n3A : i32 to vector<2496x32xi32>
    %rem3A_19 = arith.remsi %iota3A, %rem3A : vector<2496x32xi32>
    %ne3A = arith.constant 0 : i32
    %ne3A_20 = vector.broadcast %ne3A : i32 to vector<2496x32xi32>
    %ne3A_21 = arith.cmpi ne, %rem3A_19, %ne3A_20 : vector<2496x32xi32>
    %lt3A = arith.constant 0 : i32
    %lt3A_22 = vector.broadcast %lt3A : i32 to vector<2496x32xi32>
    %lt3A_23 = arith.cmpi slt, %rem3A_19, %lt3A_22 : vector<2496x32xi32>
    %lt3A_24 = arith.constant 0 : i32
    %lt3A_25 = arith.cmpi slt, %select_n3A, %lt3A_24 : i32
    %ne3A_26 = vector.broadcast %lt3A_25 : i1 to vector<2496x32xi1>
    %ne3A_27 = vector.broadcast %ne3A_26 : vector<2496x32xi1> to vector<2496x32xi1>
    %ne3A_28 = arith.xori %lt3A_23, %ne3A_27 : vector<2496x32xi1>
    %and3A = arith.andi %ne3A_28, %ne3A_21 : vector<2496x32xi1>
    %add3A_29 = vector.broadcast %select_n3A : i32 to vector<2496x32xi32>
    %add3A_30 = arith.addi %rem3A_19, %add3A_29 : vector<2496x32xi32>
    %select_n3A_31 = arith.select %and3A, %add3A_30, %rem3A_19 : vector<2496x32xi1>, vector<2496x32xi32>
    %eq3A_32 = arith.cmpi eq, %iota3A_16, %select_n3A_31 : vector<2496x32xi32>
    %convert_element_type3A = arith.extui %eq3A_32 : vector<2496x32xi1> to vector<2496x32xi32>
    %convert_element_type3A_33 = arith.sitofp %convert_element_type3A : vector<2496x32xi32> to vector<2496x32xf32>
    %get3A_34 = arith.constant 0 : index
    %get3A_35 = arith.constant 0 : index
    %get3A_36 = vector.load %arg5[%get3A_34, %get3A_35] : memref<32x128xf32, #tpu.memory_space<vmem>>, vector<32x128xf32>
    %dot_general3A = arith.constant dense<0.000000e+00> : vector<2496x128xf32>
    %dot_general3A_37 = tpu.matmul %convert_element_type3A_33, %get3A_36, %dot_general3A {dimension_numbers = #tpu.dot_dimension_numbers<[1], [0], [0], [1], [0, 0, 1, 1], [], []>, transpose_lhs_hint = false} : vector<2496x32xf32>, vector<32x128xf32>, vector<2496x128xf32> -> vector<2496x128xf32>
    %iota3A_38 = tpu.iota {dimensions = array<i32: 0>} : vector<2496x6xi32>
    %iota3A_39 = tpu.iota {dimensions = array<i32: 1>} : vector<2496x6xi32>
    %jit3A_40 = arith.constant 32 : i32
    %div3A = vector.broadcast %jit3A_40 : i32 to vector<2496x6xi32>
    %div3A_41 = arith.divsi %iota3A_38, %div3A : vector<2496x6xi32>
    %sign3A = arith.constant 0 : i32
    %sign3A_42 = vector.broadcast %sign3A : i32 to vector<2496x6xi32>
    %sign3A_43 = arith.cmpi sgt, %iota3A_38, %sign3A_42 : vector<2496x6xi32>
    %sign3A_44 = arith.extui %sign3A_43 : vector<2496x6xi1> to vector<2496x6xi32>
    %sign3A_45 = arith.constant 0 : i32
    %sign3A_46 = vector.broadcast %sign3A_45 : i32 to vector<2496x6xi32>
    %sign3A_47 = arith.cmpi slt, %iota3A_38, %sign3A_46 : vector<2496x6xi32>
    %sign3A_48 = arith.extui %sign3A_47 : vector<2496x6xi1> to vector<2496x6xi32>
    %sign3A_49 = arith.subi %sign3A_44, %sign3A_48 : vector<2496x6xi32>
    %sign3A_50 = arith.constant 0 : i32
    %sign3A_51 = arith.cmpi sgt, %jit3A_40, %sign3A_50 : i32
    %sign3A_52 = arith.extui %sign3A_51 : i1 to i32
    %sign3A_53 = arith.constant 0 : i32
    %sign3A_54 = arith.cmpi slt, %jit3A_40, %sign3A_53 : i32
    %sign3A_55 = arith.extui %sign3A_54 : i1 to i32
    %sign3A_56 = arith.subi %sign3A_52, %sign3A_55 : i32
    %ne3A_57 = vector.broadcast %sign3A_56 : i32 to vector<2496x6xi32>
    %ne3A_58 = arith.cmpi ne, %sign3A_49, %ne3A_57 : vector<2496x6xi32>
    %rem3A_59 = vector.broadcast %jit3A_40 : i32 to vector<2496x6xi32>
    %rem3A_60 = arith.remsi %iota3A_38, %rem3A_59 : vector<2496x6xi32>
    %ne3A_61 = arith.constant 0 : i32
    %ne3A_62 = vector.broadcast %ne3A_61 : i32 to vector<2496x6xi32>
    %ne3A_63 = arith.cmpi ne, %rem3A_60, %ne3A_62 : vector<2496x6xi32>
    %and3A_64 = arith.andi %ne3A_58, %ne3A_63 : vector<2496x6xi1>
    %sub3A = arith.constant 1 : i32
    %sub3A_65 = vector.broadcast %sub3A : i32 to vector<2496x6xi32>
    %sub3A_66 = arith.subi %div3A_41, %sub3A_65 : vector<2496x6xi32>
    %select_n3A_67 = arith.select %and3A_64, %sub3A_66, %div3A_41 : vector<2496x6xi1>, vector<2496x6xi32>
    %jit3A_68 = arith.constant 6 : i32
    %eq3A_69 = arith.constant 0 : i32
    %eq3A_70 = arith.cmpi eq, %jit3A_68, %eq3A_69 : i32
    %jit3A_71 = arith.constant 1 : i32
    %select_n3A_72 = arith.select %eq3A_70, %jit3A_71, %jit3A_68 : i32
    %rem3A_73 = vector.broadcast %select_n3A_72 : i32 to vector<2496x6xi32>
    %rem3A_74 = arith.remsi %select_n3A_67, %rem3A_73 : vector<2496x6xi32>
    %ne3A_75 = arith.constant 0 : i32
    %ne3A_76 = vector.broadcast %ne3A_75 : i32 to vector<2496x6xi32>
    %ne3A_77 = arith.cmpi ne, %rem3A_74, %ne3A_76 : vector<2496x6xi32>
    %lt3A_78 = arith.constant 0 : i32
    %lt3A_79 = vector.broadcast %lt3A_78 : i32 to vector<2496x6xi32>
    %lt3A_80 = arith.cmpi slt, %rem3A_74, %lt3A_79 : vector<2496x6xi32>
    %lt3A_81 = arith.constant 0 : i32
    %lt3A_82 = arith.cmpi slt, %select_n3A_72, %lt3A_81 : i32
    %ne3A_83 = vector.broadcast %lt3A_82 : i1 to vector<2496x6xi1>
    %ne3A_84 = vector.broadcast %ne3A_83 : vector<2496x6xi1> to vector<2496x6xi1>
    %ne3A_85 = arith.xori %lt3A_80, %ne3A_84 : vector<2496x6xi1>
    %and3A_86 = arith.andi %ne3A_85, %ne3A_77 : vector<2496x6xi1>
    %add3A_87 = vector.broadcast %select_n3A_72 : i32 to vector<2496x6xi32>
    %add3A_88 = arith.addi %rem3A_74, %add3A_87 : vector<2496x6xi32>
    %select_n3A_89 = arith.select %and3A_86, %add3A_88, %rem3A_74 : vector<2496x6xi1>, vector<2496x6xi32>
    %eq3A_90 = arith.cmpi eq, %iota3A_39, %select_n3A_89 : vector<2496x6xi32>
    %convert_element_type3A_91 = arith.extui %eq3A_90 : vector<2496x6xi1> to vector<2496x6xi32>
    %convert_element_type3A_92 = arith.sitofp %convert_element_type3A_91 : vector<2496x6xi32> to vector<2496x6xf32>
    %get3A_93 = arith.constant 0 : index
    %get3A_94 = arith.constant 0 : index
    %get3A_95 = vector.load %arg4[%get3A_93, %get3A_94] : memref<6x128xf32, #tpu.memory_space<vmem>>, vector<6x128xf32>
    %dot_general3A_96 = arith.constant dense<0.000000e+00> : vector<2496x128xf32>
    %dot_general3A_97 = tpu.matmul %convert_element_type3A_92, %get3A_95, %dot_general3A_96 {dimension_numbers = #tpu.dot_dimension_numbers<[1], [0], [0], [1], [0, 0, 1, 1], [], []>, transpose_lhs_hint = false} : vector<2496x6xf32>, vector<6x128xf32>, vector<2496x128xf32> -> vector<2496x128xf32>
    %add3A_98 = arith.addf %dot_general3A_37, %dot_general3A_97 : vector<2496x128xf32>
    %iota3A_99 = tpu.iota {dimensions = array<i32: 0>} : vector<2496x13xi32>
    %iota3A_100 = tpu.iota {dimensions = array<i32: 1>} : vector<2496x13xi32>
    %jit3A_101 = arith.constant 192 : i32
    %div3A_102 = vector.broadcast %jit3A_101 : i32 to vector<2496x13xi32>
    %div3A_103 = arith.divsi %iota3A_99, %div3A_102 : vector<2496x13xi32>
    %sign3A_104 = arith.constant 0 : i32
    %sign3A_105 = vector.broadcast %sign3A_104 : i32 to vector<2496x13xi32>
    %sign3A_106 = arith.cmpi sgt, %iota3A_99, %sign3A_105 : vector<2496x13xi32>
    %sign3A_107 = arith.extui %sign3A_106 : vector<2496x13xi1> to vector<2496x13xi32>
    %sign3A_108 = arith.constant 0 : i32
    %sign3A_109 = vector.broadcast %sign3A_108 : i32 to vector<2496x13xi32>
    %sign3A_110 = arith.cmpi slt, %iota3A_99, %sign3A_109 : vector<2496x13xi32>
    %sign3A_111 = arith.extui %sign3A_110 : vector<2496x13xi1> to vector<2496x13xi32>
    %sign3A_112 = arith.subi %sign3A_107, %sign3A_111 : vector<2496x13xi32>
    %sign3A_113 = arith.constant 0 : i32
    %sign3A_114 = arith.cmpi sgt, %jit3A_101, %sign3A_113 : i32
    %sign3A_115 = arith.extui %sign3A_114 : i1 to i32
    %sign3A_116 = arith.constant 0 : i32
    %sign3A_117 = arith.cmpi slt, %jit3A_101, %sign3A_116 : i32
    %sign3A_118 = arith.extui %sign3A_117 : i1 to i32
    %sign3A_119 = arith.subi %sign3A_115, %sign3A_118 : i32
    %ne3A_120 = vector.broadcast %sign3A_119 : i32 to vector<2496x13xi32>
    %ne3A_121 = arith.cmpi ne, %sign3A_112, %ne3A_120 : vector<2496x13xi32>
    %rem3A_122 = vector.broadcast %jit3A_101 : i32 to vector<2496x13xi32>
    %rem3A_123 = arith.remsi %iota3A_99, %rem3A_122 : vector<2496x13xi32>
    %ne3A_124 = arith.constant 0 : i32
    %ne3A_125 = vector.broadcast %ne3A_124 : i32 to vector<2496x13xi32>
    %ne3A_126 = arith.cmpi ne, %rem3A_123, %ne3A_125 : vector<2496x13xi32>
    %and3A_127 = arith.andi %ne3A_121, %ne3A_126 : vector<2496x13xi1>
    %sub3A_128 = arith.constant 1 : i32
    %sub3A_129 = vector.broadcast %sub3A_128 : i32 to vector<2496x13xi32>
    %sub3A_130 = arith.subi %div3A_103, %sub3A_129 : vector<2496x13xi32>
    %select_n3A_131 = arith.select %and3A_127, %sub3A_130, %div3A_103 : vector<2496x13xi1>, vector<2496x13xi32>
    %eq3A_132 = arith.cmpi eq, %iota3A_100, %select_n3A_131 : vector<2496x13xi32>
    %convert_element_type3A_133 = arith.extui %eq3A_132 : vector<2496x13xi1> to vector<2496x13xi32>
    %convert_element_type3A_134 = arith.sitofp %convert_element_type3A_133 : vector<2496x13xi32> to vector<2496x13xf32>
    %get3A_135 = arith.constant 0 : index
    %get3A_136 = arith.constant 0 : index
    %get3A_137 = vector.load %arg3[%get3A_135, %get3A_136] : memref<13x128xf32, #tpu.memory_space<vmem>>, vector<13x128xf32>
    %dot_general3A_138 = arith.constant dense<0.000000e+00> : vector<2496x128xf32>
    %dot_general3A_139 = tpu.matmul %convert_element_type3A_134, %get3A_137, %dot_general3A_138 {dimension_numbers = #tpu.dot_dimension_numbers<[1], [0], [0], [1], [0, 0, 1, 1], [], []>, transpose_lhs_hint = false} : vector<2496x13xf32>, vector<13x128xf32>, vector<2496x128xf32> -> vector<2496x128xf32>
    %add3A_140 = arith.addf %add3A_98, %dot_general3A_139 : vector<2496x128xf32>
    %swap3A_141 = arith.constant 0 : index
    %swap3A_142 = arith.constant 0 : index
    %swap3A_143 = vector.load %arg6[%swap3A_141, %swap3A_142] : memref<2496x128xf32, #tpu.memory_space<vmem>>, vector<2496x128xf32>
    tpu.vector_store %arg6[%swap3A_141, %swap3A_142], %add3A_140 {strides = array<i32>} : memref<2496x128xf32, #tpu.memory_space<vmem>>, vector<2496x128xf32>,
    return
  }
}

</mosaic_0001>

<sc_bundles>
// kernel: kernel.4.cloned.1.call-start
scs
__scs_entry_jumppad:
0x0: {  	(pc) =	sbr.rel $0x88, $3  }
0x1: {  	(tag) =	ssettag $0x0;
	lr =	simm.s32 $0x1  }
0x2: {  	[smem:$0x3F9B] =	sst lr;
	_ =	strace $0xD0000000  }
0x3: {  	_ = 	snop  }
0x4: {  	_ = 	snop  }
0x5: {  	_ = 	snop  }
0x6: {  	_ = 	snop  }
0x7: {  	_ = 	snop  }
__scs_overlays_trampoline_lowered:
0x8: {  	[smem:$0x3FAA] =	sst s0  }
0x9: {  	[smem:$0x3FAB] =	sst s1  }
0xa: {  	[smem:$0x3FAC] =	sst s2  }
0xb: {  	[smem:$0x3FAD] =	sst s3  }
0xc: {  	[smem:$0x3FAE] =	sst s4  }
0xd: {  	[smem:$0x3FAF] =	sst s5  }
0xe: {  	[smem:$0x3FB0] =	sst s6  }
0xf: {  	[smem:$0x3FB1] =	sst s7  }
0x10: {  	[smem:$0x3FB2] =	sst s8  }
0x11: {  	[smem:$0x3FB3] =	sst s9;
	s0 =	simm.s32 @!p0 $0x0  }
0x12: {  	s1 =	sld [smem:$0x3F99];
	s0 =	simm.s32 @p0 $0x1  }
0x13: {  	[smem:$0x3FB4] =	sst s0;
	s0 =	simm.s32 @!p1 $0x0  }
0x14: {  	s2 =	sld [smem:$0x3F98];
	s0 =	simm.s32 @p1 $0x1  }
0x15: {  	[smem:$0x3FB5] =	sst s0;
	s0 =	simm.s32 @!p2 $0x0  }
0x16: {  	s3 =	sld [smem:$0x3FDB];
	s0 =	simm.s32 @p2 $0x1  }
0x17: {  	s4 =	simm.s32 $0x1BF5;
	[smem:$0x3FB7] =	sst s0  }
0x18: {  	s0 =	sld [smem:$0x3F9A];
	_ =	swait.ge [sflag:s4], $0x0  }
0x19: {  	s7 =	sld [smem:$0x3F9B]  }
0x1a: {  	s8 =	sadd.s32 $0xFFFFE003, lr  }
0x1b: {  	s9 =	sadd.s32 $0xFFFFFEF7, lr;
	s5 =	simm.s32 $0xFFFFFFFF;
	p2 =	slt.u32 s8, $0xFFFFF086  }
0x1c: {  	p1 =	slt.u32 s9, $0xF7A;
	s5 =	simm.s32 @!p2 $0x0  }
0x1d: {  	s5 =	simm.s32 @p1 $0x1;
	p0 =	seq.s32 s7, s2  }
0x1e: {  	s7 =	smul.u32 @!p0 $0xF7A, s2;
	p2 =	seq.s32 @!p0 s5, $0x0  }
0x1f: {  	s9 =	smul.u32 $0xF7A, s1;
	s8 =	simm.s32 @!p0 $0x1BF5;
	p2 =	por !p2, p0  }
0x20: {  	[sflag:s8] =	ssyncset.s32 @!p0 $0xFFFFF086;
	s6 =	sadd.s32 @!p0 s3, s7;
	s7 =	simm.s32 @!p0 $0x108  }
0x21: {  	s3 =	sadd.s32 s3, s9;
	s6 =	sadd.s32 @!p0 $0x88, s6;
	s7 =	simm.s32 @p2 $0x1082  }
0x22: {  	[simem:s7], [sflag:s8] =	dma.local @!p0 [hbm:s6], $0xF7A  }
0x23: {  	s9 =	sor.u32 $0xD0000000, s2;
	s6 =	simm.s32 $0x108;
	_ =	swait.ge @!p0 [sflag:s8], $0x0  }
0x24: {  	s3 =	sadd.s32 $0x88, s3;
	s6 =	simm.s32 @!p1 $0x1082;
	[sflag:s4] =	ssyncset.s32 $0xFFFFF086  }
0x25: {  	[simem:s6], [sflag:s4] =	dma.local [hbm:s3], $0xF7A  }
0x26: {  	[smem:$0x3F9B] =	sst s1;
	(tag) =	ssettag s2;
	_ =	strace s9  }
0x27: {  	s1 =	sld [smem:$0x3FAB]  }
0x28: {  	s2 =	sld [smem:$0x3FAC]  }
0x29: {  	s4 =	sld [smem:$0x3FAE]  }
0x2a: {  	p0 =	seq.s32 s5, $0x0;
	s5 =	sld [smem:$0x3FAF]  }
0x2b: {  	s6 =	sld [smem:$0x3FB0]  }
0x2c: {  	s7 =	sld [smem:$0x3FB1]  }
0x2d: {  	s3 =	simm.s32 $0x108;
	s8 =	sld [smem:$0x3FB2]  }
0x2e: {  	s3 =	simm.s32 @!p0 $0x1082;
	s9 =	sld [smem:$0x3FB3]  }
0x2f: {  	lr =	sadd.s32 s0, s3;
	s0 =	sld [smem:$0x3FAA]  }
0x30: {  	s3 =	sld [smem:$0x3FAD]  }
0x31: {  	[smem:$0x3FB6] =	sst s10  }
0x32: {  	s10 =	sld [smem:$0x3FB4];
	_ =	sdelay $0x3  }
0x33: {  	p0 =	seq.s32 s10, $0x1;
	s10 =	sld [smem:$0x3FB6];
	_ =	sdelay $0x3  }
0x34: {  	[smem:$0x3FB6] =	sst s10  }
0x35: {  	s10 =	sld [smem:$0x3FB5];
	_ =	sdelay $0x3  }
0x36: {  	p1 =	seq.s32 s10, $0x1;
	s10 =	sld [smem:$0x3FB6];
	_ =	sdelay $0x3  }
0x37: {  	[smem:$0x3FB6] =	sst s10  }
0x38: {  	s10 =	sld [smem:$0x3FB7]  }
0x39: {  	_ = 	snop;
	(pc) =	sbr.ind lr, $3  }
0x3a: {  	_ = 	snop  }
0x3b: {  	_ = 	snop  }
0x3c: {  	p2 =	seq.s32 s10, $0x1;
	s10 =	sld [smem:$0x3FB6]  }
0x3d: {  	_ =	shalt  }
0x3e: {  	_ =	shalt  }
0x3f: {  	_ =	shalt  }
0x40: {  	_ =	shalt  }
0x41: {  	_ =	shalt  }
0x42: {  	_ =	shalt  }
0x43: {  	_ =	shalt  }
0x44: {  	_ =	shalt  }
0x45: {  	_ =	shalt  }
0x46: {  	_ =	shalt  }
0x47: {  	_ =	shalt  }
0x48: {  	_ =	shalt  }
0x49: {  	_ =	shalt  }
0x4a: {  	_ =	shalt  }
0x4b: {  	_ =	shalt  }
0x4c: {  	_ =	shalt  }
0x4d: {  	_ =	shalt  }
0x4e: {  	_ =	shalt  }
0x4f: {  	_ =	shalt  }
0x50: {  	_ =	shalt  }
0x51: {  	_ =	shalt  }
0x52: {  	_ =	shalt  }
0x53: {  	_ =	shalt  }
0x54: {  	_ =	shalt  }
0x55: {  	_ =	shalt  }
0x56: {  	_ =	shalt  }
0x57: {  	_ =	shalt  }
0x58: {  	_ =	shalt  }
0x59: {  	_ =	shalt  }
0x5a: {  	_ =	shalt  }
0x5b: {  	_ =	shalt  }
0x5c: {  	_ =	shalt  }
0x5d: {  	_ =	shalt  }
0x5e: {  	_ =	shalt  }
0x5f: {  	_ =	shalt  }
0x60: {  	_ =	shalt  }
0x61: {  	_ =	shalt  }
0x62: {  	_ =	shalt  }
0x63: {  	_ =	shalt  }
0x64: {  	_ =	shalt  }
0x65: {  	_ =	shalt  }
0x66: {  	_ =	shalt  }
0x67: {  	_ =	shalt  }
0x68: {  	_ =	shalt  }
0x69: {  	_ =	shalt  }
0x6a: {  	_ =	shalt  }
0x6b: {  	_ =	shalt  }
0x6c: {  	_ =	shalt  }
0x6d: {  	_ =	shalt  }
0x6e: {  	_ =	shalt  }
0x6f: {  	_ =	shalt  }
0x70: {  	_ =	shalt  }
0x71: {  	_ =	shalt  }
0x72: {  	_ =	shalt  }
0x73: {  	_ =	shalt  }
0x74: {  	_ =	shalt  }
0x75: {  	_ =	shalt  }
0x76: {  	_ =	shalt  }
0x77: {  	_ =	shalt  }
0x78: {  	_ =	shalt  }
0x79: {  	_ =	shalt  }
0x7a: {  	_ =	shalt  }
0x7b: {  	_ =	shalt  }
0x7c: {  	_ =	shalt  }
0x7d: {  	_ =	shalt  }
0x7e: {  	_ =	shalt  }
0x7f: {  	_ =	shalt  }
0x80: {  	_ =	shalt  }
0x81: {  	_ =	shalt  }
0x82: {  	_ =	shalt  }
0x83: {  	_ =	shalt  }
0x84: {  	_ =	shalt  }
0x85: {  	_ =	shalt  }
0x86: {  	_ =	shalt  }
0x87: {  	_ =	shalt  }
.Lfunc_end0:
.L_simem_size_0:
called_computation_lowered:
.L_overlay_start_0:
0x88: {  	s2 =	sld [smem:$0x3FD9]  }
0x89: {  	s3 =	sld [smem:$0x3FFE];
	_ =	sdelay $0x1  }
0x8a: {  	s1 =	srdreg.scid  }
0x8b: {  	s0 =	sand.u32 $0x1, s1  }
0x8c: {  	s17 =	sshll.u32 s0, $0xA;
	s2 =	sadd.s32 s3, s2  }
0x8d: {  	s2 =	sadd.s32 s2, s17  }
0x8e: {  	[smem:$0x3FC2] =	sst s2  }
0x8f: {  	_ = 	snop  }
0x90: {  	s2 =	sld [smem:$0x3FD0];
	(tm) =	ssettm $0x1  }
0x91: {  	s18 =	sld [smem:$0x3FFB];
	_ =	sdelay $0x3  }
0x92: {  	_ =	strace s18  }
0x93: {  	s3 =	sld [smem:$0x3FFC];
	_ =	sdelay $0x3  }
0x94: {  	_ =	strace s3  }
0x95: {  	s3 =	sld [smem:$0x3FFD];
	_ =	sdelay $0x3  }
0x96: {  	_ =	strace s3  }
0x97: {  	_ =	strace $0x8FFFFFFF  }
0x98: {  	s19 =	sld [smem:$0x3FDB];
	_ =	sdelay $0x1  }
0x99: {  	s4 =	simm.s32 $_scs_section_size  }
0x9a: {  	s5 =	simm.s32 $_size__tile_overlayer_lowered;
	s6 =	simm.s32 $_tile_overlayer_lowered  }
0x9b: {  	s22 =	simm.s32 $0x1BFF;
	s21 =	sshll.u32 s6, $0x1;
	s3 =	sadd.s32 s4, s19  }
0x9c: {  	s7 =	simm.s32 $0x0;
	s20 =	sshll.u32 s5, $0x1;
	s5 =	sadd.s32 s21, s3  }
0x9d: {  	[timem:s7], [sflag:s22] =	dma.local [hbm:s5], s20  }
0x9e: {  	_ =	swait.ge [sflag:s22], s20  }
0x9f: {  	s4 =	ssub.s32 $0x0, s20;
	[sflag:s22] =	ssyncset.done $0x0  }
0xa0: {  	[sflag:s22] =	ssyncadd.s32 s4;
	_ =	sdelay $0x1  }
0xa1: {  	s23 =	simm.s32 $0x1B8B  }
0xa2: {  	_ =	swait.ge [sflag:s23], $0x1  }
0xa3: {  	[sflag:s23] =	ssyncset.done $0x0  }
0xa4: {  	s25 =	simm.s32 $0x1B8E;
	s24 =	sld [smem:$0x3FFE];
	[sflag:s23] =	ssyncadd.s32 $0xFFFFFFFF  }
0xa5: {  	s26 =	simm.s32 $execute0_lowered;
	[smem:$0x3FD2] =	sst s25  }
0xa6: {  	s5 =	sshll.u32 s26, $0x1;
	_ =	strace $0x80000046;
	[dreg:$0x1] =	wrdreg $0xFFFFFFFF  }
0xa7: {  	s28 =	simm.s32 $_size_execute0_lowered;
	s3 =	sadd.s32 s3, s5;
	[dreg:$0x0] =	wrdreg $0x0  }
0xa8: {  	s5 =	sshll.u32 s28, $0x1;
	[dreg:$0x2] =	wrdreg s3  }
0xa9: {  	[dreg:$0x3] =	wrdreg s5  }
0xaa: {  	[dreg:$0x4] =	wrdreg $0xC0  }
0xab: {  	_ =	task [dreg:s7], $0x5FFFF  }
0xac: {  	[dreg:$0x1] =	wrdreg $0xFFFFFFFF  }
0xad: {  	[dreg:$0x0] =	wrdreg $0x60  }
0xae: {  	[dreg:$0x2] =	wrdreg s24  }
0xaf: {  	[dreg:$0x3] =	wrdreg s2  }
0xb0: {  	[dreg:$0x4] =	wrdreg $0x1C000  }
0xb1: {  	[dreg:$0x5] =	wrdreg $0x9  }
0xb2: {  	_ =	task.clear_ibuf [dreg:s7], $0x6FFFF;
	_ =	strace $0x90000046  }
0xb3: {  	s29 =	simm.s32 $0x9;
	_ =	strace $0x80000048  }
0xb4: {  	_ =	swait.ge [sflag:s29], $0x1  }
0xb5: {  	[sflag:s29] =	ssyncadd.s32 $0xFFFFFFFF  }
0xb6: {  	_ =	strace $0x90000048  }
0xb7: {  	_ =	sfence  }
0xb8: {  	s30 =	sld [smem:$0x0];
	_ =	sdelay $0x2  }
0xb9: {  	s31 =	sshll.u32 s1, $0xD;
	s1 =	sshrl.u32 s1, $0x2  }
0xba: {  	s3 =	sand.u32 $0x4000, s31;
	s1 =	sadd.s32 s1, s30  }
0xbb: {  	s0 =	sor.u32 s3, s0;
	s1 =	sshll.u32 s1, $0x11  }
0xbc: {  	s0 =	sor.u32 s1, s0  }
0xbd: {  	s0 =	sadd.s32 $0x8F2B, s0  }
0xbe: {  	[sflag:s0] =	ssyncadd.remote.s32 $0x1  }
0xbf: {  	_ =	sfence.sel $0xFFFF  }
0xc0: {  	[dreg:$0x0] =	wrdreg $0xFFFFFFFF;
	(pc) =	sbr.abs _section_cstart, $3  }
0xc1: {  	[dreg:$0x1] =	wrdreg $0xFFFFFFFF  }
0xc2: {  	_ =	task.clear_ibuf [dreg:s7], $0x2FFFF;
	_ =	strace $0x9FFFFFFF  }
0xc3: {  	(tm) =	ssettm $0x7FFFFFFF  }
tec
execute0_lowered:
.L_overlay_start_1:
0x0: {  	(tag) =	ssettag $0x1  }
0x1: {  	s29 =	stileid.u32;
	s1 =	srdreg.scid  }
0x2: {  	s4 =	sand.u32 $0x1, s1;
	s0 =	sshll.u32 s29, $0x1  }
0x3: {  	s5 =	rddreg [dreg:$0x0];
	s9 =	smul.u32 $0xC00, s29;
	s7 =	sor.u32 s4, s0  }
0x4: {  	s6 =	rddreg [dreg:$0x1];
	s8 =	smul.u32 $0x380, s7  }
0x5: {  	s3 =	rddreg [dreg:$0x2];
	s2 =	simm.s32 $0x0;
	s10 =	smul.u32 $0xC8000, s7  }
0x6: {  	[smem:$0x7FF] =	sst s2;
	s7 =	smul.u32 $0x19000, s7  }
0x7: {  	s0 =	rddreg [dreg:$0x3];
	_ =	strace $0x80000047  }
0x8: {  	s8 =	sadd.s32 s8, s5;
	s5 =	sadd.s32 s9, s5;
	s7 =	sadd.s32 s6, s7  }
0x9: {  	s1 =	sshrl.u32 s10, $0x3;
	s8 =	sadd.s32 $0xB000, s8;
	[dreg:$0x6] =	wrdreg s7  }
0xa: {  	s5 =	sadd.s32 $0x1400, s5;
	s6 =	sadd.s32 s6, s1;
	[dreg:$0x4] =	wrdreg s8  }
0xb: {  	[dreg:$0x5] =	wrdreg s5;
	s9 =	sadd.s32 $0x1000, s6  }
0xc: {  	s10 =	sadd.s32 $0x2000, s6;
	[dreg:$0x7] =	wrdreg s9  }
0xd: {  	s11 =	sadd.s32 $0x3000, s6;
	[dreg:$0x8] =	wrdreg s10  }
0xe: {  	s12 =	sadd.s32 $0x4000, s6;
	[dreg:$0x9] =	wrdreg s11  }
0xf: {  	s13 =	sadd.s32 $0x5000, s6;
	[dreg:$0xa] =	wrdreg s12  }
0x10: {  	s14 =	sadd.s32 $0x6000, s6;
	[dreg:$0xb] =	wrdreg s13  }
0x11: {  	s15 =	sadd.s32 $0x7000, s6;
	[dreg:$0xc] =	wrdreg s14  }
0x12: {  	s16 =	sadd.s32 $0x8000, s6;
	[dreg:$0xd] =	wrdreg s15  }
0x13: {  	s17 =	sadd.s32 $0x9000, s6;
	[dreg:$0xe] =	wrdreg s16  }
0x14: {  	s18 =	sadd.s32 $0xA000, s6;
	[dreg:$0xf] =	wrdreg s17  }
0x15: {  	s19 =	sadd.s32 $0xB000, s6;
	[dreg:$0x10] =	wrdreg s18  }
0x16: {  	s20 =	sadd.s32 $0xC000, s6;
	[dreg:$0x11] =	wrdreg s19  }
0x17: {  	s21 =	sadd.s32 $0xD000, s6;
	[dreg:$0x12] =	wrdreg s20  }
0x18: {  	s22 =	sadd.s32 $0xE000, s6;
	[dreg:$0x13] =	wrdreg s21  }
0x19: {  	s23 =	sadd.s32 $0xF000, s6;
	[dreg:$0x14] =	wrdreg s22  }
0x1a: {  	s24 =	sadd.s32 $0x10000, s6;
	[dreg:$0x15] =	wrdreg s23  }
0x1b: {  	s25 =	sadd.s32 $0x11000, s6;
	[dreg:$0x16] =	wrdreg s24  }
0x1c: {  	s26 =	sadd.s32 $0x12000, s6;
	[dreg:$0x17] =	wrdreg s25  }
0x1d: {  	s28 =	sadd.s32 $0x13000, s6;
	[dreg:$0x18] =	wrdreg s26  }
0x1e: {  	s8 =	sadd.s32 $0x14000, s6;
	[dreg:$0x19] =	wrdreg s28  }
0x1f: {  	[dreg:$0x1a] =	wrdreg s8;
	s9 =	sadd.s32 $0x15000, s6  }
0x20: {  	s10 =	sadd.s32 $0x16000, s6;
	[dreg:$0x1b] =	wrdreg s9  }
0x21: {  	s11 =	sadd.s32 $0x17000, s6;
	[dreg:$0x1c] =	wrdreg s10  }
0x22: {  	s12 =	sadd.s32 $0x18000, s6;
	[dreg:$0x1d] =	wrdreg s11  }
0x23: {  	s13 =	simm.s32 $0x100;
	[dreg:$0x1e] =	wrdreg s12  }
0x24: {  	s14 =	simm.s32 $0x180;
	[smem:$0x7D8] =	sst s13  }
0x25: {  	s15 =	simm.s32 $0x200;
	[smem:$0x7D9] =	sst s14  }
0x26: {  	s16 =	simm.s32 $0x280;
	[smem:$0x7DA] =	sst s15  }
0x27: {  	s17 =	simm.s32 $0x300;
	[smem:$0x7DB] =	sst s16  }
0x28: {  	s18 =	simm.s32 $0x380;
	[smem:$0x7DC] =	sst s17  }
0x29: {  	s19 =	simm.s32 $0x400;
	[smem:$0x7DD] =	sst s18  }
0x2a: {  	s20 =	simm.s32 $0x480;
	[smem:$0x7DE] =	sst s19  }
0x2b: {  	s21 =	simm.s32 $0x500;
	[smem:$0x7DF] =	sst s20  }
0x2c: {  	s22 =	simm.s32 $0x580;
	[smem:$0x7E0] =	sst s21  }
0x2d: {  	s23 =	simm.s32 $0x600;
	[smem:$0x7E1] =	sst s22  }
0x2e: {  	s24 =	simm.s32 $0x680;
	[smem:$0x7E2] =	sst s23  }
0x2f: {  	s25 =	simm.s32 $0x700;
	[smem:$0x7E3] =	sst s24  }
0x30: {  	s1 =	smul.u32 $0x18000, s29;
	s26 =	simm.s32 $0x780;
	[smem:$0x7E4] =	sst s25  }
0x31: {  	s28 =	simm.s32 $0x800;
	[smem:$0x7E5] =	sst s26  }
0x32: {  	s7 =	sshrl.u32 s1, $0x2;
	s1 =	simm.s32 $0x880;
	[smem:$0x7E6] =	sst s28  }
0x33: {  	p1 =	por $0x0, $0x0;
	s6 =	simm.s32 $0x900;
	[smem:$0x7E7] =	sst s1  }
0x34: {  	p0 =	sgt.u32 s29, $0xC;
	s8 =	simm.s32 $0xA00;
	[smem:$0x7E8] =	sst s6  }
0x35: {  	s4 =	ssub.s32 $0x2, s4;
	[smem:$0x7EA] =	sst s8;
	s9 =	simm.s32 $0xA80  }
0x36: {  	s30 =	sshll.u32 @!p0 s29, $0x6;
	s10 =	simm.s32 $0xB00;
	[smem:$0x7EB] =	sst s9  }
0x37: {  	s7 =	sadd.s32 s7, s3;
	s11 =	simm.s32 $0xB80;
	[smem:$0x7EC] =	sst s10  }
0x38: {  	s12 =	sshrl.u32 s4, $0x1;
	s13 =	simm.s32 $0xC00;
	[smem:$0x7ED] =	sst s11  }
0x39: {  	s14 =	simm.s32 $0xC80;
	s15 =	simm.s32 $0xD00;
	[smem:$0x7EE] =	sst s13  }
0x3a: {  	s16 =	simm.s32 $0xD80;
	s8 =	simm.s32 $0x80;
	[smem:$0x7EF] =	sst s14  }
0x3b: {  	s18 =	simm.s32 $0xE00;
	s19 =	simm.s32 $0xE80;
	[smem:$0x7F0] =	sst s15  }
0x3c: {  	s20 =	simm.s32 $0xF00;
	s21 =	simm.s32 $0xF80;
	[smem:$0x7F1] =	sst s16  }
0x3d: {  	s22 =	simm.s32 $0x1000;
	s23 =	simm.s32 $0x1080;
	[smem:$0x7F2] =	sst s18  }
0x3e: {  	s24 =	simm.s32 $0x1100;
	s6 =	simm.s32 $0x1;
	[smem:$0x7F3] =	sst s19  }
0x3f: {  	s25 =	simm.s32 $0x1180;
	s26 =	simm.s32 $0x1280;
	[smem:$0x7F4] =	sst s20  }
0x40: {  	s28 =	simm.s32 $0x1380;
	s5 =	sshrl.u32 @!p0 s7, $0x3;
	[smem:$0x7F5] =	sst s21  }
0x41: {  	s7 =	simm.s32 $0x980;
	s4 =	ssub.s32 s4, s12;
	[smem:$0x7F6] =	sst s22  }
0x42: {  	s12 =	simm.s32 $0xAA00;
	s10 =	simm.s32 $0xEA00;
	[smem:$0x7F7] =	sst s23  }
0x43: {  	s16 =	simm.s32 $0x12A00;
	s15 =	simm.s32 $0x1AA00;
	[smem:$0x7F8] =	sst s24  }
0x44: {  	s14 =	simm.s32 $0x2;
	[smem:$0x7F9] =	sst s25;
	s11 =	simm.s32 $0x1200  }
0x45: {  	s9 =	simm.s32 $0x5;
	s13 =	simm.s32 $0x3;
	[smem:$0x7FB] =	sst s26  }
0x46: {  	s18 =	simm.s32 $0x1300;
	[smem:$0x7FD] =	sst s28;
	s17 =	smax.u32 s4, $0x1  }
0x47: {  	s25 =	simm.s32 $0x1400;
	s26 =	simm.s32 $0x1480;
	s31 =	sadd.s32 $0xFFFFFFFF, s17  }
0x48: {  	s23 =	simm.s32 $0x1500;
	s24 =	simm.s32 $0x1580;
	p2 =	sne.s32 s31, $0x0  }
.Ltmp0:
0x49: {  	s21 =	simm.s32 $0x1600;
	s22 =	simm.s32 $0x1680;
	(pc) =	sbr.rel @!p2 .LBB2_5-.Ltmp0, $4  }
0x4a: {  	s19 =	simm.s32 $0x1700;
	s20 =	simm.s32 $0x1780;
	[dreg:$0x1f] =	wrdreg s5  }
0x4b: {  	[smem:$0x7E9] =	sst s7;
	s4 =	simm.s32 $0x4;
	s5 =	simm.s32 $0x6A00  }
0x4c: {  	s7 =	simm.s32 $0x16A00;
	[smem:$0x7FA] =	sst s11;
	s11 =	simm.s32 $0x6  }
0x4d: {  	[smem:$0x7FC] =	sst s18;
	s18 =	simm.s32 $0x1880;
	s17 =	simm.s32 $0x1800  }
0x4e: {  	s29 =	rddreg [dreg:$0x4]  }
0x4f: {  	s1 =	rddreg [dreg:$0x5]  }
0x50: {  	s0 =	rddreg [dreg:$0x1f]  }
0x51: {  	[tilespmem:s2], [sflag:$0x4] =	stream.linear.gather [hbm4b:s29+s2], $0x1900, $0x38;
	[tilespmem:$0x1EA00] =	vst v63  }
0x52: {  	[smem:$0x7D7] =	sst s30;
	s29 =	sor.u32 @!p0 $0x1C07, s30;
	s30 =	simm.s32 @!p0 $0x7  }
0x53: {  	[spmem:s0], [sflag:s29] =	dma.local @!p0 [hbm:s1], $0xC00  }
0x54: {  	_ =	swait.ge @!p0 [sflag:s30], $0xC00  }
0x55: {  	[sflag:s30] =	ssyncset.done @!p0 $0x0  }
0x56: {  	[sflag:s30] =	ssyncadd.s32 @!p0 $0xFFFFF400  }
0x57: {  	_ =	swait.ge [sflag:s4], $0x1900  }
0x58: {  	[sflag:s4] =	ssyncset.done $0x0  }
0x59: {  	[sflag:s4] =	ssyncadd.s32 $0xFFFFE700  }
0x5a: {  	[bflag:$0x0] =	sbarrier.arrive $0xFFFF  }
0x5b: {  	[tilespmem:s5], [sflag:$0x1] =	stream.indirect.gather [spmem:s3], $0x80, s2, s8, $0xb8;
	[tilespmem:$0x1EA00] =	vst v63  }
0x5c: {  	s1 =	sld [smem:$0x7D8]  }
0x5d: {  	[tilespmem:s12], [sflag:$0x1] =	stream.indirect.gather [spmem:s3], $0x80, s8, s8, $0xb8;
	[tilespmem:$0x1EA00] =	vst v63  }
0x5e: {  	s28 =	sld [smem:$0x7D9]  }
0x5f: {  	[tilespmem:s10], [sflag:$0x2] =	stream.indirect.gather [spmem:s3], $0x80, s1, s8, $0xb8;
	[tilespmem:$0x1EA00] =	vst v63  }
0x60: {  	s0 =	sld [smem:$0x7DA]  }
0x61: {  	[tilespmem:s16], [sflag:$0x2] =	stream.indirect.gather [spmem:s3], $0x80, s28, s8, $0xb8;
	[tilespmem:$0x1EA00] =	vst v63  }
0x62: {  	s28 =	sld [smem:$0x7DB]  }
0x63: {  	[tilespmem:s7], [sflag:$0x3] =	stream.indirect.gather [spmem:s3], $0x80, s0, s8, $0xb8;
	[tilespmem:$0x1EA00] =	vst v63  }
0x64: {  	_ = 	snop  }
0x65: {  	[tilespmem:s15], [sflag:$0x3] =	stream.indirect.gather [spmem:s3], $0x80, s28, s8, $0xb8;
	[tilespmem:$0x1EA00] =	vst v63  }
0x66: {  	_ =	swait.ge [sflag:s6], $0x4000  }
0x67: {  	[sflag:s6] =	ssyncset.done $0x0  }
0x68: {  	[sflag:s6] =	ssyncadd.s32 $0xFFFFC000  }
0x69: {  	_ =	swait.ge [sflag:s6], $0x4000  }
0x6a: {  	[sflag:s6] =	ssyncset.done $0x0  }
0x6b: {  	s28 =	rddreg [dreg:$0x6];
	[sflag:s6] =	ssyncadd.s32 $0xFFFFC000  }
0x6c: {  	[hbm4b:s28+s2] =	stream.linear.scatter [tilespmem:s5], [sflag:$0x4], $0x8000, $0x38;
	[tilespmem:$0x1EA00] =	vst v63  }
0x6d: {  	_ =	swait.ge [sflag:s4], $0x8000  }
0x6e: {  	s1 =	sld [smem:$0x7DC]  }
0x6f: {  	[sflag:s4] =	ssyncset.done $0x0  }
0x70: {  	s28 =	sld [smem:$0x7DD];
	[sflag:s4] =	ssyncadd.s32 $0xFFFF8000  }
0x71: {  	[tilespmem:s5], [sflag:$0x1] =	stream.indirect.gather [spmem:s3], $0x80, s1, s8, $0xb8;
	[tilespmem:$0x1EA00] =	vst v63  }
0x72: {  	_ = 	snop  }
0x73: {  	[tilespmem:s12], [sflag:$0x1] =	stream.indirect.gather [spmem:s3], $0x80, s28, s8, $0xb8;
	[tilespmem:$0x1EA00] =	vst v63  }
0x74: {  	_ =	swait.ge [sflag:s14], $0x4000  }
0x75: {  	[sflag:s14] =	ssyncset.done $0x0  }
0x76: {  	[sflag:s14] =	ssyncadd.s32 $0xFFFFC000  }
0x77: {  	_ =	swait.ge [sflag:s14], $0x4000  }
0x78: {  	[sflag:s14] =	ssyncset.done $0x0  }
0x79: {  	s28 =	rddreg [dreg:$0x7];
	[sflag:s14] =	ssyncadd.s32 $0xFFFFC000  }
0x7a: {  	[hbm4b:s28+s2] =	stream.linear.scatter [tilespmem:s10], [sflag:$0x5], $0x8000, $0x38;
	[tilespmem:$0x1EA00] =	vst v63  }
0x7b: {  	_ =	swait.ge [sflag:s9], $0x8000  }
0x7c: {  	s1 =	sld [smem:$0x7DE]  }
0x7d: {  	[sflag:s9] =	ssyncset.done $0x0  }
0x7e: {  	s28 =	sld [smem:$0x7DF];
	[sflag:s9] =	ssyncadd.s32 $0xFFFF8000  }
0x7f: {  	[tilespmem:s10], [sflag:$0x2] =	stream.indirect.gather [spmem:s3], $0x80, s1, s8, $0xb8;
	[tilespmem:$0x1EA00] =	vst v63  }
0x80: {  	_ = 	snop  }
0x81: {  	[tilespmem:s16], [sflag:$0x2] =	stream.indirect.gather [spmem:s3], $0x80, s28, s8, $0xb8;
	[tilespmem:$0x1EA00] =	vst v63  }
0x82: {  	_ =	swait.ge [sflag:s13], $0x4000  }
0x83: {  	[sflag:s13] =	ssyncset.done $0x0  }
0x84: {  	[sflag:s13] =	ssyncadd.s32 $0xFFFFC000  }
0x85: {  	_ =	swait.ge [sflag:s13], $0x4000  }
0x86: {  	[sflag:s13] =	ssyncset.done $0x0  }
0x87: {  	s28 =	rddreg [dreg:$0x8];
	[sflag:s13] =	ssyncadd.s32 $0xFFFFC000  }
0x88: {  	[hbm4b:s28+s2] =	stream.linear.scatter [tilespmem:s7], [sflag:$0x6], $0x8000, $0x38;
	[tilespmem:$0x1EA00] =	vst v63  }
0x89: {  	_ =	swait.ge [sflag:s11], $0x8000  }
0x8a: {  	s1 =	sld [smem:$0x7E0]  }
0x8b: {  	[sflag:s11] =	ssyncset.done $0x0  }
0x8c: {  	s28 =	sld [smem:$0x7E1];
	[sflag:s11] =	ssyncadd.s32 $0xFFFF8000  }
0x8d: {  	[tilespmem:s7], [sflag:$0x3] =	stream.indirect.gather [spmem:s3], $0x80, s1, s8, $0xb8;
	[tilespmem:$0x1EA00] =	vst v63  }
0x8e: {  	_ = 	snop  }
0x8f: {  	[tilespmem:s15], [sflag:$0x3] =	stream.indirect.gather [spmem:s3], $0x80, s28, s8, $0xb8;
	[tilespmem:$0x1EA00] =	vst v63  }
0x90: {  	_ =	swait.ge [sflag:s6], $0x4000  }
0x91: {  	[sflag:s6] =	ssyncset.done $0x0  }
0x92: {  	[sflag:s6] =	ssyncadd.s32 $0xFFFFC000  }
0x93: {  	_ =	swait.ge [sflag:s6], $0x4000  }
0x94: {  	[sflag:s6] =	ssyncset.done $0x0  }
0x95: {  	s28 =	rddreg [dreg:$0x9];
	[sflag:s6] =	ssyncadd.s32 $0xFFFFC000  }
0x96: {  	[hbm4b:s28+s2] =	stream.linear.scatter [tilespmem:s5], [sflag:$0x4], $0x8000, $0x38;
	[tilespmem:$0x1EA00] =	vst v63  }
0x97: {  	_ =	swait.ge [sflag:s4], $0x8000  }
0x98: {  	s1 =	sld [smem:$0x7E2]  }
0x99: {  	[sflag:s4] =	ssyncset.done $0x0  }
0x9a: {  	s28 =	sld [smem:$0x7E3];
	[sflag:s4] =	ssyncadd.s32 $0xFFFF8000  }
0x9b: {  	[tilespmem:s5], [sflag:$0x1] =	stream.indirect.gather [spmem:s3], $0x80, s1, s8, $0xb8;
	[tilespmem:$0x1EA00] =	vst v63  }
0x9c: {  	_ = 	snop  }
0x9d: {  	[tilespmem:s12], [sflag:$0x1] =	stream.indirect.gather [spmem:s3], $0x80, s28, s8, $0xb8;
	[tilespmem:$0x1EA00] =	vst v63  }
0x9e: {  	_ =	swait.ge [sflag:s14], $0x4000  }
0x9f: {  	[sflag:s14] =	ssyncset.done $0x0  }
0xa0: {  	[sflag:s14] =	ssyncadd.s32 $0xFFFFC000  }
0xa1: {  	_ =	swait.ge [sflag:s14], $0x4000  }
0xa2: {  	[sflag:s14] =	ssyncset.done $0x0  }
0xa3: {  	s28 =	rddreg [dreg:$0xa];
	[sflag:s14] =	ssyncadd.s32 $0xFFFFC000  }
0xa4: {  	[hbm4b:s28+s2] =	stream.linear.scatter [tilespmem:s10], [sflag:$0x5], $0x8000, $0x38;
	[tilespmem:$0x1EA00] =	vst v63  }
0xa5: {  	_ =	swait.ge [sflag:s9], $0x8000  }
0xa6: {  	s1 =	sld [smem:$0x7E4]  }
0xa7: {  	[sflag:s9] =	ssyncset.done $0x0  }
0xa8: {  	s28 =	sld [smem:$0x7E5];
	[sflag:s9] =	ssyncadd.s32 $0xFFFF8000  }
0xa9: {  	[tilespmem:s10], [sflag:$0x2] =	stream.indirect.gather [spmem:s3], $0x80, s1, s8, $0xb8;
	[tilespmem:$0x1EA00] =	vst v63  }
0xaa: {  	_ = 	snop  }
0xab: {  	[tilespmem:s16], [sflag:$0x2] =	stream.indirect.gather [spmem:s3], $0x80, s28, s8, $0xb8;
	[tilespmem:$0x1EA00] =	vst v63  }
0xac: {  	_ =	swait.ge [sflag:s13], $0x4000  }
0xad: {  	[sflag:s13] =	ssyncset.done $0x0  }
0xae: {  	[sflag:s13] =	ssyncadd.s32 $0xFFFFC000  }
0xaf: {  	_ =	swait.ge [sflag:s13], $0x4000  }
0xb0: {  	[sflag:s13] =	ssyncset.done $0x0  }
0xb1: {  	s28 =	rddreg [dreg:$0xb];
	[sflag:s13] =	ssyncadd.s32 $0xFFFFC000  }
0xb2: {  	[hbm4b:s28+s2] =	stream.linear.scatter [tilespmem:s7], [sflag:$0x6], $0x8000, $0x38;
	[tilespmem:$0x1EA00] =	vst v63  }
0xb3: {  	_ =	swait.ge [sflag:s11], $0x8000  }
0xb4: {  	s1 =	sld [smem:$0x7E6]  }
0xb5: {  	[sflag:s11] =	ssyncset.done $0x0  }
0xb6: {  	s28 =	sld [smem:$0x7E7];
	[sflag:s11] =	ssyncadd.s32 $0xFFFF8000  }
0xb7: {  	[tilespmem:s7], [sflag:$0x3] =	stream.indirect.gather [spmem:s3], $0x80, s1, s8, $0xb8;
	[tilespmem:$0x1EA00] =	vst v63  }
0xb8: {  	_ = 	snop  }
0xb9: {  	[tilespmem:s15], [sflag:$0x3] =	stream.indirect.gather [spmem:s3], $0x80, s28, s8, $0xb8;
	[tilespmem:$0x1EA00] =	vst v63  }
0xba: {  	_ =	swait.ge [sflag:s6], $0x4000  }
0xbb: {  	[sflag:s6] =	ssyncset.done $0x0  }
0xbc: {  	[sflag:s6] =	ssyncadd.s32 $0xFFFFC000  }
0xbd: {  	_ =	swait.ge [sflag:s6], $0x4000  }
0xbe: {  	[sflag:s6] =	ssyncset.done $0x0  }
0xbf: {  	s28 =	rddreg [dreg:$0xc];
	[sflag:s6] =	ssyncadd.s32 $0xFFFFC000  }
0xc0: {  	[hbm4b:s28+s2] =	stream.linear.scatter [tilespmem:s5], [sflag:$0x4], $0x8000, $0x38;
	[tilespmem:$0x1EA00] =	vst v63  }
0xc1: {  	_ =	swait.ge [sflag:s4], $0x8000  }
0xc2: {  	s1 =	sld [smem:$0x7E8]  }
0xc3: {  	[sflag:s4] =	ssyncset.done $0x0  }
0xc4: {  	s28 =	sld [smem:$0x7E9];
	[sflag:s4] =	ssyncadd.s32 $0xFFFF8000  }
0xc5: {  	[tilespmem:s5], [sflag:$0x1] =	stream.indirect.gather [spmem:s3], $0x80, s1, s8, $0xb8;
	[tilespmem:$0x1EA00] =	vst v63  }
0xc6: {  	_ = 	snop  }
0xc7: {  	[tilespmem:s12], [sflag:$0x1] =	stream.indirect.gather [spmem:s3], $0x80, s28, s8, $0xb8;
	[tilespmem:$0x1EA00] =	vst v63  }
0xc8: {  	_ =	swait.ge [sflag:s14], $0x4000  }
0xc9: {  	[sflag:s14] =	ssyncset.done $0x0  }
0xca: {  	[sflag:s14] =	ssyncadd.s32 $0xFFFFC000  }
0xcb: {  	_ =	swait.ge [sflag:s14], $0x4000  }
0xcc: {  	[sflag:s14] =	ssyncset.done $0x0  }
0xcd: {  	s28 =	rddreg [dreg:$0xd];
	[sflag:s14] =	ssyncadd.s32 $0xFFFFC000  }
0xce: {  	[hbm4b:s28+s2] =	stream.linear.scatter [tilespmem:s10], [sflag:$0x5], $0x8000, $0x38;
	[tilespmem:$0x1EA00] =	vst v63  }
0xcf: {  	_ =	swait.ge [sflag:s9], $0x8000  }
0xd0: {  	s1 =	sld [smem:$0x7EA]  }
0xd1: {  	[sflag:s9] =	ssyncset.done $0x0  }
0xd2: {  	s28 =	sld [smem:$0x7EB];
	[sflag:s9] =	ssyncadd.s32 $0xFFFF8000  }
0xd3: {  	[tilespmem:s10], [sflag:$0x2] =	stream.indirect.gather [spmem:s3], $0x80, s1, s8, $0xb8;
	[tilespmem:$0x1EA00] =	vst v63  }
0xd4: {  	_ = 	snop  }
0xd5: {  	[tilespmem:s16], [sflag:$0x2] =	stream.indirect.gather [spmem:s3], $0x80, s28, s8, $0xb8;
	[tilespmem:$0x1EA00] =	vst v63  }
0xd6: {  	_ =	swait.ge [sflag:s13], $0x4000  }
0xd7: {  	[sflag:s13] =	ssyncset.done $0x0  }
0xd8: {  	[sflag:s13] =	ssyncadd.s32 $0xFFFFC000  }
0xd9: {  	_ =	swait.ge [sflag:s13], $0x4000  }
0xda: {  	[sflag:s13] =	ssyncset.done $0x0  }
0xdb: {  	s28 =	rddreg [dreg:$0xe];
	[sflag:s13] =	ssyncadd.s32 $0xFFFFC000  }
0xdc: {  	[hbm4b:s28+s2] =	stream.linear.scatter [tilespmem:s7], [sflag:$0x6], $0x8000, $0x38;
	[tilespmem:$0x1EA00] =	vst v63  }
0xdd: {  	_ =	swait.ge [sflag:s11], $0x8000  }
0xde: {  	s1 =	sld [smem:$0x7EC]  }
0xdf: {  	[sflag:s11] =	ssyncset.done $0x0  }
0xe0: {  	s28 =	sld [smem:$0x7ED];
	[sflag:s11] =	ssyncadd.s32 $0xFFFF8000  }
0xe1: {  	[tilespmem:s7], [sflag:$0x3] =	stream.indirect.gather [spmem:s3], $0x80, s1, s8, $0xb8;
	[tilespmem:$0x1EA00] =	vst v63  }
0xe2: {  	_ = 	snop  }
0xe3: {  	[tilespmem:s15], [sflag:$0x3] =	stream.indirect.gather [spmem:s3], $0x80, s28, s8, $0xb8;
	[tilespmem:$0x1EA00] =	vst v63  }
0xe4: {  	_ =	swait.ge [sflag:s6], $0x4000  }
0xe5: {  	[sflag:s6] =	ssyncset.done $0x0  }
0xe6: {  	[sflag:s6] =	ssyncadd.s32 $0xFFFFC000  }
0xe7: {  	_ =	swait.ge [sflag:s6], $0x4000  }
0xe8: {  	[sflag:s6] =	ssyncset.done $0x0  }
0xe9: {  	s28 =	rddreg [dreg:$0xf];
	[sflag:s6] =	ssyncadd.s32 $0xFFFFC000  }
0xea: {  	[hbm4b:s28+s2] =	stream.linear.scatter [tilespmem:s5], [sflag:$0x4], $0x8000, $0x38;
	[tilespmem:$0x1EA00] =	vst v63  }
0xeb: {  	_ =	swait.ge [sflag:s4], $0x8000  }
0xec: {  	s1 =	sld [smem:$0x7EE]  }
0xed: {  	[sflag:s4] =	ssyncset.done $0x0  }
0xee: {  	s28 =	sld [smem:$0x7EF];
	[sflag:s4] =	ssyncadd.s32 $0xFFFF8000  }
0xef: {  	[tilespmem:s5], [sflag:$0x1] =	stream.indirect.gather [spmem:s3], $0x80, s1, s8, $0xb8;
	[tilespmem:$0x1EA00] =	vst v63  }
0xf0: {  	_ = 	snop  }
0xf1: {  	[tilespmem:s12], [sflag:$0x1] =	stream.indirect.gather [spmem:s3], $0x80, s28, s8, $0xb8;
	[tilespmem:$0x1EA00] =	vst v63  }
0xf2: {  	_ =	swait.ge [sflag:s14], $0x4000  }
0xf3: {  	[sflag:s14] =	ssyncset.done $0x0  }
0xf4: {  	[sflag:s14] =	ssyncadd.s32 $0xFFFFC000  }
0xf5: {  	_ =	swait.ge [sflag:s14], $0x4000  }
0xf6: {  	[sflag:s14] =	ssyncset.done $0x0  }
0xf7: {  	s28 =	rddreg [dreg:$0x10];
	[sflag:s14] =	ssyncadd.s32 $0xFFFFC000  }
0xf8: {  	[hbm4b:s28+s2] =	stream.linear.scatter [tilespmem:s10], [sflag:$0x5], $0x8000, $0x38;
	[tilespmem:$0x1EA00] =	vst v63  }
0xf9: {  	_ =	swait.ge [sflag:s9], $0x8000  }
0xfa: {  	s1 =	sld [smem:$0x7F0]  }
0xfb: {  	[sflag:s9] =	ssyncset.done $0x0  }
0xfc: {  	s28 =	sld [smem:$0x7F1];
	[sflag:s9] =	ssyncadd.s32 $0xFFFF8000  }
0xfd: {  	[tilespmem:s10], [sflag:$0x2] =	stream.indirect.gather [spmem:s3], $0x80, s1, s8, $0xb8;
	[tilespmem:$0x1EA00] =	vst v63  }
0xfe: {  	_ = 	snop  }
0xff: {  	[tilespmem:s16], [sflag:$0x2] =	stream.indirect.gather [spmem:s3], $0x80, s28, s8, $0xb8;
	[tilespmem:$0x1EA00] =	vst v63  }
0x100: {  	_ =	swait.ge [sflag:s13], $0x4000  }
0x101: {  	[sflag:s13] =	ssyncset.done $0x0  }
0x102: {  	[sflag:s13] =	ssyncadd.s32 $0xFFFFC000  }
0x103: {  	_ =	swait.ge [sflag:s13], $0x4000  }
0x104: {  	[sflag:s13] =	ssyncset.done $0x0  }
0x105: {  	s28 =	rddreg [dreg:$0x11];
	[sflag:s13] =	ssyncadd.s32 $0xFFFFC000  }
0x106: {  	[hbm4b:s28+s2] =	stream.linear.scatter [tilespmem:s7], [sflag:$0x6], $0x8000, $0x38;
	[tilespmem:$0x1EA00] =	vst v63  }
0x107: {  	_ =	swait.ge [sflag:s11], $0x8000  }
0x108: {  	s1 =	sld [smem:$0x7F2]  }
0x109: {  	[sflag:s11] =	ssyncset.done $0x0  }
0x10a: {  	s28 =	sld [smem:$0x7F3];
	[sflag:s11] =	ssyncadd.s32 $0xFFFF8000  }
0x10b: {  	[tilespmem:s7], [sflag:$0x3] =	stream.indirect.gather [spmem:s3], $0x80, s1, s8, $0xb8;
	[tilespmem:$0x1EA00] =	vst v63  }
0x10c: {  	_ = 	snop  }
0x10d: {  	[tilespmem:s15], [sflag:$0x3] =	stream.indirect.gather [spmem:s3], $0x80, s28, s8, $0xb8;
	[tilespmem:$0x1EA00] =	vst v63  }
0x10e: {  	_ =	swait.ge [sflag:s6], $0x4000  }
0x10f: {  	[sflag:s6] =	ssyncset.done $0x0  }
0x110: {  	[sflag:s6] =	ssyncadd.s32 $0xFFFFC000  }
0x111: {  	_ =	swait.ge [sflag:s6], $0x4000  }
0x112: {  	[sflag:s6] =	ssyncset.done $0x0  }
0x113: {  	s28 =	rddreg [dreg:$0x12];
	[sflag:s6] =	ssyncadd.s32 $0xFFFFC000  }
0x114: {  	[hbm4b:s28+s2] =	stream.linear.scatter [tilespmem:s5], [sflag:$0x4], $0x8000, $0x38;
	[tilespmem:$0x1EA00] =	vst v63  }
0x115: {  	_ =	swait.ge [sflag:s4], $0x8000  }
0x116: {  	s1 =	sld [smem:$0x7F4]  }
0x117: {  	[sflag:s4] =	ssyncset.done $0x0  }
0x118: {  	s28 =	sld [smem:$0x7F5];
	[sflag:s4] =	ssyncadd.s32 $0xFFFF8000  }
0x119: {  	[tilespmem:s5], [sflag:$0x1] =	stream.indirect.gather [spmem:s3], $0x80, s1, s8, $0xb8;
	[tilespmem:$0x1EA00] =	vst v63  }
0x11a: {  	_ = 	snop  }
0x11b: {  	[tilespmem:s12], [sflag:$0x1] =	stream.indirect.gather [spmem:s3], $0x80, s28, s8, $0xb8;
	[tilespmem:$0x1EA00] =	vst v63  }
0x11c: {  	_ =	swait.ge [sflag:s14], $0x4000  }
0x11d: {  	[sflag:s14] =	ssyncset.done $0x0  }
0x11e: {  	[sflag:s14] =	ssyncadd.s32 $0xFFFFC000  }
0x11f: {  	_ =	swait.ge [sflag:s14], $0x4000  }
0x120: {  	[sflag:s14] =	ssyncset.done $0x0  }
0x121: {  	s28 =	rddreg [dreg:$0x13];
	[sflag:s14] =	ssyncadd.s32 $0xFFFFC000  }
0x122: {  	[hbm4b:s28+s2] =	stream.linear.scatter [tilespmem:s10], [sflag:$0x5], $0x8000, $0x38;
	[tilespmem:$0x1EA00] =	vst v63  }
0x123: {  	_ =	swait.ge [sflag:s9], $0x8000  }
0x124: {  	s1 =	sld [smem:$0x7F6]  }
0x125: {  	[sflag:s9] =	ssyncset.done $0x0  }
0x126: {  	s28 =	sld [smem:$0x7F7];
	[sflag:s9] =	ssyncadd.s32 $0xFFFF8000  }
0x127: {  	[tilespmem:s10], [sflag:$0x2] =	stream.indirect.gather [spmem:s3], $0x80, s1, s8, $0xb8;
	[tilespmem:$0x1EA00] =	vst v63  }
0x128: {  	_ = 	snop  }
0x129: {  	[tilespmem:s16], [sflag:$0x2] =	stream.indirect.gather [spmem:s3], $0x80, s28, s8, $0xb8;
	[tilespmem:$0x1EA00] =	vst v63  }
0x12a: {  	_ =	swait.ge [sflag:s13], $0x4000  }
0x12b: {  	[sflag:s13] =	ssyncset.done $0x0  }
0x12c: {  	[sflag:s13] =	ssyncadd.s32 $0xFFFFC000  }
0x12d: {  	_ =	swait.ge [sflag:s13], $0x4000  }
0x12e: {  	[sflag:s13] =	ssyncset.done $0x0  }
0x12f: {  	s28 =	rddreg [dreg:$0x14];
	[sflag:s13] =	ssyncadd.s32 $0xFFFFC000  }
0x130: {  	[hbm4b:s28+s2] =	stream.linear.scatter [tilespmem:s7], [sflag:$0x6], $0x8000, $0x38;
	[tilespmem:$0x1EA00] =	vst v63  }
0x131: {  	_ =	swait.ge [sflag:s11], $0x8000  }
0x132: {  	s1 =	sld [smem:$0x7F8]  }
0x133: {  	[sflag:s11] =	ssyncset.done $0x0  }
0x134: {  	s28 =	sld [smem:$0x7F9];
	[sflag:s11] =	ssyncadd.s32 $0xFFFF8000  }
0x135: {  	[tilespmem:s7], [sflag:$0x3] =	stream.indirect.gather [spmem:s3], $0x80, s1, s8, $0xb8;
	[tilespmem:$0x1EA00] =	vst v63  }
0x136: {  	_ = 	snop  }
0x137: {  	[tilespmem:s15], [sflag:$0x3] =	stream.indirect.gather [spmem:s3], $0x80, s28, s8, $0xb8;
	[tilespmem:$0x1EA00] =	vst v63  }
0x138: {  	_ =	swait.ge [sflag:s6], $0x4000  }
0x139: {  	[sflag:s6] =	ssyncset.done $0x0  }
0x13a: {  	[sflag:s6] =	ssyncadd.s32 $0xFFFFC000  }
0x13b: {  	_ =	swait.ge [sflag:s6], $0x4000  }
0x13c: {  	[sflag:s6] =	ssyncset.done $0x0  }
0x13d: {  	s28 =	rddreg [dreg:$0x15];
	[sflag:s6] =	ssyncadd.s32 $0xFFFFC000  }
0x13e: {  	[hbm4b:s28+s2] =	stream.linear.scatter [tilespmem:s5], [sflag:$0x4], $0x8000, $0x38;
	[tilespmem:$0x1EA00] =	vst v63  }
0x13f: {  	_ =	swait.ge [sflag:s4], $0x8000  }
0x140: {  	s1 =	sld [smem:$0x7FA]  }
0x141: {  	[sflag:s4] =	ssyncset.done $0x0  }
0x142: {  	s28 =	sld [smem:$0x7FB];
	[sflag:s4] =	ssyncadd.s32 $0xFFFF8000  }
0x143: {  	[tilespmem:s5], [sflag:$0x1] =	stream.indirect.gather [spmem:s3], $0x80, s1, s8, $0xb8;
	[tilespmem:$0x1EA00] =	vst v63  }
0x144: {  	_ = 	snop  }
0x145: {  	[tilespmem:s12], [sflag:$0x1] =	stream.indirect.gather [spmem:s3], $0x80, s28, s8, $0xb8;
	[tilespmem:$0x1EA00] =	vst v63  }
0x146: {  	_ =	swait.ge [sflag:s14], $0x4000  }
0x147: {  	[sflag:s14] =	ssyncset.done $0x0  }
0x148: {  	[sflag:s14] =	ssyncadd.s32 $0xFFFFC000  }
0x149: {  	_ =	swait.ge [sflag:s14], $0x4000  }
0x14a: {  	[sflag:s14] =	ssyncset.done $0x0  }
0x14b: {  	s28 =	rddreg [dreg:$0x16];
	[sflag:s14] =	ssyncadd.s32 $0xFFFFC000  }
0x14c: {  	[hbm4b:s28+s2] =	stream.linear.scatter [tilespmem:s10], [sflag:$0x5], $0x8000, $0x38;
	[tilespmem:$0x1EA00] =	vst v63  }
0x14d: {  	_ =	swait.ge [sflag:s9], $0x8000  }
0x14e: {  	s1 =	sld [smem:$0x7FC]  }
0x14f: {  	[sflag:s9] =	ssyncset.done $0x0  }
0x150: {  	s28 =	sld [smem:$0x7FD];
	[sflag:s9] =	ssyncadd.s32 $0xFFFF8000  }
0x151: {  	[tilespmem:s10], [sflag:$0x2] =	stream.indirect.gather [spmem:s3], $0x80, s1, s8, $0xb8;
	[tilespmem:$0x1EA00] =	vst v63  }
0x152: {  	_ = 	snop  }
0x153: {  	[tilespmem:s16], [sflag:$0x2] =	stream.indirect.gather [spmem:s3], $0x80, s28, s8, $0xb8;
	[tilespmem:$0x1EA00] =	vst v63  }
0x154: {  	_ =	swait.ge [sflag:s13], $0x4000  }
0x155: {  	[sflag:s13] =	ssyncset.done $0x0  }
0x156: {  	[sflag:s13] =	ssyncadd.s32 $0xFFFFC000  }
0x157: {  	_ =	swait.ge [sflag:s13], $0x4000  }
0x158: {  	[sflag:s13] =	ssyncset.done $0x0  }
0x159: {  	s1 =	rddreg [dreg:$0x17];
	[sflag:s13] =	ssyncadd.s32 $0xFFFFC000  }
0x15a: {  	[hbm4b:s1+s2] =	stream.linear.scatter [tilespmem:s7], [sflag:$0x6], $0x8000, $0x38;
	[tilespmem:$0x1EA00] =	vst v63  }
0x15b: {  	_ =	swait.ge [sflag:s11], $0x8000  }
0x15c: {  	[sflag:s11] =	ssyncset.done $0x0  }
0x15d: {  	[sflag:s11] =	ssyncadd.s32 $0xFFFF8000  }
0x15e: {  	[tilespmem:s7], [sflag:$0x3] =	stream.indirect.gather [spmem:s3], $0x80, s25, s8, $0xb8;
	[tilespmem:$0x1EA00] =	vst v63  }
0x15f: {  	_ = 	snop  }
0x160: {  	[tilespmem:s15], [sflag:$0x3] =	stream.indirect.gather [spmem:s3], $0x80, s26, s8, $0xb8;
	[tilespmem:$0x1EA00] =	vst v63  }
0x161: {  	_ =	swait.ge [sflag:s6], $0x4000  }
0x162: {  	[sflag:s6] =	ssyncset.done $0x0  }
0x163: {  	[sflag:s6] =	ssyncadd.s32 $0xFFFFC000  }
0x164: {  	_ =	swait.ge [sflag:s6], $0x4000  }
0x165: {  	[sflag:s6] =	ssyncset.done $0x0  }
0x166: {  	s28 =	rddreg [dreg:$0x18];
	[sflag:s6] =	ssyncadd.s32 $0xFFFFC000  }
0x167: {  	[hbm4b:s28+s2] =	stream.linear.scatter [tilespmem:s5], [sflag:$0x4], $0x8000, $0x38;
	[tilespmem:$0x1EA00] =	vst v63  }
0x168: {  	_ =	swait.ge [sflag:s4], $0x8000  }
0x169: {  	[sflag:s4] =	ssyncset.done $0x0  }
0x16a: {  	[sflag:s4] =	ssyncadd.s32 $0xFFFF8000  }
0x16b: {  	[tilespmem:s5], [sflag:$0x1] =	stream.indirect.gather [spmem:s3], $0x80, s23, s8, $0xb8;
	[tilespmem:$0x1EA00] =	vst v63  }
0x16c: {  	_ = 	snop  }
0x16d: {  	[tilespmem:s12], [sflag:$0x1] =	stream.indirect.gather [spmem:s3], $0x80, s24, s8, $0xb8;
	[tilespmem:$0x1EA00] =	vst v63  }
0x16e: {  	_ =	swait.ge [sflag:s14], $0x4000  }
0x16f: {  	[sflag:s14] =	ssyncset.done $0x0  }
0x170: {  	[sflag:s14] =	ssyncadd.s32 $0xFFFFC000  }
0x171: {  	_ =	swait.ge [sflag:s14], $0x4000  }
0x172: {  	[sflag:s14] =	ssyncset.done $0x0  }
0x173: {  	s1 =	rddreg [dreg:$0x19];
	[sflag:s14] =	ssyncadd.s32 $0xFFFFC000  }
0x174: {  	[hbm4b:s1+s2] =	stream.linear.scatter [tilespmem:s10], [sflag:$0x5], $0x8000, $0x38;
	[tilespmem:$0x1EA00] =	vst v63  }
0x175: {  	_ =	swait.ge [sflag:s9], $0x8000  }
0x176: {  	[sflag:s9] =	ssyncset.done $0x0  }
0x177: {  	[sflag:s9] =	ssyncadd.s32 $0xFFFF8000  }
0x178: {  	[tilespmem:s10], [sflag:$0x2] =	stream.indirect.gather [spmem:s3], $0x80, s21, s8, $0xb8;
	[tilespmem:$0x1EA00] =	vst v63  }
0x179: {  	_ = 	snop  }
0x17a: {  	[tilespmem:s16], [sflag:$0x2] =	stream.indirect.gather [spmem:s3], $0x80, s22, s8, $0xb8;
	[tilespmem:$0x1EA00] =	vst v63  }
0x17b: {  	_ =	swait.ge [sflag:s13], $0x4000  }
0x17c: {  	[sflag:s13] =	ssyncset.done $0x0  }
0x17d: {  	[sflag:s13] =	ssyncadd.s32 $0xFFFFC000  }
0x17e: {  	_ =	swait.ge [sflag:s13], $0x4000  }
0x17f: {  	[sflag:s13] =	ssyncset.done $0x0  }
0x180: {  	s28 =	rddreg [dreg:$0x1a];
	[sflag:s13] =	ssyncadd.s32 $0xFFFFC000  }
0x181: {  	[hbm4b:s28+s2] =	stream.linear.scatter [tilespmem:s7], [sflag:$0x6], $0x8000, $0x38;
	[tilespmem:$0x1EA00] =	vst v63  }
0x182: {  	_ =	swait.ge [sflag:s11], $0x8000  }
0x183: {  	[sflag:s11] =	ssyncset.done $0x0  }
0x184: {  	[sflag:s11] =	ssyncadd.s32 $0xFFFF8000  }
0x185: {  	[tilespmem:s7], [sflag:$0x3] =	stream.indirect.gather [spmem:s3], $0x80, s19, s8, $0xb8;
	[tilespmem:$0x1EA00] =	vst v63  }
0x186: {  	_ = 	snop  }
0x187: {  	[tilespmem:s15], [sflag:$0x3] =	stream.indirect.gather [spmem:s3], $0x80, s20, s8, $0xb8;
	[tilespmem:$0x1EA00] =	vst v63  }
0x188: {  	_ =	swait.ge [sflag:s6], $0x4000  }
0x189: {  	[sflag:s6] =	ssyncset.done $0x0  }
0x18a: {  	[sflag:s6] =	ssyncadd.s32 $0xFFFFC000  }
0x18b: {  	_ =	swait.ge [sflag:s6], $0x4000  }
0x18c: {  	[sflag:s6] =	ssyncset.done $0x0  }
0x18d: {  	s1 =	rddreg [dreg:$0x1b];
	[sflag:s6] =	ssyncadd.s32 $0xFFFFC000  }
0x18e: {  	[hbm4b:s1+s2] =	stream.linear.scatter [tilespmem:s5], [sflag:$0x4], $0x8000, $0x38;
	[tilespmem:$0x1EA00] =	vst v63  }
0x18f: {  	_ =	swait.ge [sflag:s4], $0x8000  }
0x190: {  	[sflag:s4] =	ssyncset.done $0x0  }
0x191: {  	[sflag:s4] =	ssyncadd.s32 $0xFFFF8000  }
0x192: {  	[tilespmem:s5], [sflag:$0x1] =	stream.indirect.gather [spmem:s3], $0x80, s17, s8, $0xb8;
	[tilespmem:$0x1EA00] =	vst v63  }
0x193: {  	_ = 	snop  }
0x194: {  	[tilespmem:s12], [sflag:$0x1] =	stream.indirect.gather [spmem:s3], $0x80, s18, s8, $0xb8;
	[tilespmem:$0x1EA00] =	vst v63  }
0x195: {  	_ =	swait.ge [sflag:s14], $0x4000  }
0x196: {  	[sflag:s14] =	ssyncset.done $0x0  }
0x197: {  	[sflag:s14] =	ssyncadd.s32 $0xFFFFC000  }
0x198: {  	_ =	swait.ge [sflag:s14], $0x4000  }
0x199: {  	[sflag:s14] =	ssyncset.done $0x0  }
0x19a: {  	s28 =	rddreg [dreg:$0x1c];
	[sflag:s14] =	ssyncadd.s32 $0xFFFFC000  }
0x19b: {  	[hbm4b:s28+s2] =	stream.linear.scatter [tilespmem:s10], [sflag:$0x5], $0x8000, $0x38;
	[tilespmem:$0x1EA00] =	vst v63  }
0x19c: {  	_ =	swait.ge [sflag:s13], $0x4000  }
0x19d: {  	[sflag:s13] =	ssyncset.done $0x0  }
0x19e: {  	[sflag:s13] =	ssyncadd.s32 $0xFFFFC000  }
0x19f: {  	_ =	swait.ge [sflag:s13], $0x4000  }
0x1a0: {  	[sflag:s13] =	ssyncset.done $0x0  }
0x1a1: {  	s1 =	rddreg [dreg:$0x1d];
	[sflag:s13] =	ssyncadd.s32 $0xFFFFC000  }
0x1a2: {  	[hbm4b:s1+s2] =	stream.linear.scatter [tilespmem:s7], [sflag:$0x6], $0x8000, $0x38;
	[tilespmem:$0x1EA00] =	vst v63  }
0x1a3: {  	_ =	swait.ge [sflag:s6], $0x4000  }
0x1a4: {  	[sflag:s6] =	ssyncset.done $0x0  }
0x1a5: {  	[sflag:s6] =	ssyncadd.s32 $0xFFFFC000  }
0x1a6: {  	_ =	swait.ge [sflag:s6], $0x4000  }
0x1a7: {  	[sflag:s6] =	ssyncset.done $0x0  }
0x1a8: {  	s31 =	sadd.s32 $0xFFFFFFFF, s31;
	s28 =	rddreg [dreg:$0x1e];
	[sflag:s6] =	ssyncadd.s32 $0xFFFFC000  }
0x1a9: {  	[hbm4b:s28+s2] =	stream.linear.scatter [tilespmem:s5], [sflag:$0x4], $0x8000, $0x38;
	[tilespmem:$0x1EA00] =	vst v63  }
0x1aa: {  	p2 =	sne.s32 s31, $0x0;
	_ =	swait.ge [sflag:s9], $0x8000  }
.Ltmp1:
0x1ab: {  	[sflag:s9] =	ssyncset.done $0x0;
	(pc) =	sbr.rel @!p2 .LBB2_2-.Ltmp1, $4  }
0x1ac: {  	[sflag:s9] =	ssyncadd.s32 $0xFFFF8000  }
0x1ad: {  	_ =	swait.ge [sflag:s11], $0x8000  }
0x1ae: {  	[sflag:s11] =	ssyncset.done $0x0  }
0x1af: {  	p1 =	por $0x1, $0x1;
	[sflag:s11] =	ssyncadd.s32 $0xFFFF8000  }
.LBB2_3:
0x1b0: {  	_ =	swait.ge [sflag:s4], $0x8000  }
0x1b1: {  	s0 =	rddreg [dreg:$0x5]  }
0x1b2: {  	[sflag:s4] =	ssyncset.done $0x0;
	s1 =	rddreg [dreg:$0x4]  }
0x1b3: {  	s28 =	rddreg [dreg:$0x1f];
	[sflag:s4] =	ssyncadd.s32 $0xFFFF8000  }
0x1b4: {  	[tilespmem:s2], [sflag:$0x4] =	stream.linear.gather [hbm4b:s1+s2], $0x1900, $0x38;
	[tilespmem:$0x1EA00] =	vst v63  }
0x1b5: {  	[spmem:s28], [sflag:s29] =	dma.local @!p0 [hbm:s0], $0xC00  }
0x1b6: {  	_ =	swait.ge @!p0 [sflag:s30], $0xC00  }
0x1b7: {  	[sflag:s30] =	ssyncset.done @!p0 $0x0  }
0x1b8: {  	[sflag:s30] =	ssyncadd.s32 @!p0 $0xFFFFF400  }
0x1b9: {  	_ =	swait.ge [sflag:s4], $0x1900  }
0x1ba: {  	[sflag:s4] =	ssyncset.done $0x0  }
0x1bb: {  	[sflag:s4] =	ssyncadd.s32 $0xFFFFE700  }
0x1bc: {  	[bflag:$0x0] =	sbarrier.arrive $0xFFFF  }
0x1bd: {  	[tilespmem:s5], [sflag:$0x1] =	stream.indirect.gather [spmem:s3], $0x80, s2, s8, $0xb8;
	[tilespmem:$0x1EA00] =	vst v63  }
0x1be: {  	s1 =	sld [smem:$0x7D8]  }
0x1bf: {  	[tilespmem:s12], [sflag:$0x1] =	stream.indirect.gather [spmem:s3], $0x80, s8, s8, $0xb8;
	[tilespmem:$0x1EA00] =	vst v63  }
0x1c0: {  	s28 =	sld [smem:$0x7D9]  }
0x1c1: {  	[tilespmem:s10], [sflag:$0x2] =	stream.indirect.gather [spmem:s3], $0x80, s1, s8, $0xb8;
	[tilespmem:$0x1EA00] =	vst v63  }
0x1c2: {  	s0 =	sld [smem:$0x7DA]  }
0x1c3: {  	[tilespmem:s16], [sflag:$0x2] =	stream.indirect.gather [spmem:s3], $0x80, s28, s8, $0xb8;
	[tilespmem:$0x1EA00] =	vst v63  }
0x1c4: {  	s28 =	sld [smem:$0x7DB]  }
0x1c5: {  	[tilespmem:s7], [sflag:$0x3] =	stream.indirect.gather [spmem:s3], $0x80, s0, s8, $0xb8;
	[tilespmem:$0x1EA00] =	vst v63  }
0x1c6: {  	_ = 	snop  }
0x1c7: {  	[tilespmem:s15], [sflag:$0x3] =	stream.indirect.gather [spmem:s3], $0x80, s28, s8, $0xb8;
	[tilespmem:$0x1EA00] =	vst v63  }
0x1c8: {  	_ =	swait.ge [sflag:s6], $0x4000  }
0x1c9: {  	[sflag:s6] =	ssyncset.done $0x0  }
0x1ca: {  	[sflag:s6] =	ssyncadd.s32 $0xFFFFC000  }
0x1cb: {  	_ =	swait.ge [sflag:s6], $0x4000  }
0x1cc: {  	[sflag:s6] =	ssyncset.done $0x0  }
0x1cd: {  	s28 =	rddreg [dreg:$0x6];
	[sflag:s6] =	ssyncadd.s32 $0xFFFFC000  }
0x1ce: {  	[hbm4b:s28+s2] =	stream.linear.scatter [tilespmem:s5], [sflag:$0x4], $0x8000, $0x38;
	[tilespmem:$0x1EA00] =	vst v63  }
0x1cf: {  	_ =	swait.ge [sflag:s4], $0x8000  }
0x1d0: {  	s1 =	sld [smem:$0x7DC]  }
0x1d1: {  	[sflag:s4] =	ssyncset.done $0x0  }
0x1d2: {  	s28 =	sld [smem:$0x7DD];
	[sflag:s4] =	ssyncadd.s32 $0xFFFF8000  }
0x1d3: {  	[tilespmem:s5], [sflag:$0x1] =	stream.indirect.gather [spmem:s3], $0x80, s1, s8, $0xb8;
	[tilespmem:$0x1EA00] =	vst v63  }
0x1d4: {  	_ = 	snop  }
0x1d5: {  	[tilespmem:s12], [sflag:$0x1] =	stream.indirect.gather [spmem:s3], $0x80, s28, s8, $0xb8;
	[tilespmem:$0x1EA00] =	vst v63  }
0x1d6: {  	_ =	swait.ge [sflag:s14], $0x4000  }
0x1d7: {  	[sflag:s14] =	ssyncset.done $0x0  }
0x1d8: {  	[sflag:s14] =	ssyncadd.s32 $0xFFFFC000  }
0x1d9: {  	_ =	swait.ge [sflag:s14], $0x4000  }
0x1da: {  	[sflag:s14] =	ssyncset.done $0x0  }
0x1db: {  	s28 =	rddreg [dreg:$0x7];
	[sflag:s14] =	ssyncadd.s32 $0xFFFFC000  }
0x1dc: {  	[hbm4b:s28+s2] =	stream.linear.scatter [tilespmem:s10], [sflag:$0x5], $0x8000, $0x38;
	[tilespmem:$0x1EA00] =	vst v63  }
0x1dd: {  	_ =	swait.ge [sflag:s9], $0x8000  }
0x1de: {  	s1 =	sld [smem:$0x7DE]  }
0x1df: {  	[sflag:s9] =	ssyncset.done $0x0  }
0x1e0: {  	s28 =	sld [smem:$0x7DF];
	[sflag:s9] =	ssyncadd.s32 $0xFFFF8000  }
0x1e1: {  	[tilespmem:s10], [sflag:$0x2] =	stream.indirect.gather [spmem:s3], $0x80, s1, s8, $0xb8;
	[tilespmem:$0x1EA00] =	vst v63  }
0x1e2: {  	_ = 	snop  }
0x1e3: {  	[tilespmem:s16], [sflag:$0x2] =	stream.indirect.gather [spmem:s3], $0x80, s28, s8, $0xb8;
	[tilespmem:$0x1EA00] =	vst v63  }
0x1e4: {  	_ =	swait.ge [sflag:s13], $0x4000  }
0x1e5: {  	[sflag:s13] =	ssyncset.done $0x0  }
0x1e6: {  	[sflag:s13] =	ssyncadd.s32 $0xFFFFC000  }
0x1e7: {  	_ =	swait.ge [sflag:s13], $0x4000  }
0x1e8: {  	[sflag:s13] =	ssyncset.done $0x0  }
0x1e9: {  	s28 =	rddreg [dreg:$0x8];
	[sflag:s13] =	ssyncadd.s32 $0xFFFFC000  }
0x1ea: {  	[hbm4b:s28+s2] =	stream.linear.scatter [tilespmem:s7], [sflag:$0x6], $0x8000, $0x38;
	[tilespmem:$0x1EA00] =	vst v63  }
0x1eb: {  	_ =	swait.ge [sflag:s11], $0x8000  }
0x1ec: {  	s1 =	sld [smem:$0x7E0]  }
0x1ed: {  	[sflag:s11] =	ssyncset.done $0x0  }
0x1ee: {  	s28 =	sld [smem:$0x7E1];
	[sflag:s11] =	ssyncadd.s32 $0xFFFF8000  }
0x1ef: {  	[tilespmem:s7], [sflag:$0x3] =	stream.indirect.gather [spmem:s3], $0x80, s1, s8, $0xb8;
	[tilespmem:$0x1EA00] =	vst v63  }
0x1f0: {  	_ = 	snop  }
0x1f1: {  	[tilespmem:s15], [sflag:$0x3] =	stream.indirect.gather [spmem:s3], $0x80, s28, s8, $0xb8;
	[tilespmem:$0x1EA00] =	vst v63  }
0x1f2: {  	_ =	swait.ge [sflag:s6], $0x4000  }
0x1f3: {  	[sflag:s6] =	ssyncset.done $0x0  }
0x1f4: {  	[sflag:s6] =	ssyncadd.s32 $0xFFFFC000  }
0x1f5: {  	_ =	swait.ge [sflag:s6], $0x4000  }
0x1f6: {  	[sflag:s6] =	ssyncset.done $0x0  }
0x1f7: {  	s28 =	rddreg [dreg:$0x9];
	[sflag:s6] =	ssyncadd.s32 $0xFFFFC000  }
0x1f8: {  	[hbm4b:s28+s2] =	stream.linear.scatter [tilespmem:s5], [sflag:$0x4], $0x8000, $0x38;
	[tilespmem:$0x1EA00] =	vst v63  }
0x1f9: {  	_ =	swait.ge [sflag:s4], $0x8000  }
0x1fa: {  	s1 =	sld [smem:$0x7E2]  }
0x1fb: {  	[sflag:s4] =	ssyncset.done $0x0  }
0x1fc: {  	s28 =	sld [smem:$0x7E3];
	[sflag:s4] =	ssyncadd.s32 $0xFFFF8000  }
0x1fd: {  	[tilespmem:s5], [sflag:$0x1] =	stream.indirect.gather [spmem:s3], $0x80, s1, s8, $0xb8;
	[tilespmem:$0x1EA00] =	vst v63  }
0x1fe: {  	_ = 	snop  }
0x1ff: {  	[tilespmem:s12], [sflag:$0x1] =	stream.indirect.gather [spmem:s3], $0x80, s28, s8, $0xb8;
	[tilespmem:$0x1EA00] =	vst v63  }
0x200: {  	_ =	swait.ge [sflag:s14], $0x4000  }
0x201: {  	[sflag:s14] =	ssyncset.done $0x0  }
0x202: {  	[sflag:s14] =	ssyncadd.s32 $0xFFFFC000  }
0x203: {  	_ =	swait.ge [sflag:s14], $0x4000  }
0x204: {  	[sflag:s14] =	ssyncset.done $0x0  }
0x205: {  	s28 =	rddreg [dreg:$0xa];
	[sflag:s14] =	ssyncadd.s32 $0xFFFFC000  }
0x206: {  	[hbm4b:s28+s2] =	stream.linear.scatter [tilespmem:s10], [sflag:$0x5], $0x8000, $0x38;
	[tilespmem:$0x1EA00] =	vst v63  }
0x207: {  	_ =	swait.ge [sflag:s9], $0x8000  }
0x208: {  	s1 =	sld [smem:$0x7E4]  }
0x209: {  	[sflag:s9] =	ssyncset.done $0x0  }
0x20a: {  	s28 =	sld [smem:$0x7E5];
	[sflag:s9] =	ssyncadd.s32 $0xFFFF8000  }
0x20b: {  	[tilespmem:s10], [sflag:$0x2] =	stream.indirect.gather [spmem:s3], $0x80, s1, s8, $0xb8;
	[tilespmem:$0x1EA00] =	vst v63  }
0x20c: {  	_ = 	snop  }
0x20d: {  	[tilespmem:s16], [sflag:$0x2] =	stream.indirect.gather [spmem:s3], $0x80, s28, s8, $0xb8;
	[tilespmem:$0x1EA00] =	vst v63  }
0x20e: {  	_ =	swait.ge [sflag:s13], $0x4000  }
0x20f: {  	[sflag:s13] =	ssyncset.done $0x0  }
0x210: {  	[sflag:s13] =	ssyncadd.s32 $0xFFFFC000  }
0x211: {  	_ =	swait.ge [sflag:s13], $0x4000  }
0x212: {  	[sflag:s13] =	ssyncset.done $0x0  }
0x213: {  	s28 =	rddreg [dreg:$0xb];
	[sflag:s13] =	ssyncadd.s32 $0xFFFFC000  }
0x214: {  	[hbm4b:s28+s2] =	stream.linear.scatter [tilespmem:s7], [sflag:$0x6], $0x8000, $0x38;
	[tilespmem:$0x1EA00] =	vst v63  }
0x215: {  	_ =	swait.ge [sflag:s11], $0x8000  }
0x216: {  	s1 =	sld [smem:$0x7E6]  }
0x217: {  	[sflag:s11] =	ssyncset.done $0x0  }
0x218: {  	s28 =	sld [smem:$0x7E7];
	[sflag:s11] =	ssyncadd.s32 $0xFFFF8000  }
0x219: {  	[tilespmem:s7], [sflag:$0x3] =	stream.indirect.gather [spmem:s3], $0x80, s1, s8, $0xb8;
	[tilespmem:$0x1EA00] =	vst v63  }
0x21a: {  	_ = 	snop  }
0x21b: {  	[tilespmem:s15], [sflag:$0x3] =	stream.indirect.gather [spmem:s3], $0x80, s28, s8, $0xb8;
	[tilespmem:$0x1EA00] =	vst v63  }
0x21c: {  	_ =	swait.ge [sflag:s6], $0x4000  }
0x21d: {  	[sflag:s6] =	ssyncset.done $0x0  }
0x21e: {  	[sflag:s6] =	ssyncadd.s32 $0xFFFFC000  }
0x21f: {  	_ =	swait.ge [sflag:s6], $0x4000  }
0x220: {  	[sflag:s6] =	ssyncset.done $0x0  }
0x221: {  	s28 =	rddreg [dreg:$0xc];
	[sflag:s6] =	ssyncadd.s32 $0xFFFFC000  }
0x222: {  	[hbm4b:s28+s2] =	stream.linear.scatter [tilespmem:s5], [sflag:$0x4], $0x8000, $0x38;
	[tilespmem:$0x1EA00] =	vst v63  }
0x223: {  	_ =	swait.ge [sflag:s4], $0x8000  }
0x224: {  	s1 =	sld [smem:$0x7E8]  }
0x225: {  	[sflag:s4] =	ssyncset.done $0x0  }
0x226: {  	s28 =	sld [smem:$0x7E9];
	[sflag:s4] =	ssyncadd.s32 $0xFFFF8000  }
0x227: {  	[tilespmem:s5], [sflag:$0x1] =	stream.indirect.gather [spmem:s3], $0x80, s1, s8, $0xb8;
	[tilespmem:$0x1EA00] =	vst v63  }
0x228: {  	_ = 	snop  }
0x229: {  	[tilespmem:s12], [sflag:$0x1] =	stream.indirect.gather [spmem:s3], $0x80, s28, s8, $0xb8;
	[tilespmem:$0x1EA00] =	vst v63  }
0x22a: {  	_ =	swait.ge [sflag:s14], $0x4000  }
0x22b: {  	[sflag:s14] =	ssyncset.done $0x0  }
0x22c: {  	[sflag:s14] =	ssyncadd.s32 $0xFFFFC000  }
0x22d: {  	_ =	swait.ge [sflag:s14], $0x4000  }
0x22e: {  	[sflag:s14] =	ssyncset.done $0x0  }
0x22f: {  	s28 =	rddreg [dreg:$0xd];
	[sflag:s14] =	ssyncadd.s32 $0xFFFFC000  }
0x230: {  	[hbm4b:s28+s2] =	stream.linear.scatter [tilespmem:s10], [sflag:$0x5], $0x8000, $0x38;
	[tilespmem:$0x1EA00] =	vst v63  }
0x231: {  	_ =	swait.ge [sflag:s9], $0x8000  }
0x232: {  	s1 =	sld [smem:$0x7EA]  }
0x233: {  	[sflag:s9] =	ssyncset.done $0x0  }
0x234: {  	s28 =	sld [smem:$0x7EB];
	[sflag:s9] =	ssyncadd.s32 $0xFFFF8000  }
0x235: {  	[tilespmem:s10], [sflag:$0x2] =	stream.indirect.gather [spmem:s3], $0x80, s1, s8, $0xb8;
	[tilespmem:$0x1EA00] =	vst v63  }
0x236: {  	_ = 	snop  }
0x237: {  	[tilespmem:s16], [sflag:$0x2] =	stream.indirect.gather [spmem:s3], $0x80, s28, s8, $0xb8;
	[tilespmem:$0x1EA00] =	vst v63  }
0x238: {  	_ =	swait.ge [sflag:s13], $0x4000  }
0x239: {  	[sflag:s13] =	ssyncset.done $0x0  }
0x23a: {  	[sflag:s13] =	ssyncadd.s32 $0xFFFFC000  }
0x23b: {  	_ =	swait.ge [sflag:s13], $0x4000  }
0x23c: {  	[sflag:s13] =	ssyncset.done $0x0  }
0x23d: {  	s28 =	rddreg [dreg:$0xe];
	[sflag:s13] =	ssyncadd.s32 $0xFFFFC000  }
0x23e: {  	[hbm4b:s28+s2] =	stream.linear.scatter [tilespmem:s7], [sflag:$0x6], $0x8000, $0x38;
	[tilespmem:$0x1EA00] =	vst v63  }
0x23f: {  	_ =	swait.ge [sflag:s11], $0x8000  }
0x240: {  	s1 =	sld [smem:$0x7EC]  }
0x241: {  	[sflag:s11] =	ssyncset.done $0x0  }
0x242: {  	s28 =	sld [smem:$0x7ED];
	[sflag:s11] =	ssyncadd.s32 $0xFFFF8000  }
0x243: {  	[tilespmem:s7], [sflag:$0x3] =	stream.indirect.gather [spmem:s3], $0x80, s1, s8, $0xb8;
	[tilespmem:$0x1EA00] =	vst v63  }
0x244: {  	_ = 	snop  }
0x245: {  	[tilespmem:s15], [sflag:$0x3] =	stream.indirect.gather [spmem:s3], $0x80, s28, s8, $0xb8;
	[tilespmem:$0x1EA00] =	vst v63  }
0x246: {  	_ =	swait.ge [sflag:s6], $0x4000  }
0x247: {  	[sflag:s6] =	ssyncset.done $0x0  }
0x248: {  	[sflag:s6] =	ssyncadd.s32 $0xFFFFC000  }
0x249: {  	_ =	swait.ge [sflag:s6], $0x4000  }
0x24a: {  	[sflag:s6] =	ssyncset.done $0x0  }
0x24b: {  	s28 =	rddreg [dreg:$0xf];
	[sflag:s6] =	ssyncadd.s32 $0xFFFFC000  }
0x24c: {  	[hbm4b:s28+s2] =	stream.linear.scatter [tilespmem:s5], [sflag:$0x4], $0x8000, $0x38;
	[tilespmem:$0x1EA00] =	vst v63  }
0x24d: {  	_ =	swait.ge [sflag:s4], $0x8000  }
0x24e: {  	s1 =	sld [smem:$0x7EE]  }
0x24f: {  	[sflag:s4] =	ssyncset.done $0x0  }
0x250: {  	s28 =	sld [smem:$0x7EF];
	[sflag:s4] =	ssyncadd.s32 $0xFFFF8000  }
0x251: {  	[tilespmem:s5], [sflag:$0x1] =	stream.indirect.gather [spmem:s3], $0x80, s1, s8, $0xb8;
	[tilespmem:$0x1EA00] =	vst v63  }
0x252: {  	_ = 	snop  }
0x253: {  	[tilespmem:s12], [sflag:$0x1] =	stream.indirect.gather [spmem:s3], $0x80, s28, s8, $0xb8;
	[tilespmem:$0x1EA00] =	vst v63  }
0x254: {  	_ =	swait.ge [sflag:s14], $0x4000  }
0x255: {  	[sflag:s14] =	ssyncset.done $0x0  }
0x256: {  	[sflag:s14] =	ssyncadd.s32 $0xFFFFC000  }
0x257: {  	_ =	swait.ge [sflag:s14], $0x4000  }
0x258: {  	[sflag:s14] =	ssyncset.done $0x0  }
0x259: {  	s28 =	rddreg [dreg:$0x10];
	[sflag:s14] =	ssyncadd.s32 $0xFFFFC000  }
0x25a: {  	[hbm4b:s28+s2] =	stream.linear.scatter [tilespmem:s10], [sflag:$0x5], $0x8000, $0x38;
	[tilespmem:$0x1EA00] =	vst v63  }
0x25b: {  	_ =	swait.ge [sflag:s9], $0x8000  }
0x25c: {  	s1 =	sld [smem:$0x7F0]  }
0x25d: {  	[sflag:s9] =	ssyncset.done $0x0  }
0x25e: {  	s28 =	sld [smem:$0x7F1];
	[sflag:s9] =	ssyncadd.s32 $0xFFFF8000  }
0x25f: {  	[tilespmem:s10], [sflag:$0x2] =	stream.indirect.gather [spmem:s3], $0x80, s1, s8, $0xb8;
	[tilespmem:$0x1EA00] =	vst v63  }
0x260: {  	_ = 	snop  }
0x261: {  	[tilespmem:s16], [sflag:$0x2] =	stream.indirect.gather [spmem:s3], $0x80, s28, s8, $0xb8;
	[tilespmem:$0x1EA00] =	vst v63  }
0x262: {  	_ =	swait.ge [sflag:s13], $0x4000  }
0x263: {  	[sflag:s13] =	ssyncset.done $0x0  }
0x264: {  	[sflag:s13] =	ssyncadd.s32 $0xFFFFC000  }
0x265: {  	_ =	swait.ge [sflag:s13], $0x4000  }
0x266: {  	[sflag:s13] =	ssyncset.done $0x0  }
0x267: {  	s28 =	rddreg [dreg:$0x11];
	[sflag:s13] =	ssyncadd.s32 $0xFFFFC000  }
0x268: {  	[hbm4b:s28+s2] =	stream.linear.scatter [tilespmem:s7], [sflag:$0x6], $0x8000, $0x38;
	[tilespmem:$0x1EA00] =	vst v63  }
0x269: {  	_ =	swait.ge [sflag:s11], $0x8000  }
0x26a: {  	s1 =	sld [smem:$0x7F2]  }
0x26b: {  	[sflag:s11] =	ssyncset.done $0x0  }
0x26c: {  	s28 =	sld [smem:$0x7F3];
	[sflag:s11] =	ssyncadd.s32 $0xFFFF8000  }
0x26d: {  	[tilespmem:s7], [sflag:$0x3] =	stream.indirect.gather [spmem:s3], $0x80, s1, s8, $0xb8;
	[tilespmem:$0x1EA00] =	vst v63  }
0x26e: {  	_ = 	snop  }
0x26f: {  	[tilespmem:s15], [sflag:$0x3] =	stream.indirect.gather [spmem:s3], $0x80, s28, s8, $0xb8;
	[tilespmem:$0x1EA00] =	vst v63  }
0x270: {  	_ =	swait.ge [sflag:s6], $0x4000  }
0x271: {  	[sflag:s6] =	ssyncset.done $0x0  }
0x272: {  	[sflag:s6] =	ssyncadd.s32 $0xFFFFC000  }
0x273: {  	_ =	swait.ge [sflag:s6], $0x4000  }
0x274: {  	[sflag:s6] =	ssyncset.done $0x0  }
0x275: {  	s28 =	rddreg [dreg:$0x12];
	[sflag:s6] =	ssyncadd.s32 $0xFFFFC000  }
0x276: {  	[hbm4b:s28+s2] =	stream.linear.scatter [tilespmem:s5], [sflag:$0x4], $0x8000, $0x38;
	[tilespmem:$0x1EA00] =	vst v63  }
0x277: {  	_ =	swait.ge [sflag:s4], $0x8000  }
0x278: {  	s1 =	sld [smem:$0x7F4]  }
0x279: {  	[sflag:s4] =	ssyncset.done $0x0  }
0x27a: {  	s28 =	sld [smem:$0x7F5];
	[sflag:s4] =	ssyncadd.s32 $0xFFFF8000  }
0x27b: {  	[tilespmem:s5], [sflag:$0x1] =	stream.indirect.gather [spmem:s3], $0x80, s1, s8, $0xb8;
	[tilespmem:$0x1EA00] =	vst v63  }
0x27c: {  	_ = 	snop  }
0x27d: {  	[tilespmem:s12], [sflag:$0x1] =	stream.indirect.gather [spmem:s3], $0x80, s28, s8, $0xb8;
	[tilespmem:$0x1EA00] =	vst v63  }
0x27e: {  	_ =	swait.ge [sflag:s14], $0x4000  }
0x27f: {  	[sflag:s14] =	ssyncset.done $0x0  }
0x280: {  	[sflag:s14] =	ssyncadd.s32 $0xFFFFC000  }
0x281: {  	_ =	swait.ge [sflag:s14], $0x4000  }
0x282: {  	[sflag:s14] =	ssyncset.done $0x0  }
0x283: {  	s28 =	rddreg [dreg:$0x13];
	[sflag:s14] =	ssyncadd.s32 $0xFFFFC000  }
0x284: {  	[hbm4b:s28+s2] =	stream.linear.scatter [tilespmem:s10], [sflag:$0x5], $0x8000, $0x38;
	[tilespmem:$0x1EA00] =	vst v63  }
0x285: {  	_ =	swait.ge [sflag:s9], $0x8000  }
0x286: {  	s1 =	sld [smem:$0x7F6]  }
0x287: {  	[sflag:s9] =	ssyncset.done $0x0  }
0x288: {  	s28 =	sld [smem:$0x7F7];
	[sflag:s9] =	ssyncadd.s32 $0xFFFF8000  }
0x289: {  	[tilespmem:s10], [sflag:$0x2] =	stream.indirect.gather [spmem:s3], $0x80, s1, s8, $0xb8;
	[tilespmem:$0x1EA00] =	vst v63  }
0x28a: {  	_ = 	snop  }
0x28b: {  	[tilespmem:s16], [sflag:$0x2] =	stream.indirect.gather [spmem:s3], $0x80, s28, s8, $0xb8;
	[tilespmem:$0x1EA00] =	vst v63  }
0x28c: {  	_ =	swait.ge [sflag:s13], $0x4000  }
0x28d: {  	[sflag:s13] =	ssyncset.done $0x0  }
0x28e: {  	[sflag:s13] =	ssyncadd.s32 $0xFFFFC000  }
0x28f: {  	_ =	swait.ge [sflag:s13], $0x4000  }
0x290: {  	[sflag:s13] =	ssyncset.done $0x0  }
0x291: {  	s28 =	rddreg [dreg:$0x14];
	[sflag:s13] =	ssyncadd.s32 $0xFFFFC000  }
0x292: {  	[hbm4b:s28+s2] =	stream.linear.scatter [tilespmem:s7], [sflag:$0x6], $0x8000, $0x38;
	[tilespmem:$0x1EA00] =	vst v63  }
0x293: {  	_ =	swait.ge [sflag:s11], $0x8000  }
0x294: {  	s1 =	sld [smem:$0x7F8]  }
0x295: {  	[sflag:s11] =	ssyncset.done $0x0  }
0x296: {  	s28 =	sld [smem:$0x7F9];
	[sflag:s11] =	ssyncadd.s32 $0xFFFF8000  }
0x297: {  	[tilespmem:s7], [sflag:$0x3] =	stream.indirect.gather [spmem:s3], $0x80, s1, s8, $0xb8;
	[tilespmem:$0x1EA00] =	vst v63  }
0x298: {  	_ = 	snop  }
0x299: {  	[tilespmem:s15], [sflag:$0x3] =	stream.indirect.gather [spmem:s3], $0x80, s28, s8, $0xb8;
	[tilespmem:$0x1EA00] =	vst v63  }
0x29a: {  	_ =	swait.ge [sflag:s6], $0x4000  }
0x29b: {  	[sflag:s6] =	ssyncset.done $0x0  }
0x29c: {  	[sflag:s6] =	ssyncadd.s32 $0xFFFFC000  }
0x29d: {  	_ =	swait.ge [sflag:s6], $0x4000  }
0x29e: {  	[sflag:s6] =	ssyncset.done $0x0  }
0x29f: {  	s28 =	rddreg [dreg:$0x15];
	[sflag:s6] =	ssyncadd.s32 $0xFFFFC000  }
0x2a0: {  	[hbm4b:s28+s2] =	stream.linear.scatter [tilespmem:s5], [sflag:$0x4], $0x8000, $0x38;
	[tilespmem:$0x1EA00] =	vst v63  }
0x2a1: {  	_ =	swait.ge [sflag:s4], $0x8000  }
0x2a2: {  	s1 =	sld [smem:$0x7FA]  }
0x2a3: {  	[sflag:s4] =	ssyncset.done $0x0  }
0x2a4: {  	s28 =	sld [smem:$0x7FB];
	[sflag:s4] =	ssyncadd.s32 $0xFFFF8000  }
0x2a5: {  	[tilespmem:s5], [sflag:$0x1] =	stream.indirect.gather [spmem:s3], $0x80, s1, s8, $0xb8;
	[tilespmem:$0x1EA00] =	vst v63  }
0x2a6: {  	_ = 	snop  }
0x2a7: {  	[tilespmem:s12], [sflag:$0x1] =	stream.indirect.gather [spmem:s3], $0x80, s28, s8, $0xb8;
	[tilespmem:$0x1EA00] =	vst v63  }
0x2a8: {  	_ =	swait.ge [sflag:s14], $0x4000  }
0x2a9: {  	[sflag:s14] =	ssyncset.done $0x0  }
0x2aa: {  	[sflag:s14] =	ssyncadd.s32 $0xFFFFC000  }
0x2ab: {  	_ =	swait.ge [sflag:s14], $0x4000  }
0x2ac: {  	[sflag:s14] =	ssyncset.done $0x0  }
0x2ad: {  	s28 =	rddreg [dreg:$0x16];
	[sflag:s14] =	ssyncadd.s32 $0xFFFFC000  }
0x2ae: {  	[hbm4b:s28+s2] =	stream.linear.scatter [tilespmem:s10], [sflag:$0x5], $0x8000, $0x38;
	[tilespmem:$0x1EA00] =	vst v63  }
0x2af: {  	_ =	swait.ge [sflag:s9], $0x8000  }
0x2b0: {  	s1 =	sld [smem:$0x7FC]  }
0x2b1: {  	[sflag:s9] =	ssyncset.done $0x0  }
0x2b2: {  	s28 =	sld [smem:$0x7FD];
	[sflag:s9] =	ssyncadd.s32 $0xFFFF8000  }
0x2b3: {  	[tilespmem:s10], [sflag:$0x2] =	stream.indirect.gather [spmem:s3], $0x80, s1, s8, $0xb8;
	[tilespmem:$0x1EA00] =	vst v63  }
0x2b4: {  	_ = 	snop  }
0x2b5: {  	[tilespmem:s16], [sflag:$0x2] =	stream.indirect.gather [spmem:s3], $0x80, s28, s8, $0xb8;
	[tilespmem:$0x1EA00] =	vst v63  }
0x2b6: {  	_ =	swait.ge [sflag:s13], $0x4000  }
0x2b7: {  	[sflag:s13] =	ssyncset.done $0x0  }
0x2b8: {  	[sflag:s13] =	ssyncadd.s32 $0xFFFFC000  }
0x2b9: {  	_ =	swait.ge [sflag:s13], $0x4000  }
0x2ba: {  	[sflag:s13] =	ssyncset.done $0x0  }
0x2bb: {  	s1 =	rddreg [dreg:$0x17];
	[sflag:s13] =	ssyncadd.s32 $0xFFFFC000  }
0x2bc: {  	[hbm4b:s1+s2] =	stream.linear.scatter [tilespmem:s7], [sflag:$0x6], $0x8000, $0x38;
	[tilespmem:$0x1EA00] =	vst v63  }
0x2bd: {  	_ =	swait.ge [sflag:s11], $0x8000  }
0x2be: {  	[sflag:s11] =	ssyncset.done $0x0  }
0x2bf: {  	[sflag:s11] =	ssyncadd.s32 $0xFFFF8000  }
0x2c0: {  	[tilespmem:s7], [sflag:$0x3] =	stream.indirect.gather [spmem:s3], $0x80, s25, s8, $0xb8;
	[tilespmem:$0x1EA00] =	vst v63  }
0x2c1: {  	_ = 	snop  }
0x2c2: {  	[tilespmem:s15], [sflag:$0x3] =	stream.indirect.gather [spmem:s3], $0x80, s26, s8, $0xb8;
	[tilespmem:$0x1EA00] =	vst v63  }
0x2c3: {  	_ =	swait.ge [sflag:s6], $0x4000  }
0x2c4: {  	[sflag:s6] =	ssyncset.done $0x0  }
0x2c5: {  	[sflag:s6] =	ssyncadd.s32 $0xFFFFC000  }
0x2c6: {  	_ =	swait.ge [sflag:s6], $0x4000  }
0x2c7: {  	[sflag:s6] =	ssyncset.done $0x0  }
0x2c8: {  	s28 =	rddreg [dreg:$0x18];
	[sflag:s6] =	ssyncadd.s32 $0xFFFFC000  }
0x2c9: {  	[hbm4b:s28+s2] =	stream.linear.scatter [tilespmem:s5], [sflag:$0x4], $0x8000, $0x38;
	[tilespmem:$0x1EA00] =	vst v63  }
0x2ca: {  	_ =	swait.ge [sflag:s4], $0x8000  }
0x2cb: {  	[sflag:s4] =	ssyncset.done $0x0  }
0x2cc: {  	[sflag:s4] =	ssyncadd.s32 $0xFFFF8000  }
0x2cd: {  	[tilespmem:s5], [sflag:$0x1] =	stream.indirect.gather [spmem:s3], $0x80, s23, s8, $0xb8;
	[tilespmem:$0x1EA00] =	vst v63  }
0x2ce: {  	_ = 	snop  }
0x2cf: {  	[tilespmem:s12], [sflag:$0x1] =	stream.indirect.gather [spmem:s3], $0x80, s24, s8, $0xb8;
	[tilespmem:$0x1EA00] =	vst v63  }
0x2d0: {  	_ =	swait.ge [sflag:s14], $0x4000  }
0x2d1: {  	[sflag:s14] =	ssyncset.done $0x0  }
0x2d2: {  	[sflag:s14] =	ssyncadd.s32 $0xFFFFC000  }
0x2d3: {  	_ =	swait.ge [sflag:s14], $0x4000  }
0x2d4: {  	[sflag:s14] =	ssyncset.done $0x0  }
0x2d5: {  	s1 =	rddreg [dreg:$0x19];
	[sflag:s14] =	ssyncadd.s32 $0xFFFFC000  }
0x2d6: {  	[hbm4b:s1+s2] =	stream.linear.scatter [tilespmem:s10], [sflag:$0x5], $0x8000, $0x38;
	[tilespmem:$0x1EA00] =	vst v63  }
0x2d7: {  	_ =	swait.ge [sflag:s9], $0x8000  }
0x2d8: {  	[sflag:s9] =	ssyncset.done $0x0  }
0x2d9: {  	[sflag:s9] =	ssyncadd.s32 $0xFFFF8000  }
0x2da: {  	[tilespmem:s10], [sflag:$0x2] =	stream.indirect.gather [spmem:s3], $0x80, s21, s8, $0xb8;
	[tilespmem:$0x1EA00] =	vst v63  }
0x2db: {  	_ = 	snop  }
0x2dc: {  	[tilespmem:s16], [sflag:$0x2] =	stream.indirect.gather [spmem:s3], $0x80, s22, s8, $0xb8;
	[tilespmem:$0x1EA00] =	vst v63  }
0x2dd: {  	_ =	swait.ge [sflag:s13], $0x4000  }
0x2de: {  	[sflag:s13] =	ssyncset.done $0x0  }
0x2df: {  	[sflag:s13] =	ssyncadd.s32 $0xFFFFC000  }
0x2e0: {  	_ =	swait.ge [sflag:s13], $0x4000  }
0x2e1: {  	[sflag:s13] =	ssyncset.done $0x0  }
0x2e2: {  	s28 =	rddreg [dreg:$0x1a];
	[sflag:s13] =	ssyncadd.s32 $0xFFFFC000  }
0x2e3: {  	[hbm4b:s28+s2] =	stream.linear.scatter [tilespmem:s7], [sflag:$0x6], $0x8000, $0x38;
	[tilespmem:$0x1EA00] =	vst v63  }
0x2e4: {  	_ =	swait.ge [sflag:s11], $0x8000  }
0x2e5: {  	[sflag:s11] =	ssyncset.done $0x0  }
0x2e6: {  	[sflag:s11] =	ssyncadd.s32 $0xFFFF8000  }
0x2e7: {  	[tilespmem:s7], [sflag:$0x3] =	stream.indirect.gather [spmem:s3], $0x80, s19, s8, $0xb8;
	[tilespmem:$0x1EA00] =	vst v63  }
0x2e8: {  	_ = 	snop  }
0x2e9: {  	[tilespmem:s15], [sflag:$0x3] =	stream.indirect.gather [spmem:s3], $0x80, s20, s8, $0xb8;
	[tilespmem:$0x1EA00] =	vst v63  }
0x2ea: {  	_ =	swait.ge [sflag:s6], $0x4000  }
0x2eb: {  	[sflag:s6] =	ssyncset.done $0x0  }
0x2ec: {  	[sflag:s6] =	ssyncadd.s32 $0xFFFFC000  }
0x2ed: {  	_ =	swait.ge [sflag:s6], $0x4000  }
0x2ee: {  	[sflag:s6] =	ssyncset.done $0x0  }
0x2ef: {  	s1 =	rddreg [dreg:$0x1b];
	[sflag:s6] =	ssyncadd.s32 $0xFFFFC000  }
0x2f0: {  	[hbm4b:s1+s2] =	stream.linear.scatter [tilespmem:s5], [sflag:$0x4], $0x8000, $0x38;
	[tilespmem:$0x1EA00] =	vst v63  }
0x2f1: {  	_ =	swait.ge [sflag:s4], $0x8000  }
0x2f2: {  	[sflag:s4] =	ssyncset.done $0x0  }
0x2f3: {  	[sflag:s4] =	ssyncadd.s32 $0xFFFF8000  }
0x2f4: {  	[tilespmem:s5], [sflag:$0x1] =	stream.indirect.gather [spmem:s3], $0x80, s17, s8, $0xb8;
	[tilespmem:$0x1EA00] =	vst v63  }
0x2f5: {  	_ = 	snop  }
0x2f6: {  	[tilespmem:s12], [sflag:$0x1] =	stream.indirect.gather [spmem:s3], $0x80, s18, s8, $0xb8;
	[tilespmem:$0x1EA00] =	vst v63  }
0x2f7: {  	_ =	swait.ge [sflag:s14], $0x4000  }
0x2f8: {  	[sflag:s14] =	ssyncset.done $0x0  }
0x2f9: {  	[sflag:s14] =	ssyncadd.s32 $0xFFFFC000  }
0x2fa: {  	_ =	swait.ge [sflag:s14], $0x4000  }
0x2fb: {  	[sflag:s14] =	ssyncset.done $0x0  }
0x2fc: {  	s28 =	rddreg [dreg:$0x1c];
	[sflag:s14] =	ssyncadd.s32 $0xFFFFC000  }
0x2fd: {  	[hbm4b:s28+s2] =	stream.linear.scatter [tilespmem:s10], [sflag:$0x5], $0x8000, $0x38;
	[tilespmem:$0x1EA00] =	vst v63  }
0x2fe: {  	_ =	swait.ge [sflag:s13], $0x4000  }
0x2ff: {  	[sflag:s13] =	ssyncset.done $0x0  }
0x300: {  	[sflag:s13] =	ssyncadd.s32 $0xFFFFC000  }
0x301: {  	_ =	swait.ge [sflag:s13], $0x4000  }
0x302: {  	[sflag:s13] =	ssyncset.done $0x0  }
0x303: {  	s1 =	rddreg [dreg:$0x1d];
	[sflag:s13] =	ssyncadd.s32 $0xFFFFC000  }
0x304: {  	[hbm4b:s1+s2] =	stream.linear.scatter [tilespmem:s7], [sflag:$0x6], $0x8000, $0x38;
	[tilespmem:$0x1EA00] =	vst v63  }
0x305: {  	_ =	swait.ge [sflag:s6], $0x4000  }
0x306: {  	[sflag:s6] =	ssyncset.done $0x0  }
0x307: {  	[sflag:s6] =	ssyncadd.s32 $0xFFFFC000  }
0x308: {  	_ =	swait.ge [sflag:s6], $0x4000  }
0x309: {  	[sflag:s6] =	ssyncset.done $0x0  }
0x30a: {  	s31 =	sadd.s32 $0xFFFFFFFF, s31;
	s28 =	rddreg [dreg:$0x1e];
	[sflag:s6] =	ssyncadd.s32 $0xFFFFC000  }
0x30b: {  	[hbm4b:s28+s2] =	stream.linear.scatter [tilespmem:s5], [sflag:$0x4], $0x8000, $0x38;
	[tilespmem:$0x1EA00] =	vst v63  }
0x30c: {  	p2 =	sne.s32 s31, $0x0;
	_ =	swait.ge [sflag:s9], $0x8000  }
.Ltmp2:
0x30d: {  	[sflag:s9] =	ssyncset.done $0x0;
	(pc) =	sbr.rel @p2 .LBB2_3-.Ltmp2, $4  }
0x30e: {  	[sflag:s9] =	ssyncadd.s32 $0xFFFF8000  }
0x30f: {  	_ =	swait.ge [sflag:s11], $0x8000  }
0x310: {  	[sflag:s11] =	ssyncset.done $0x0  }
0x311: {  	[sflag:s11] =	ssyncadd.s32 $0xFFFF8000  }
0x312: {  	s0 =	rddreg [dreg:$0x3]  }
0x313: {  	s29 =	stileid.u32;
	s30 =	sld [smem:$0x7D7]  }
.LBB2_5:
0x314: {  	_ =	swait.ge @p1 [sflag:s4], $0x8000  }
0x315: {  	s31 =	smov.u32 s0;
	s0 =	rddreg [dreg:$0x4];
	[sflag:s4] =	ssyncset.done @p1 $0x0  }
0x316: {  	s1 =	rddreg [dreg:$0x5];
	[sflag:s4] =	ssyncadd.s32 @p1 $0xFFFF8000  }
0x317: {  	[tilespmem:s2], [sflag:$0x4] =	stream.linear.gather [hbm4b:s0+s2], $0x1900, $0x38;
	[tilespmem:$0x1EA00] =	vst v63  }
0x318: {  	s28 =	rddreg [dreg:$0x1f];
	s0 =	sor.u32 @!p0 $0x1C07, s30  }
0x319: {  	[spmem:s28], [sflag:s0] =	dma.local @!p0 [hbm:s1], $0xC00  }
0x31a: {  	s0 =	simm.s32 @!p0 $0x7  }
0x31b: {  	_ =	swait.ge @!p0 [sflag:s0], $0xC00  }
0x31c: {  	[sflag:s0] =	ssyncset.done @!p0 $0x0  }
0x31d: {  	[sflag:s0] =	ssyncadd.s32 @!p0 $0xFFFFF400  }
0x31e: {  	_ =	swait.ge [sflag:s4], $0x1900  }
0x31f: {  	[sflag:s4] =	ssyncset.done $0x0  }
0x320: {  	[sflag:s4] =	ssyncadd.s32 $0xFFFFE700  }
0x321: {  	[bflag:$0x0] =	sbarrier.arrive $0xFFFF  }
0x322: {  	[tilespmem:s5], [sflag:$0x1] =	stream.indirect.gather [spmem:s3], $0x80, s2, s8, $0xb8;
	[tilespmem:$0x1EA00] =	vst v63  }
0x323: {  	s1 =	sld [smem:$0x7D8]  }
0x324: {  	[tilespmem:s12], [sflag:$0x1] =	stream.indirect.gather [spmem:s3], $0x80, s8, s8, $0xb8;
	[tilespmem:$0x1EA00] =	vst v63  }
0x325: {  	s28 =	sld [smem:$0x7D9]  }
0x326: {  	[tilespmem:s10], [sflag:$0x2] =	stream.indirect.gather [spmem:s3], $0x80, s1, s8, $0xb8;
	[tilespmem:$0x1EA00] =	vst v63  }
0x327: {  	s30 =	sld [smem:$0x7DA]  }
0x328: {  	[tilespmem:s16], [sflag:$0x2] =	stream.indirect.gather [spmem:s3], $0x80, s28, s8, $0xb8;
	[tilespmem:$0x1EA00] =	vst v63  }
0x329: {  	s28 =	sld [smem:$0x7DB]  }
0x32a: {  	[tilespmem:s7], [sflag:$0x3] =	stream.indirect.gather [spmem:s3], $0x80, s30, s8, $0xb8;
	[tilespmem:$0x1EA00] =	vst v63  }
0x32b: {  	_ = 	snop  }
0x32c: {  	[tilespmem:s15], [sflag:$0x3] =	stream.indirect.gather [spmem:s3], $0x80, s28, s8, $0xb8;
	[tilespmem:$0x1EA00] =	vst v63  }
0x32d: {  	_ =	swait.ge [sflag:s6], $0x4000  }
0x32e: {  	[sflag:s6] =	ssyncset.done $0x0  }
0x32f: {  	[sflag:s6] =	ssyncadd.s32 $0xFFFFC000  }
0x330: {  	_ =	swait.ge [sflag:s6], $0x4000  }
0x331: {  	[sflag:s6] =	ssyncset.done $0x0  }
0x332: {  	s30 =	rddreg [dreg:$0x6];
	[sflag:s6] =	ssyncadd.s32 $0xFFFFC000  }
0x333: {  	[hbm4b:s30+s2] =	stream.linear.scatter [tilespmem:s5], [sflag:$0x4], $0x8000, $0x38;
	[tilespmem:$0x1EA00] =	vst v63  }
0x334: {  	_ =	swait.ge [sflag:s4], $0x8000  }
0x335: {  	s1 =	sld [smem:$0x7DC]  }
0x336: {  	[sflag:s4] =	ssyncset.done $0x0  }
0x337: {  	s28 =	sld [smem:$0x7DD];
	[sflag:s4] =	ssyncadd.s32 $0xFFFF8000  }
0x338: {  	[tilespmem:s5], [sflag:$0x1] =	stream.indirect.gather [spmem:s3], $0x80, s1, s8, $0xb8;
	[tilespmem:$0x1EA00] =	vst v63  }
0x339: {  	_ = 	snop  }
0x33a: {  	[tilespmem:s12], [sflag:$0x1] =	stream.indirect.gather [spmem:s3], $0x80, s28, s8, $0xb8;
	[tilespmem:$0x1EA00] =	vst v63  }
0x33b: {  	_ =	swait.ge [sflag:s14], $0x4000  }
0x33c: {  	[sflag:s14] =	ssyncset.done $0x0  }
0x33d: {  	[sflag:s14] =	ssyncadd.s32 $0xFFFFC000  }
0x33e: {  	_ =	swait.ge [sflag:s14], $0x4000  }
0x33f: {  	[sflag:s14] =	ssyncset.done $0x0  }
0x340: {  	s30 =	rddreg [dreg:$0x7];
	[sflag:s14] =	ssyncadd.s32 $0xFFFFC000  }
0x341: {  	[hbm4b:s30+s2] =	stream.linear.scatter [tilespmem:s10], [sflag:$0x5], $0x8000, $0x38;
	[tilespmem:$0x1EA00] =	vst v63  }
0x342: {  	_ =	swait.ge [sflag:s9], $0x8000  }
0x343: {  	s1 =	sld [smem:$0x7DE]  }
0x344: {  	[sflag:s9] =	ssyncset.done $0x0  }
0x345: {  	s28 =	sld [smem:$0x7DF];
	[sflag:s9] =	ssyncadd.s32 $0xFFFF8000  }
0x346: {  	[tilespmem:s10], [sflag:$0x2] =	stream.indirect.gather [spmem:s3], $0x80, s1, s8, $0xb8;
	[tilespmem:$0x1EA00] =	vst v63  }
0x347: {  	_ = 	snop  }
0x348: {  	[tilespmem:s16], [sflag:$0x2] =	stream.indirect.gather [spmem:s3], $0x80, s28, s8, $0xb8;
	[tilespmem:$0x1EA00] =	vst v63  }
0x349: {  	_ =	swait.ge [sflag:s13], $0x4000  }
0x34a: {  	[sflag:s13] =	ssyncset.done $0x0  }
0x34b: {  	[sflag:s13] =	ssyncadd.s32 $0xFFFFC000  }
0x34c: {  	_ =	swait.ge [sflag:s13], $0x4000  }
0x34d: {  	[sflag:s13] =	ssyncset.done $0x0  }
0x34e: {  	s30 =	rddreg [dreg:$0x8];
	[sflag:s13] =	ssyncadd.s32 $0xFFFFC000  }
0x34f: {  	[hbm4b:s30+s2] =	stream.linear.scatter [tilespmem:s7], [sflag:$0x6], $0x8000, $0x38;
	[tilespmem:$0x1EA00] =	vst v63  }
0x350: {  	_ =	swait.ge [sflag:s11], $0x8000  }
0x351: {  	s1 =	sld [smem:$0x7E0]  }
0x352: {  	[sflag:s11] =	ssyncset.done $0x0  }
0x353: {  	s28 =	sld [smem:$0x7E1];
	[sflag:s11] =	ssyncadd.s32 $0xFFFF8000  }
0x354: {  	[tilespmem:s7], [sflag:$0x3] =	stream.indirect.gather [spmem:s3], $0x80, s1, s8, $0xb8;
	[tilespmem:$0x1EA00] =	vst v63  }
0x355: {  	_ = 	snop  }
0x356: {  	[tilespmem:s15], [sflag:$0x3] =	stream.indirect.gather [spmem:s3], $0x80, s28, s8, $0xb8;
	[tilespmem:$0x1EA00] =	vst v63  }
0x357: {  	_ =	swait.ge [sflag:s6], $0x4000  }
0x358: {  	[sflag:s6] =	ssyncset.done $0x0  }
0x359: {  	[sflag:s6] =	ssyncadd.s32 $0xFFFFC000  }
0x35a: {  	_ =	swait.ge [sflag:s6], $0x4000  }
0x35b: {  	[sflag:s6] =	ssyncset.done $0x0  }
0x35c: {  	s30 =	rddreg [dreg:$0x9];
	[sflag:s6] =	ssyncadd.s32 $0xFFFFC000  }
0x35d: {  	[hbm4b:s30+s2] =	stream.linear.scatter [tilespmem:s5], [sflag:$0x4], $0x8000, $0x38;
	[tilespmem:$0x1EA00] =	vst v63  }
0x35e: {  	_ =	swait.ge [sflag:s4], $0x8000  }
0x35f: {  	s1 =	sld [smem:$0x7E2]  }
0x360: {  	[sflag:s4] =	ssyncset.done $0x0  }
0x361: {  	s28 =	sld [smem:$0x7E3];
	[sflag:s4] =	ssyncadd.s32 $0xFFFF8000  }
0x362: {  	[tilespmem:s5], [sflag:$0x1] =	stream.indirect.gather [spmem:s3], $0x80, s1, s8, $0xb8;
	[tilespmem:$0x1EA00] =	vst v63  }
0x363: {  	_ = 	snop  }
0x364: {  	[tilespmem:s12], [sflag:$0x1] =	stream.indirect.gather [spmem:s3], $0x80, s28, s8, $0xb8;
	[tilespmem:$0x1EA00] =	vst v63  }
0x365: {  	_ =	swait.ge [sflag:s14], $0x4000  }
0x366: {  	[sflag:s14] =	ssyncset.done $0x0  }
0x367: {  	[sflag:s14] =	ssyncadd.s32 $0xFFFFC000  }
0x368: {  	_ =	swait.ge [sflag:s14], $0x4000  }
0x369: {  	[sflag:s14] =	ssyncset.done $0x0  }
0x36a: {  	s30 =	rddreg [dreg:$0xa];
	[sflag:s14] =	ssyncadd.s32 $0xFFFFC000  }
0x36b: {  	[hbm4b:s30+s2] =	stream.linear.scatter [tilespmem:s10], [sflag:$0x5], $0x8000, $0x38;
	[tilespmem:$0x1EA00] =	vst v63  }
0x36c: {  	_ =	swait.ge [sflag:s9], $0x8000  }
0x36d: {  	s1 =	sld [smem:$0x7E4]  }
0x36e: {  	[sflag:s9] =	ssyncset.done $0x0  }
0x36f: {  	s28 =	sld [smem:$0x7E5];
	[sflag:s9] =	ssyncadd.s32 $0xFFFF8000  }
0x370: {  	[tilespmem:s10], [sflag:$0x2] =	stream.indirect.gather [spmem:s3], $0x80, s1, s8, $0xb8;
	[tilespmem:$0x1EA00] =	vst v63  }
0x371: {  	_ = 	snop  }
0x372: {  	[tilespmem:s16], [sflag:$0x2] =	stream.indirect.gather [spmem:s3], $0x80, s28, s8, $0xb8;
	[tilespmem:$0x1EA00] =	vst v63  }
0x373: {  	_ =	swait.ge [sflag:s13], $0x4000  }
0x374: {  	[sflag:s13] =	ssyncset.done $0x0  }
0x375: {  	[sflag:s13] =	ssyncadd.s32 $0xFFFFC000  }
0x376: {  	_ =	swait.ge [sflag:s13], $0x4000  }
0x377: {  	[sflag:s13] =	ssyncset.done $0x0  }
0x378: {  	s30 =	rddreg [dreg:$0xb];
	[sflag:s13] =	ssyncadd.s32 $0xFFFFC000  }
0x379: {  	[hbm4b:s30+s2] =	stream.linear.scatter [tilespmem:s7], [sflag:$0x6], $0x8000, $0x38;
	[tilespmem:$0x1EA00] =	vst v63  }
0x37a: {  	_ =	swait.ge [sflag:s11], $0x8000  }
0x37b: {  	s1 =	sld [smem:$0x7E6]  }
0x37c: {  	[sflag:s11] =	ssyncset.done $0x0  }
0x37d: {  	s28 =	sld [smem:$0x7E7];
	[sflag:s11] =	ssyncadd.s32 $0xFFFF8000  }
0x37e: {  	[tilespmem:s7], [sflag:$0x3] =	stream.indirect.gather [spmem:s3], $0x80, s1, s8, $0xb8;
	[tilespmem:$0x1EA00] =	vst v63  }
0x37f: {  	_ = 	snop  }
0x380: {  	[tilespmem:s15], [sflag:$0x3] =	stream.indirect.gather [spmem:s3], $0x80, s28, s8, $0xb8;
	[tilespmem:$0x1EA00] =	vst v63  }
0x381: {  	_ =	swait.ge [sflag:s6], $0x4000  }
0x382: {  	[sflag:s6] =	ssyncset.done $0x0  }
0x383: {  	[sflag:s6] =	ssyncadd.s32 $0xFFFFC000  }
0x384: {  	_ =	swait.ge [sflag:s6], $0x4000  }
0x385: {  	[sflag:s6] =	ssyncset.done $0x0  }
0x386: {  	s30 =	rddreg [dreg:$0xc];
	[sflag:s6] =	ssyncadd.s32 $0xFFFFC000  }
0x387: {  	[hbm4b:s30+s2] =	stream.linear.scatter [tilespmem:s5], [sflag:$0x4], $0x8000, $0x38;
	[tilespmem:$0x1EA00] =	vst v63  }
0x388: {  	_ =	swait.ge [sflag:s4], $0x8000  }
0x389: {  	s1 =	sld [smem:$0x7E8]  }
0x38a: {  	[sflag:s4] =	ssyncset.done $0x0  }
0x38b: {  	s28 =	sld [smem:$0x7E9];
	[sflag:s4] =	ssyncadd.s32 $0xFFFF8000  }
0x38c: {  	[tilespmem:s5], [sflag:$0x1] =	stream.indirect.gather [spmem:s3], $0x80, s1, s8, $0xb8;
	[tilespmem:$0x1EA00] =	vst v63  }
0x38d: {  	_ = 	snop  }
0x38e: {  	[tilespmem:s12], [sflag:$0x1] =	stream.indirect.gather [spmem:s3], $0x80, s28, s8, $0xb8;
	[tilespmem:$0x1EA00] =	vst v63  }
0x38f: {  	_ =	swait.ge [sflag:s14], $0x4000  }
0x390: {  	[sflag:s14] =	ssyncset.done $0x0  }
0x391: {  	[sflag:s14] =	ssyncadd.s32 $0xFFFFC000  }
0x392: {  	_ =	swait.ge [sflag:s14], $0x4000  }
0x393: {  	[sflag:s14] =	ssyncset.done $0x0  }
0x394: {  	s30 =	rddreg [dreg:$0xd];
	[sflag:s14] =	ssyncadd.s32 $0xFFFFC000  }
0x395: {  	[hbm4b:s30+s2] =	stream.linear.scatter [tilespmem:s10], [sflag:$0x5], $0x8000, $0x38;
	[tilespmem:$0x1EA00] =	vst v63  }
0x396: {  	_ =	swait.ge [sflag:s9], $0x8000  }
0x397: {  	s1 =	sld [smem:$0x7EA]  }
0x398: {  	[sflag:s9] =	ssyncset.done $0x0  }
0x399: {  	s28 =	sld [smem:$0x7EB];
	[sflag:s9] =	ssyncadd.s32 $0xFFFF8000  }
0x39a: {  	[tilespmem:s10], [sflag:$0x2] =	stream.indirect.gather [spmem:s3], $0x80, s1, s8, $0xb8;
	[tilespmem:$0x1EA00] =	vst v63  }
0x39b: {  	_ = 	snop  }
0x39c: {  	[tilespmem:s16], [sflag:$0x2] =	stream.indirect.gather [spmem:s3], $0x80, s28, s8, $0xb8;
	[tilespmem:$0x1EA00] =	vst v63  }
0x39d: {  	_ =	swait.ge [sflag:s13], $0x4000  }
0x39e: {  	[sflag:s13] =	ssyncset.done $0x0  }
0x39f: {  	[sflag:s13] =	ssyncadd.s32 $0xFFFFC000  }
0x3a0: {  	_ =	swait.ge [sflag:s13], $0x4000  }
0x3a1: {  	[sflag:s13] =	ssyncset.done $0x0  }
0x3a2: {  	s30 =	rddreg [dreg:$0xe];
	[sflag:s13] =	ssyncadd.s32 $0xFFFFC000  }
0x3a3: {  	[hbm4b:s30+s2] =	stream.linear.scatter [tilespmem:s7], [sflag:$0x6], $0x8000, $0x38;
	[tilespmem:$0x1EA00] =	vst v63  }
0x3a4: {  	_ =	swait.ge [sflag:s11], $0x8000  }
0x3a5: {  	s1 =	sld [smem:$0x7EC]  }
0x3a6: {  	[sflag:s11] =	ssyncset.done $0x0  }
0x3a7: {  	s28 =	sld [smem:$0x7ED];
	[sflag:s11] =	ssyncadd.s32 $0xFFFF8000  }
0x3a8: {  	[tilespmem:s7], [sflag:$0x3] =	stream.indirect.gather [spmem:s3], $0x80, s1, s8, $0xb8;
	[tilespmem:$0x1EA00] =	vst v63  }
0x3a9: {  	_ = 	snop  }
0x3aa: {  	[tilespmem:s15], [sflag:$0x3] =	stream.indirect.gather [spmem:s3], $0x80, s28, s8, $0xb8;
	[tilespmem:$0x1EA00] =	vst v63  }
0x3ab: {  	_ =	swait.ge [sflag:s6], $0x4000  }
0x3ac: {  	[sflag:s6] =	ssyncset.done $0x0  }
0x3ad: {  	[sflag:s6] =	ssyncadd.s32 $0xFFFFC000  }
0x3ae: {  	_ =	swait.ge [sflag:s6], $0x4000  }
0x3af: {  	[sflag:s6] =	ssyncset.done $0x0  }
0x3b0: {  	s30 =	rddreg [dreg:$0xf];
	[sflag:s6] =	ssyncadd.s32 $0xFFFFC000  }
0x3b1: {  	[hbm4b:s30+s2] =	stream.linear.scatter [tilespmem:s5], [sflag:$0x4], $0x8000, $0x38;
	[tilespmem:$0x1EA00] =	vst v63  }
0x3b2: {  	_ =	swait.ge [sflag:s4], $0x8000  }
0x3b3: {  	s1 =	sld [smem:$0x7EE]  }
0x3b4: {  	[sflag:s4] =	ssyncset.done $0x0  }
0x3b5: {  	s28 =	sld [smem:$0x7EF];
	[sflag:s4] =	ssyncadd.s32 $0xFFFF8000  }
0x3b6: {  	[tilespmem:s5], [sflag:$0x1] =	stream.indirect.gather [spmem:s3], $0x80, s1, s8, $0xb8;
	[tilespmem:$0x1EA00] =	vst v63  }
0x3b7: {  	_ = 	snop  }
0x3b8: {  	[tilespmem:s12], [sflag:$0x1] =	stream.indirect.gather [spmem:s3], $0x80, s28, s8, $0xb8;
	[tilespmem:$0x1EA00] =	vst v63  }
0x3b9: {  	_ =	swait.ge [sflag:s14], $0x4000  }
0x3ba: {  	[sflag:s14] =	ssyncset.done $0x0  }
0x3bb: {  	[sflag:s14] =	ssyncadd.s32 $0xFFFFC000  }
0x3bc: {  	_ =	swait.ge [sflag:s14], $0x4000  }
0x3bd: {  	[sflag:s14] =	ssyncset.done $0x0  }
0x3be: {  	s30 =	rddreg [dreg:$0x10];
	[sflag:s14] =	ssyncadd.s32 $0xFFFFC000  }
0x3bf: {  	[hbm4b:s30+s2] =	stream.linear.scatter [tilespmem:s10], [sflag:$0x5], $0x8000, $0x38;
	[tilespmem:$0x1EA00] =	vst v63  }
0x3c0: {  	_ =	swait.ge [sflag:s9], $0x8000  }
0x3c1: {  	s1 =	sld [smem:$0x7F0]  }
0x3c2: {  	[sflag:s9] =	ssyncset.done $0x0  }
0x3c3: {  	s28 =	sld [smem:$0x7F1];
	[sflag:s9] =	ssyncadd.s32 $0xFFFF8000  }
0x3c4: {  	[tilespmem:s10], [sflag:$0x2] =	stream.indirect.gather [spmem:s3], $0x80, s1, s8, $0xb8;
	[tilespmem:$0x1EA00] =	vst v63  }
0x3c5: {  	_ = 	snop  }
0x3c6: {  	[tilespmem:s16], [sflag:$0x2] =	stream.indirect.gather [spmem:s3], $0x80, s28, s8, $0xb8;
	[tilespmem:$0x1EA00] =	vst v63  }
0x3c7: {  	_ =	swait.ge [sflag:s13], $0x4000  }
0x3c8: {  	[sflag:s13] =	ssyncset.done $0x0  }
0x3c9: {  	[sflag:s13] =	ssyncadd.s32 $0xFFFFC000  }
0x3ca: {  	_ =	swait.ge [sflag:s13], $0x4000  }
0x3cb: {  	[sflag:s13] =	ssyncset.done $0x0  }
0x3cc: {  	s30 =	rddreg [dreg:$0x11];
	[sflag:s13] =	ssyncadd.s32 $0xFFFFC000  }
0x3cd: {  	[hbm4b:s30+s2] =	stream.linear.scatter [tilespmem:s7], [sflag:$0x6], $0x8000, $0x38;
	[tilespmem:$0x1EA00] =	vst v63  }
0x3ce: {  	_ =	swait.ge [sflag:s11], $0x8000  }
0x3cf: {  	s1 =	sld [smem:$0x7F2]  }
0x3d0: {  	[sflag:s11] =	ssyncset.done $0x0  }
0x3d1: {  	s28 =	sld [smem:$0x7F3];
	[sflag:s11] =	ssyncadd.s32 $0xFFFF8000  }
0x3d2: {  	[tilespmem:s7], [sflag:$0x3] =	stream.indirect.gather [spmem:s3], $0x80, s1, s8, $0xb8;
	[tilespmem:$0x1EA00] =	vst v63  }
0x3d3: {  	_ = 	snop  }
0x3d4: {  	[tilespmem:s15], [sflag:$0x3] =	stream.indirect.gather [spmem:s3], $0x80, s28, s8, $0xb8;
	[tilespmem:$0x1EA00] =	vst v63  }
0x3d5: {  	_ =	swait.ge [sflag:s6], $0x4000  }
0x3d6: {  	[sflag:s6] =	ssyncset.done $0x0  }
0x3d7: {  	[sflag:s6] =	ssyncadd.s32 $0xFFFFC000  }
0x3d8: {  	_ =	swait.ge [sflag:s6], $0x4000  }
0x3d9: {  	[sflag:s6] =	ssyncset.done $0x0  }
0x3da: {  	s30 =	rddreg [dreg:$0x12];
	[sflag:s6] =	ssyncadd.s32 $0xFFFFC000  }
0x3db: {  	[hbm4b:s30+s2] =	stream.linear.scatter [tilespmem:s5], [sflag:$0x4], $0x8000, $0x38;
	[tilespmem:$0x1EA00] =	vst v63  }
0x3dc: {  	_ =	swait.ge [sflag:s4], $0x8000  }
0x3dd: {  	s1 =	sld [smem:$0x7F4]  }
0x3de: {  	[sflag:s4] =	ssyncset.done $0x0  }
0x3df: {  	s28 =	sld [smem:$0x7F5];
	[sflag:s4] =	ssyncadd.s32 $0xFFFF8000  }
0x3e0: {  	[tilespmem:s5], [sflag:$0x1] =	stream.indirect.gather [spmem:s3], $0x80, s1, s8, $0xb8;
	[tilespmem:$0x1EA00] =	vst v63  }
0x3e1: {  	_ = 	snop  }
0x3e2: {  	[tilespmem:s12], [sflag:$0x1] =	stream.indirect.gather [spmem:s3], $0x80, s28, s8, $0xb8;
	[tilespmem:$0x1EA00] =	vst v63  }
0x3e3: {  	_ =	swait.ge [sflag:s14], $0x4000  }
0x3e4: {  	[sflag:s14] =	ssyncset.done $0x0  }
0x3e5: {  	[sflag:s14] =	ssyncadd.s32 $0xFFFFC000  }
0x3e6: {  	_ =	swait.ge [sflag:s14], $0x4000  }
0x3e7: {  	[sflag:s14] =	ssyncset.done $0x0  }
0x3e8: {  	s30 =	rddreg [dreg:$0x13];
	[sflag:s14] =	ssyncadd.s32 $0xFFFFC000  }
0x3e9: {  	[hbm4b:s30+s2] =	stream.linear.scatter [tilespmem:s10], [sflag:$0x5], $0x8000, $0x38;
	[tilespmem:$0x1EA00] =	vst v63  }
0x3ea: {  	_ =	swait.ge [sflag:s9], $0x8000  }
0x3eb: {  	s1 =	sld [smem:$0x7F6]  }
0x3ec: {  	[sflag:s9] =	ssyncset.done $0x0  }
0x3ed: {  	s28 =	sld [smem:$0x7F7];
	[sflag:s9] =	ssyncadd.s32 $0xFFFF8000  }
0x3ee: {  	[tilespmem:s10], [sflag:$0x2] =	stream.indirect.gather [spmem:s3], $0x80, s1, s8, $0xb8;
	[tilespmem:$0x1EA00] =	vst v63  }
0x3ef: {  	_ = 	snop  }
0x3f0: {  	[tilespmem:s16], [sflag:$0x2] =	stream.indirect.gather [spmem:s3], $0x80, s28, s8, $0xb8;
	[tilespmem:$0x1EA00] =	vst v63  }
0x3f1: {  	_ =	swait.ge [sflag:s13], $0x4000  }
0x3f2: {  	[sflag:s13] =	ssyncset.done $0x0  }
0x3f3: {  	[sflag:s13] =	ssyncadd.s32 $0xFFFFC000  }
0x3f4: {  	_ =	swait.ge [sflag:s13], $0x4000  }
0x3f5: {  	[sflag:s13] =	ssyncset.done $0x0  }
0x3f6: {  	s30 =	rddreg [dreg:$0x14];
	[sflag:s13] =	ssyncadd.s32 $0xFFFFC000  }
0x3f7: {  	[hbm4b:s30+s2] =	stream.linear.scatter [tilespmem:s7], [sflag:$0x6], $0x8000, $0x38;
	[tilespmem:$0x1EA00] =	vst v63  }
0x3f8: {  	_ =	swait.ge [sflag:s11], $0x8000  }
0x3f9: {  	s1 =	sld [smem:$0x7F8]  }
0x3fa: {  	[sflag:s11] =	ssyncset.done $0x0  }
0x3fb: {  	s28 =	sld [smem:$0x7F9];
	[sflag:s11] =	ssyncadd.s32 $0xFFFF8000  }
0x3fc: {  	[tilespmem:s7], [sflag:$0x3] =	stream.indirect.gather [spmem:s3], $0x80, s1, s8, $0xb8;
	[tilespmem:$0x1EA00] =	vst v63  }
0x3fd: {  	_ = 	snop  }
0x3fe: {  	[tilespmem:s15], [sflag:$0x3] =	stream.indirect.gather [spmem:s3], $0x80, s28, s8, $0xb8;
	[tilespmem:$0x1EA00] =	vst v63  }
0x3ff: {  	_ =	swait.ge [sflag:s6], $0x4000  }
0x400: {  	[sflag:s6] =	ssyncset.done $0x0  }
0x401: {  	[sflag:s6] =	ssyncadd.s32 $0xFFFFC000  }
0x402: {  	_ =	swait.ge [sflag:s6], $0x4000  }
0x403: {  	[sflag:s6] =	ssyncset.done $0x0  }
0x404: {  	s30 =	rddreg [dreg:$0x15];
	[sflag:s6] =	ssyncadd.s32 $0xFFFFC000  }
0x405: {  	[hbm4b:s30+s2] =	stream.linear.scatter [tilespmem:s5], [sflag:$0x4], $0x8000, $0x38;
	[tilespmem:$0x1EA00] =	vst v63  }
0x406: {  	_ =	swait.ge [sflag:s4], $0x8000  }
0x407: {  	s1 =	sld [smem:$0x7FA]  }
0x408: {  	[sflag:s4] =	ssyncset.done $0x0  }
0x409: {  	s28 =	sld [smem:$0x7FB];
	[sflag:s4] =	ssyncadd.s32 $0xFFFF8000  }
0x40a: {  	[tilespmem:s5], [sflag:$0x1] =	stream.indirect.gather [spmem:s3], $0x80, s1, s8, $0xb8;
	[tilespmem:$0x1EA00] =	vst v63  }
0x40b: {  	_ = 	snop  }
0x40c: {  	[tilespmem:s12], [sflag:$0x1] =	stream.indirect.gather [spmem:s3], $0x80, s28, s8, $0xb8;
	[tilespmem:$0x1EA00] =	vst v63  }
0x40d: {  	_ =	swait.ge [sflag:s14], $0x4000  }
0x40e: {  	[sflag:s14] =	ssyncset.done $0x0  }
0x40f: {  	[sflag:s14] =	ssyncadd.s32 $0xFFFFC000  }
0x410: {  	_ =	swait.ge [sflag:s14], $0x4000  }
0x411: {  	[sflag:s14] =	ssyncset.done $0x0  }
0x412: {  	s30 =	rddreg [dreg:$0x16];
	[sflag:s14] =	ssyncadd.s32 $0xFFFFC000  }
0x413: {  	[hbm4b:s30+s2] =	stream.linear.scatter [tilespmem:s10], [sflag:$0x5], $0x8000, $0x38;
	[tilespmem:$0x1EA00] =	vst v63  }
0x414: {  	_ =	swait.ge [sflag:s9], $0x8000  }
0x415: {  	s1 =	sld [smem:$0x7FC]  }
0x416: {  	[sflag:s9] =	ssyncset.done $0x0  }
0x417: {  	s28 =	sld [smem:$0x7FD];
	[sflag:s9] =	ssyncadd.s32 $0xFFFF8000  }
0x418: {  	[tilespmem:s10], [sflag:$0x2] =	stream.indirect.gather [spmem:s3], $0x80, s1, s8, $0xb8;
	[tilespmem:$0x1EA00] =	vst v63  }
0x419: {  	_ = 	snop  }
0x41a: {  	[tilespmem:s16], [sflag:$0x2] =	stream.indirect.gather [spmem:s3], $0x80, s28, s8, $0xb8;
	[tilespmem:$0x1EA00] =	vst v63  }
0x41b: {  	_ =	swait.ge [sflag:s13], $0x4000  }
0x41c: {  	[sflag:s13] =	ssyncset.done $0x0  }
0x41d: {  	[sflag:s13] =	ssyncadd.s32 $0xFFFFC000  }
0x41e: {  	_ =	swait.ge [sflag:s13], $0x4000  }
0x41f: {  	[sflag:s13] =	ssyncset.done $0x0  }
0x420: {  	s30 =	rddreg [dreg:$0x17];
	[sflag:s13] =	ssyncadd.s32 $0xFFFFC000  }
0x421: {  	[hbm4b:s30+s2] =	stream.linear.scatter [tilespmem:s7], [sflag:$0x6], $0x8000, $0x38;
	[tilespmem:$0x1EA00] =	vst v63  }
0x422: {  	_ =	swait.ge [sflag:s11], $0x8000  }
0x423: {  	[sflag:s11] =	ssyncset.done $0x0  }
0x424: {  	[sflag:s11] =	ssyncadd.s32 $0xFFFF8000  }
0x425: {  	[tilespmem:s7], [sflag:$0x3] =	stream.indirect.gather [spmem:s3], $0x80, s25, s8, $0xb8;
	[tilespmem:$0x1EA00] =	vst v63  }
0x426: {  	_ = 	snop  }
0x427: {  	[tilespmem:s15], [sflag:$0x3] =	stream.indirect.gather [spmem:s3], $0x80, s26, s8, $0xb8;
	[tilespmem:$0x1EA00] =	vst v63  }
0x428: {  	_ =	swait.ge [sflag:s6], $0x4000  }
0x429: {  	[sflag:s6] =	ssyncset.done $0x0  }
0x42a: {  	[sflag:s6] =	ssyncadd.s32 $0xFFFFC000  }
0x42b: {  	_ =	swait.ge [sflag:s6], $0x4000  }
0x42c: {  	[sflag:s6] =	ssyncset.done $0x0  }
0x42d: {  	s1 =	rddreg [dreg:$0x18];
	[sflag:s6] =	ssyncadd.s32 $0xFFFFC000  }
0x42e: {  	[hbm4b:s1+s2] =	stream.linear.scatter [tilespmem:s5], [sflag:$0x4], $0x8000, $0x38;
	[tilespmem:$0x1EA00] =	vst v63  }
0x42f: {  	_ =	swait.ge [sflag:s4], $0x8000  }
0x430: {  	[sflag:s4] =	ssyncset.done $0x0  }
0x431: {  	[sflag:s4] =	ssyncadd.s32 $0xFFFF8000  }
0x432: {  	[tilespmem:s5], [sflag:$0x1] =	stream.indirect.gather [spmem:s3], $0x80, s23, s8, $0xb8;
	[tilespmem:$0x1EA00] =	vst v63  }
0x433: {  	_ = 	snop  }
0x434: {  	[tilespmem:s12], [sflag:$0x1] =	stream.indirect.gather [spmem:s3], $0x80, s24, s8, $0xb8;
	[tilespmem:$0x1EA00] =	vst v63  }
0x435: {  	_ =	swait.ge [sflag:s14], $0x4000  }
0x436: {  	[sflag:s14] =	ssyncset.done $0x0  }
0x437: {  	[sflag:s14] =	ssyncadd.s32 $0xFFFFC000  }
0x438: {  	_ =	swait.ge [sflag:s14], $0x4000  }
0x439: {  	[sflag:s14] =	ssyncset.done $0x0  }
0x43a: {  	s23 =	rddreg [dreg:$0x19];
	[sflag:s14] =	ssyncadd.s32 $0xFFFFC000  }
0x43b: {  	[hbm4b:s23+s2] =	stream.linear.scatter [tilespmem:s10], [sflag:$0x5], $0x8000, $0x38;
	[tilespmem:$0x1EA00] =	vst v63  }
0x43c: {  	_ =	swait.ge [sflag:s9], $0x8000  }
0x43d: {  	[sflag:s9] =	ssyncset.done $0x0  }
0x43e: {  	[sflag:s9] =	ssyncadd.s32 $0xFFFF8000  }
0x43f: {  	[tilespmem:s10], [sflag:$0x2] =	stream.indirect.gather [spmem:s3], $0x80, s21, s8, $0xb8;
	[tilespmem:$0x1EA00] =	vst v63  }
0x440: {  	_ = 	snop  }
0x441: {  	[tilespmem:s16], [sflag:$0x2] =	stream.indirect.gather [spmem:s3], $0x80, s22, s8, $0xb8;
	[tilespmem:$0x1EA00] =	vst v63  }
0x442: {  	_ =	swait.ge [sflag:s13], $0x4000  }
0x443: {  	[sflag:s13] =	ssyncset.done $0x0  }
0x444: {  	[sflag:s13] =	ssyncadd.s32 $0xFFFFC000  }
0x445: {  	_ =	swait.ge [sflag:s13], $0x4000  }
0x446: {  	[sflag:s13] =	ssyncset.done $0x0  }
0x447: {  	s24 =	rddreg [dreg:$0x1a];
	[sflag:s13] =	ssyncadd.s32 $0xFFFFC000  }
0x448: {  	[hbm4b:s24+s2] =	stream.linear.scatter [tilespmem:s7], [sflag:$0x6], $0x8000, $0x38;
	[tilespmem:$0x1EA00] =	vst v63  }
0x449: {  	_ =	swait.ge [sflag:s11], $0x8000  }
0x44a: {  	[sflag:s11] =	ssyncset.done $0x0  }
0x44b: {  	[sflag:s11] =	ssyncadd.s32 $0xFFFF8000  }
0x44c: {  	[tilespmem:s7], [sflag:$0x3] =	stream.indirect.gather [spmem:s3], $0x80, s19, s8, $0xb8;
	[tilespmem:$0x1EA00] =	vst v63  }
0x44d: {  	_ = 	snop  }
0x44e: {  	[tilespmem:s15], [sflag:$0x3] =	stream.indirect.gather [spmem:s3], $0x80, s20, s8, $0xb8;
	[tilespmem:$0x1EA00] =	vst v63  }
0x44f: {  	_ =	swait.ge [sflag:s6], $0x4000  }
0x450: {  	[sflag:s6] =	ssyncset.done $0x0  }
0x451: {  	[sflag:s6] =	ssyncadd.s32 $0xFFFFC000  }
0x452: {  	_ =	swait.ge [sflag:s6], $0x4000  }
0x453: {  	[sflag:s6] =	ssyncset.done $0x0  }
0x454: {  	s25 =	rddreg [dreg:$0x1b];
	[sflag:s6] =	ssyncadd.s32 $0xFFFFC000  }
0x455: {  	[hbm4b:s25+s2] =	stream.linear.scatter [tilespmem:s5], [sflag:$0x4], $0x8000, $0x38;
	[tilespmem:$0x1EA00] =	vst v63  }
0x456: {  	_ =	swait.ge [sflag:s4], $0x8000  }
0x457: {  	[sflag:s4] =	ssyncset.done $0x0  }
0x458: {  	[sflag:s4] =	ssyncadd.s32 $0xFFFF8000  }
0x459: {  	[tilespmem:s5], [sflag:$0x1] =	stream.indirect.gather [spmem:s3], $0x80, s17, s8, $0xb8;
	[tilespmem:$0x1EA00] =	vst v63  }
0x45a: {  	_ = 	snop  }
0x45b: {  	[tilespmem:s12], [sflag:$0x1] =	stream.indirect.gather [spmem:s3], $0x80, s18, s8, $0xb8;
	[tilespmem:$0x1EA00] =	vst v63  }
0x45c: {  	_ =	swait.ge [sflag:s14], $0x4000  }
0x45d: {  	[sflag:s14] =	ssyncset.done $0x0  }
0x45e: {  	[sflag:s14] =	ssyncadd.s32 $0xFFFFC000  }
0x45f: {  	_ =	swait.ge [sflag:s14], $0x4000  }
0x460: {  	[sflag:s14] =	ssyncset.done $0x0  }
0x461: {  	s26 =	rddreg [dreg:$0x1c];
	[sflag:s14] =	ssyncadd.s32 $0xFFFFC000  }
0x462: {  	[hbm4b:s26+s2] =	stream.linear.scatter [tilespmem:s10], [sflag:$0x5], $0x8000, $0x38;
	[tilespmem:$0x1EA00] =	vst v63  }
0x463: {  	_ =	swait.ge [sflag:s13], $0x4000  }
0x464: {  	[sflag:s13] =	ssyncset.done $0x0  }
0x465: {  	[sflag:s13] =	ssyncadd.s32 $0xFFFFC000  }
0x466: {  	_ =	swait.ge [sflag:s13], $0x4000  }
0x467: {  	[sflag:s13] =	ssyncset.done $0x0  }
0x468: {  	s28 =	rddreg [dreg:$0x1d];
	[sflag:s13] =	ssyncadd.s32 $0xFFFFC000  }
0x469: {  	[hbm4b:s28+s2] =	stream.linear.scatter [tilespmem:s7], [sflag:$0x6], $0x8000, $0x38;
	[tilespmem:$0x1EA00] =	vst v63  }
0x46a: {  	_ =	swait.ge [sflag:s6], $0x4000  }
0x46b: {  	[sflag:s6] =	ssyncset.done $0x0  }
0x46c: {  	[sflag:s6] =	ssyncadd.s32 $0xFFFFC000  }
0x46d: {  	_ =	swait.ge [sflag:s6], $0x4000  }
0x46e: {  	[sflag:s6] =	ssyncset.done $0x0  }
0x46f: {  	s30 =	rddreg [dreg:$0x1e];
	[sflag:s6] =	ssyncadd.s32 $0xFFFFC000  }
0x470: {  	[hbm4b:s30+s2] =	stream.linear.scatter [tilespmem:s5], [sflag:$0x4], $0x8000, $0x38;
	[tilespmem:$0x1EA00] =	vst v63  }
0x471: {  	_ =	swait.ge [sflag:s9], $0x8000  }
0x472: {  	[sflag:s9] =	ssyncset.done $0x0  }
0x473: {  	[sflag:s9] =	ssyncadd.s32 $0xFFFF8000  }
0x474: {  	_ =	swait.ge [sflag:s11], $0x8000  }
0x475: {  	[sflag:s11] =	ssyncset.done $0x0  }
0x476: {  	[sflag:s11] =	ssyncadd.s32 $0xFFFF8000  }
0x477: {  	_ =	swait.ge [sflag:s4], $0x8000  }
0x478: {  	[sflag:s4] =	ssyncset.done $0x0  }
0x479: {  	[sflag:s4] =	ssyncadd.s32 $0xFFFF8000  }
0x47a: {  	_ =	sfence.sel $0x180000  }
0x47b: {  	[bflag:$0x0] =	sbarrier.arrive $0xFFFF  }
0x47c: {  	p0 =	sne.s32 s29, $0x0;
	_ =	strace $0x90000047  }
0x47d: {  	s0 =	sadd.s32 @!p0 $0x100000, s31;
	[bflag:$0x2] =	sbarrier.arrive $0xFFFF  }
0x47e: {  	[sflag:s0] =	ssyncadd.tile.s32 @!p0 $0x1;
	_ =	shalt  }
.LBB2_2:
.Ltmp3:
0x47f: {  	(pc) =	sbr.rel .LBB2_5-.Ltmp3, $3  }
0x480: {  	_ =	sdelay $0x1  }
0x481: {  	s0 =	rddreg [dreg:$0x3]  }
0x482: {  	s29 =	stileid.u32;
	s30 =	sld [smem:$0x7D7]  }
.Lfunc_end2:
_tile_overlayer_lowered:
.L_overlay_start_2:
0x483: {  	(tag) =	ssettag $0x2  }
0x484: {  	s0 =	rddreg [dreg:$0x0];
	s2 =	stileid.u32  }
0x485: {  	s1 =	rddreg [dreg:$0x1];
	p0 =	sne.s32 s2, $0x0  }
0x486: {  	s3 =	rddreg [dreg:$0x2];
	[bflag:$0x3] =	sbarrier.arrive $0xFFFF;
	s2 =	simm.s32 @!p0 $0x1C07  }
0x487: {  	[timem:s3], [sflag:s2] =	dma.local @!p0 [hbm:s0], s1  }
0x488: {  	s0 =	simm.s32 @!p0 $0x7  }
0x489: {  	_ =	swait.ge @!p0 [sflag:s0], s1  }
0x48a: {  	s1 =	ssub.s32 @!p0 $0x0, s1;
	[sflag:s0] =	ssyncset.done @!p0 $0x0  }
0x48b: {  	[sflag:s0] =	ssyncadd.s32 @!p0 s1  }
0x48c: {  	[bflag:$0x3] =	sbarrier.arrive $0xFFFF  }
0x48d: {  	_ =	shalt  }

</sc_bundles>
